<compile_context>
chip_gen: v7x
topology: tpu7x:2x2x1
jax: 0.10.2.dev20260603
libtpu: 0.0.44.dev20260713+nightly
codegen_flags: <defaults>
</compile_context>

<pallas_src>
import functools

import jax
import jax.numpy as jnp
from jax import lax
from jax.experimental import pallas as pl
from jax.experimental.pallas import tpu as pltpu
from jax.experimental.pallas import tpu_sc as plsc

N, D = 50000, 512
M = 7500
SD, VD = 6, 256
SDP = 8

NC, NS = 2, 16
NW = NC * NS
MP = 7680
BPW = MP // NW
CH = 48
NCH = BPW // CH
NPAD = 53248
FPT = NPAD // NW
SLAB = 1568
NROWS = NW * SLAB
PPT = MP * SDP // NS

BM = 512
RSEL = 512


def _flags_body(idx_hbm, f_hbm, idx_all, fseg):
    c = lax.axis_index("c")
    s = lax.axis_index("s")
    wid = s * NC + c
    lo = wid * FPT

    pltpu.sync_copy(idx_hbm, idx_all)

    zf = jnp.zeros((16,), jnp.float32)

    def zbody(i, carry):
        fseg[pl.ds(i * 16, 16)] = zf
        return carry

    lax.fori_loop(0, FPT // 16, zbody, 0)

    ones = jnp.full((16,), 1.0, jnp.float32)

    def obody(i, carry):
        v = idx_all[pl.ds(i * 16, 16)]
        m = (v >= lo) & (v < lo + FPT)
        plsc.store_scatter(fseg, [v - lo], ones, mask=m)
        return carry

    lax.fori_loop(0, MP // 16, obody, 0)
    pltpu.sync_copy(fseg, f_hbm.at[0, pl.ds(lo, FPT)])


_flags_call = functools.partial(
    pl.kernel,
    out_type=jax.ShapeDtypeStruct((1, NPAD), jnp.float32),
    mesh=plsc.VectorSubcoreMesh(
        core_axis_name="c", subcore_axis_name="s",
        num_cores=NC, num_subcores=NS),
    compiler_params=pltpu.CompilerParams(needs_layout_passes=False),
    scratch_types=[
        pltpu.VMEM((MP,), jnp.int32),
        pltpu.VMEM((FPT,), jnp.float32),
    ],
)(_flags_body)


def _gather_body(idx_hbm, emb_hbm, svd_hbm,
                 h_hbm, svdg_hbm,
                 idx_v, emb_v, svd_v, gsems, wsems):
    c = lax.axis_index("c")
    s = lax.axis_index("s")
    wid = s * NC + c
    base = wid * BPW

    pltpu.sync_copy(idx_hbm.at[pl.ds(base, BPW)], idx_v)

    srcs = (emb_hbm, svd_hbm)
    bufs = (emb_v, svd_v)
    outs = (h_hbm, svdg_hbm)
    gdesc = [[None, None] for _ in range(2)]
    wdesc = [[None, None] for _ in range(2)]

    def start_gathers(j):
        b = j % 2
        idx_c = idx_v.at[pl.ds(j * CH, CH)]
        for a in range(2):
            gdesc[a][b] = pltpu.async_copy(
                srcs[a].at[idx_c], bufs[a].at[b], gsems.at[a, b])

    def start_writes(j):
        b = j % 2
        dst = pl.ds(base + j * CH, CH)
        for a in range(2):
            gdesc[a][b].wait()
            wdesc[a][b] = pltpu.async_copy(
                bufs[a].at[b], outs[a].at[dst], wsems.at[a, b])

    for j in range(NCH):
        b = j % 2
        if j >= 2:
            for a in range(2):
                wdesc[a][b].wait()
        start_gathers(j)
        if j >= 1:
            start_writes(j - 1)
    start_writes(NCH - 1)
    for a in range(2):
        wdesc[a][(NCH - 2) % 2].wait()
        wdesc[a][(NCH - 1) % 2].wait()


_gather_call = functools.partial(
    pl.kernel,
    out_type=(
        jax.ShapeDtypeStruct((MP, D), jnp.float32),
        jax.ShapeDtypeStruct((MP, VD), jnp.float32),
    ),
    mesh=plsc.VectorSubcoreMesh(
        core_axis_name="c", subcore_axis_name="s",
        num_cores=NC, num_subcores=NS),
    compiler_params=pltpu.CompilerParams(needs_layout_passes=False),
    scratch_types=[
        pltpu.VMEM((BPW,), jnp.int32),
        pltpu.VMEM((2, CH, D), jnp.float32),
        pltpu.VMEM((2, CH, VD), jnp.float32),
        pltpu.SemaphoreType.DMA((2, 2)),
        pltpu.SemaphoreType.DMA((2, 2)),
    ],
)(_gather_body)


PR = MP * SDP // 128
PRT = PR // NS
AC = 5
AW = 96


def _struct_body(idx_hbm, strs_hbm, strga_hbm, strgb_hbm,
                 idx_all, slab, part, iden, shared):
    c = lax.axis_index("c")
    s = lax.axis_index("s")
    wid = s * NC + c
    lo = wid * SLAB

    pltpu.sync_copy(idx_hbm, idx_all)
    pltpu.sync_copy(strs_hbm.at[pl.ds(lo * SD, SLAB * SD)], slab)

    zf = jnp.zeros((16,), jnp.float32)
    lane = lax.iota(jnp.int32, 16)

    def zbody(i, carry):
        for u in range(8):
            part[i, pl.ds(u * 16, 16)] = zf
        return carry

    lax.fori_loop(0, PR, zbody, 0)
    for j in range(AC):
        for t in range(AW // 16):
            iden[j, pl.ds(t * 16, 16)] = lane + j * AW + t * 16

    pltpu.sync_copy(part.at[pl.ds(s * PRT, PRT)],
                    shared.at[pl.ds(s * PRT, PRT)])

    def obody(i, carry):
        v = idx_all[pl.ds(i * 16, 16)]
        m = (v >= lo) & (v < lo + SLAB)
        local = jnp.clip(v - lo, 0, SLAB - 1) * SD
        pos = (lane + i * 16) * SDP
        for k in range(SD):
            p = pos + k
            vals = plsc.load_gather(slab, [local + k], mask=m)
            plsc.store_scatter(part, [p >> 7, p & 127], vals, mask=m)
        return carry

    lax.fori_loop(0, MP // 16, obody, 0)

    plsc.subcore_barrier()
    for j in range(AC):
        pltpu.sync_copy(part.at[pl.ds(j * AW, AW)],
                        shared.at[iden.at[j]], add=True)
    plsc.subcore_barrier()

    @pl.when(s == 0)
    def _():
        @pl.when(c == 0)
        def _():
            pltpu.sync_copy(shared, strga_hbm)

        @pl.when(c == 1)
        def _():
            pltpu.sync_copy(shared, strgb_hbm)


_struct_call = functools.partial(
    pl.kernel,
    out_type=(
        jax.ShapeDtypeStruct((PR, 128), jnp.float32),
        jax.ShapeDtypeStruct((PR, 128), jnp.float32),
    ),
    mesh=plsc.VectorSubcoreMesh(
        core_axis_name="c", subcore_axis_name="s",
        num_cores=NC, num_subcores=NS),
    compiler_params=pltpu.CompilerParams(needs_layout_passes=False),
    scratch_types=[
        pltpu.VMEM((MP,), jnp.int32),
        pltpu.VMEM((SLAB * SD,), jnp.float32),
        pltpu.VMEM((PR, 128), jnp.float32),
        pltpu.VMEM((AC, AW), jnp.int32),
        pltpu.VMEM_SHARED((PR, 128), jnp.float32),
    ],
)(_struct_body)


def _sel_body(node_ref, f_ref, tok_ref, out_ref):
    flag = f_ref[...]
    ri = lax.broadcasted_iota(jnp.int32, (RSEL, RSEL), 0)
    ci = lax.broadcasted_iota(jnp.int32, (RSEL, RSEL), 1)
    fcol = jnp.sum(jnp.where(ri == ci, flag, 0.0), axis=1, keepdims=True)
    out_ref[...] = jnp.where(fcol > 0.0, tok_ref[...], node_ref[...])


def _select(node_input, f, mask_token):
    return pl.pallas_call(
        _sel_body,
        grid=(pl.cdiv(N, RSEL),),
        in_specs=[
            pl.BlockSpec((RSEL, D), lambda i: (i, 0)),
            pl.BlockSpec((1, RSEL), lambda i: (0, i)),
            pl.BlockSpec((1, D), lambda i: (0, 0)),
        ],
        out_specs=pl.BlockSpec((RSEL, D), lambda i: (i, 0)),
        out_shape=jax.ShapeDtypeStruct((N, D), jnp.float32),
    )(node_input, f, mask_token)


def _loss_body(h_ref, w1_ref, b1_ref, w2s_ref, b2s_ref, w2v_ref, b2v_ref,
               strga_ref, strgb_ref, svdg_ref, out_ref):
    i = pl.program_id(0)

    h1 = jnp.dot(h_ref[...], w1_ref[...], preferred_element_type=jnp.float32)
    h1 = jnp.maximum(h1 + b1_ref[...], 0.0)
    pred_s = jnp.dot(h1, w2s_ref[...], preferred_element_type=jnp.float32)
    pred_s = pred_s + b2s_ref[...]
    pred_v = jnp.dot(h1, w2v_ref[...], preferred_element_type=jnp.float32)
    pred_v = pred_v + b2v_ref[...]

    ds_ = pred_s - (strga_ref[...] + strgb_ref[...])
    dv_ = pred_v - svdg_ref[...]
    rows = i * BM + lax.broadcasted_iota(jnp.int32, (BM, 1), 0)
    valid = rows < M
    part = (jnp.sum(jnp.where(valid, ds_ * ds_, 0.0))
            + jnp.sum(jnp.where(valid, dv_ * dv_, 0.0)))

    @pl.when(i == 0)
    def _():
        out_ref[0, 0] = 0.0

    out_ref[0, 0] += part

    @pl.when(i == pl.num_programs(0) - 1)
    def _():
        out_ref[0, 0] = out_ref[0, 0] * (1.0 / (M * (SD + VD)))


def _loss(h, w1, b1, w2s, b2s, w2v, b2v, strga, strgb, svdg):
    return pl.pallas_call(
        _loss_body,
        grid=(MP // BM,),
        in_specs=[
            pl.BlockSpec((BM, D), lambda i: (i, 0)),
            pl.BlockSpec((D, D), lambda i: (0, 0)),
            pl.BlockSpec((1, D), lambda i: (0, 0)),
            pl.BlockSpec((D, SDP), lambda i: (0, 0)),
            pl.BlockSpec((1, SDP), lambda i: (0, 0)),
            pl.BlockSpec((D, VD), lambda i: (0, 0)),
            pl.BlockSpec((1, VD), lambda i: (0, 0)),
            pl.BlockSpec((BM, SDP), lambda i: (i, 0)),
            pl.BlockSpec((BM, SDP), lambda i: (i, 0)),
            pl.BlockSpec((BM, VD), lambda i: (i, 0)),
        ],
        out_specs=pl.BlockSpec(memory_space=pltpu.SMEM),
        out_shape=jax.ShapeDtypeStruct((1, 1), jnp.float32),
    )(h, w1, b1, w2s, b2s, w2v, b2v, strga, strgb, svdg)


def kernel(node_input, embeddings, mask_idx, struct_target, svd_target,
           mask_token, W1, b1, W2, b2):
    idx = mask_idx.astype(jnp.int32)
    idx_p = jnp.concatenate([idx, jnp.broadcast_to(idx[:1], (MP - M,))])
    strs = jnp.pad(struct_target, ((0, NROWS - N), (0, 0))).reshape(-1)

    f = _flags_call(idx_p)
    h, svdg = _gather_call(idx_p, embeddings, svd_target)
    strga, strgb = _struct_call(idx_p, strs)

    masked = _select(node_input, f, mask_token)

    w2s = jnp.pad(W2[:, :SD], ((0, 0), (0, SDP - SD)))
    b2s = jnp.pad(b2[:SD], (0, SDP - SD)).reshape(1, SDP)
    loss = _loss(h, W1, b1.reshape(1, D), w2s, b2s,
                 W2[:, SD:], b2[SD:].reshape(1, VD),
                 strga.reshape(MP, SDP), strgb.reshape(MP, SDP), svdg)
    return masked, loss[0, 0]

# --- scband reference (transcript-rebuilt; emitter-appended) ---
"""Pipeline reference for scband-masked-feature-head-43293270343898 (READ-ONLY COPY).

The authoritative reference and input builder live on the scoring server;
editing this copy changes nothing except your own understanding.
"""

import jax, jax.numpy as jnp
import numpy as np

N, D = 50000, 512
M = 7500
STRUCT_DIM, SVD_DIM = 6, 256


def setup_inputs(seed: int = 0) -> dict:
    key = jax.random.key(seed)
    ks = jax.random.split(key, 10)
    node_input = jax.random.normal(ks[0], (N, D), dtype=jnp.float32)
    embeddings = jax.random.normal(ks[1], (N, D), dtype=jnp.float32)
    mask_idx = jax.random.randint(ks[2], (M,), 0, N)
    struct_target = jax.random.normal(ks[3], (N, STRUCT_DIM), dtype=jnp.float32)
    svd_target = jax.random.normal(ks[4], (N, SVD_DIM), dtype=jnp.float32)
    # learned parameters
    mask_token = jax.random.normal(ks[5], (1, D), dtype=jnp.float32) * 0.02
    W1 = jax.random.normal(ks[6], (D, D), dtype=jnp.float32) * (1.0 / np.sqrt(D))
    b1 = jnp.zeros((D,), dtype=jnp.float32)
    W2 = jax.random.normal(ks[7], (D, STRUCT_DIM + SVD_DIM), dtype=jnp.float32) * (1.0 / np.sqrt(D))
    b2 = jnp.zeros((STRUCT_DIM + SVD_DIM,), dtype=jnp.float32)
    return {
        "node_input": node_input,
        "embeddings": embeddings,
        "mask_idx": mask_idx,
        "struct_target": struct_target,
        "svd_target": svd_target,
        "mask_token": mask_token,
        "W1": W1,
        "b1": b1,
        "W2": W2,
        "b2": b2,
    }


def reference(node_input, embeddings, mask_idx, struct_target, svd_target, mask_token, W1, b1, W2, b2):
    # apply_mask: scatter-overwrite masked rows with the learnable [MASK] token
    masked = node_input.at[mask_idx].set(mask_token[0])
    # loss: MLP over embeddings gathered at masked positions, MSE vs (struct, svd) targets
    h = jnp.take(embeddings, mask_idx, axis=0)
    h = jax.nn.relu(h @ W1 + b1)
    pred = h @ W2 + b2
    target = jnp.concatenate(
        [jnp.take(struct_target, mask_idx, axis=0), jnp.take(svd_target, mask_idx, axis=0)],
        axis=1,
    )
    loss = jnp.mean((pred - target) ** 2)
    return (masked, loss)

if __name__ == "__main__":
    import jax
    _d = setup_inputs()
    print(jax.jit(kernel)(*tuple(_d.values())))

</pallas_src>

<mosaic_0001>
#map = affine_map<(d0, d1) -> (0)>
#map1 = affine_map<(d0, d1) -> (0, 0)>
module attributes {stable_mosaic.version = 14 : i64} {
  func.func @_gather_body(%arg0: i32, %arg1: i32, %arg2: memref<7680xi32, #tpu.memory_space<hbm>>, %arg3: memref<50000x512xf32, #tpu.memory_space<hbm>>, %arg4: memref<50000x256xf32, #tpu.memory_space<hbm>>, %arg5: memref<7680x512xf32, #tpu.memory_space<hbm>>, %arg6: memref<7680x256xf32, #tpu.memory_space<hbm>>, %arg7: memref<240xi32, #tpu.memory_space<vmem>>, %arg8: memref<2x48x512xf32, #tpu.memory_space<vmem>>, %arg9: memref<2x48x256xf32, #tpu.memory_space<vmem>>, %arg10: memref<2x2x!tpu.dma_semaphore, #tpu.memory_space<semaphore_mem>>, %arg11: memref<2x2x!tpu.dma_semaphore, #tpu.memory_space<semaphore_mem>>) attributes {dimension_semantics = [#tpu.dimension_semantics<core_parallel>, #tpu.dimension_semantics<subcore_parallel>], iteration_bounds = array<i64: 2, 16>, scalar_prefetch = 0 : i64, scratch_operands = 5 : i64, tpu.core_type = #tpu.core_type<sc_vector_subcore>, window_params = [{transform_indices = #map}, {transform_indices = #map1}, {transform_indices = #map1}, {transform_indices = #map1}, {transform_indices = #map1}]} {
    %mul3A = arith.constant 2 : i32
    %mul3A_0 = arith.muli %arg1, %mul3A : i32
    %add3A = arith.addi %mul3A_0, %arg0 : i32
    %mul3A_1 = arith.constant 240 : i32
    %mul3A_2 = arith.muli %add3A, %mul3A_1 : i32
    "tpu.region"() ({
      %run_scoped3A = tpu.sem_alloc : memref<!tpu.dma_semaphore, #tpu.memory_space<semaphore_mem>>
      %dma_start3A_631 = tpu.memref_slice %arg2[%mul3A_2] : memref<7680xi32, #tpu.memory_space<hbm>> -> memref<240xi32, #tpu.memory_space<hbm>>
      %dma_start3A_632 = tpu.memref_slice %arg2[%mul3A_2] : memref<7680xi32, #tpu.memory_space<hbm>> -> memref<240xi32, #tpu.memory_space<hbm>>
      tpu.enqueue_dma source(%dma_start3A_632 : memref<240xi32, #tpu.memory_space<hbm>>) target(%arg7 : memref<240xi32, #tpu.memory_space<vmem>>) target_semaphore(%run_scoped3A : memref<!tpu.dma_semaphore, #tpu.memory_space<semaphore_mem>>)
      %dma_wait3A_633 = tpu.memref_slice %arg2[%mul3A_2] : memref<7680xi32, #tpu.memory_space<hbm>> -> memref<240xi32, #tpu.memory_space<hbm>>
      %dma_wait3A_634 = tpu.memref_slice %arg2[%mul3A_2] : memref<7680xi32, #tpu.memory_space<hbm>> -> memref<240xi32, #tpu.memory_space<hbm>>
      tpu.wait_dma2 semaphore(%run_scoped3A : memref<!tpu.dma_semaphore, #tpu.memory_space<semaphore_mem>>) src(%dma_wait3A_634 : memref<240xi32, #tpu.memory_space<hbm>>) dst(%arg7 : memref<240xi32, #tpu.memory_space<vmem>>)
      tpu.yield
    }) : () -> ()
    %dma_start3A = arith.constant 0 : i32
    %dma_start3A_3 = arith.constant 0 : i32
    %dma_start3A_4 = arith.constant 0 : i32
    %dma_start3A_5 = arith.constant 0 : i32
    %dma_start3A_6 = arith.constant 0 : i32
    %dma_start3A_7 = tpu.memref_slice %arg8[%dma_start3A, %dma_start3A_5, %dma_start3A_6] : memref<2x48x512xf32, #tpu.memory_space<vmem>> -> memref<1x48x512xf32, #tpu.memory_space<vmem>>
    %dma_start3A_8 = tpu.memref_squeeze %dma_start3A_7 : memref<1x48x512xf32, #tpu.memory_space<vmem>> -> memref<48x512xf32, #tpu.memory_space<vmem>>
    %dma_start3A_9 = arith.constant 0 : i32
    %dma_start3A_10 = tpu.memref_slice %arg7[%dma_start3A_9] : memref<240xi32, #tpu.memory_space<vmem>> -> memref<48xi32, #tpu.memory_space<vmem>>
    %dma_start3A_11 = arith.constant 0 : i32
    %dma_start3A_12 = arith.constant 0 : i32
    %dma_start3A_13 = tpu.memref_slice %arg3[%dma_start3A_11, %dma_start3A_12] : memref<50000x512xf32, #tpu.memory_space<hbm>> -> memref<50000x512xf32, #tpu.memory_space<hbm>>
    %dma_start3A_14 = tpu.memref_slice %arg10[%dma_start3A_3, %dma_start3A_4] : memref<2x2x!tpu.dma_semaphore, #tpu.memory_space<semaphore_mem>> -> memref<1x1x!tpu.dma_semaphore, #tpu.memory_space<semaphore_mem>>
    %dma_start3A_15 = tpu.memref_squeeze %dma_start3A_14 : memref<1x1x!tpu.dma_semaphore, #tpu.memory_space<semaphore_mem>> -> memref<!tpu.dma_semaphore, #tpu.memory_space<semaphore_mem>>
    tpu.enqueue_indirect_dma source(%dma_start3A_13 : memref<50000x512xf32, #tpu.memory_space<hbm>>) target(%dma_start3A_8 : memref<48x512xf32, #tpu.memory_space<vmem>>) offsets(%dma_start3A_10 : memref<48xi32, #tpu.memory_space<vmem>>) semaphore(%dma_start3A_15 : memref<!tpu.dma_semaphore, #tpu.memory_space<semaphore_mem>>)
    %dma_start3A_16 = arith.constant 0 : i32
    %dma_start3A_17 = arith.constant 1 : i32
    %dma_start3A_18 = arith.constant 0 : i32
    %dma_start3A_19 = arith.constant 0 : i32
    %dma_start3A_20 = arith.constant 0 : i32
    %dma_start3A_21 = tpu.memref_slice %arg9[%dma_start3A_16, %dma_start3A_19, %dma_start3A_20] : memref<2x48x256xf32, #tpu.memory_space<vmem>> -> memref<1x48x256xf32, #tpu.memory_space<vmem>>
    %dma_start3A_22 = tpu.memref_squeeze %dma_start3A_21 : memref<1x48x256xf32, #tpu.memory_space<vmem>> -> memref<48x256xf32, #tpu.memory_space<vmem>>
    %dma_start3A_23 = arith.constant 0 : i32
    %dma_start3A_24 = tpu.memref_slice %arg7[%dma_start3A_23] : memref<240xi32, #tpu.memory_space<vmem>> -> memref<48xi32, #tpu.memory_space<vmem>>
    %dma_start3A_25 = arith.constant 0 : i32
    %dma_start3A_26 = arith.constant 0 : i32
    %dma_start3A_27 = tpu.memref_slice %arg4[%dma_start3A_25, %dma_start3A_26] : memref<50000x256xf32, #tpu.memory_space<hbm>> -> memref<50000x256xf32, #tpu.memory_space<hbm>>
    %dma_start3A_28 = tpu.memref_slice %arg10[%dma_start3A_17, %dma_start3A_18] : memref<2x2x!tpu.dma_semaphore, #tpu.memory_space<semaphore_mem>> -> memref<1x1x!tpu.dma_semaphore, #tpu.memory_space<semaphore_mem>>
    %dma_start3A_29 = tpu.memref_squeeze %dma_start3A_28 : memref<1x1x!tpu.dma_semaphore, #tpu.memory_space<semaphore_mem>> -> memref<!tpu.dma_semaphore, #tpu.memory_space<semaphore_mem>>
    tpu.enqueue_indirect_dma source(%dma_start3A_27 : memref<50000x256xf32, #tpu.memory_space<hbm>>) target(%dma_start3A_22 : memref<48x256xf32, #tpu.memory_space<vmem>>) offsets(%dma_start3A_24 : memref<48xi32, #tpu.memory_space<vmem>>) semaphore(%dma_start3A_29 : memref<!tpu.dma_semaphore, #tpu.memory_space<semaphore_mem>>)
    %dma_start3A_30 = arith.constant 1 : i32
    %dma_start3A_31 = arith.constant 0 : i32
    %dma_start3A_32 = arith.constant 1 : i32
    %dma_start3A_33 = arith.constant 0 : i32
    %dma_start3A_34 = arith.constant 0 : i32
    %dma_start3A_35 = tpu.memref_slice %arg8[%dma_start3A_30, %dma_start3A_33, %dma_start3A_34] : memref<2x48x512xf32, #tpu.memory_space<vmem>> -> memref<1x48x512xf32, #tpu.memory_space<vmem>>
    %dma_start3A_36 = tpu.memref_squeeze %dma_start3A_35 : memref<1x48x512xf32, #tpu.memory_space<vmem>> -> memref<48x512xf32, #tpu.memory_space<vmem>>
    %dma_start3A_37 = arith.constant 48 : i32
    %dma_start3A_38 = tpu.memref_slice %arg7[%dma_start3A_37] : memref<240xi32, #tpu.memory_space<vmem>> -> memref<48xi32, #tpu.memory_space<vmem>>
    %dma_start3A_39 = arith.constant 0 : i32
    %dma_start3A_40 = arith.constant 0 : i32
    %dma_start3A_41 = tpu.memref_slice %arg3[%dma_start3A_39, %dma_start3A_40] : memref<50000x512xf32, #tpu.memory_space<hbm>> -> memref<50000x512xf32, #tpu.memory_space<hbm>>
    %dma_start3A_42 = tpu.memref_slice %arg10[%dma_start3A_31, %dma_start3A_32] : memref<2x2x!tpu.dma_semaphore, #tpu.memory_space<semaphore_mem>> -> memref<1x1x!tpu.dma_semaphore, #tpu.memory_space<semaphore_mem>>
    %dma_start3A_43 = tpu.memref_squeeze %dma_start3A_42 : memref<1x1x!tpu.dma_semaphore, #tpu.memory_space<semaphore_mem>> -> memref<!tpu.dma_semaphore, #tpu.memory_space<semaphore_mem>>
    tpu.enqueue_indirect_dma source(%dma_start3A_41 : memref<50000x512xf32, #tpu.memory_space<hbm>>) target(%dma_start3A_36 : memref<48x512xf32, #tpu.memory_space<vmem>>) offsets(%dma_start3A_38 : memref<48xi32, #tpu.memory_space<vmem>>) semaphore(%dma_start3A_43 : memref<!tpu.dma_semaphore, #tpu.memory_space<semaphore_mem>>)
    %dma_start3A_44 = arith.constant 1 : i32
    %dma_start3A_45 = arith.constant 1 : i32
    %dma_start3A_46 = arith.constant 1 : i32
    %dma_start3A_47 = arith.constant 0 : i32
    %dma_start3A_48 = arith.constant 0 : i32
    %dma_start3A_49 = tpu.memref_slice %arg9[%dma_start3A_44, %dma_start3A_47, %dma_start3A_48] : memref<2x48x256xf32, #tpu.memory_space<vmem>> -> memref<1x48x256xf32, #tpu.memory_space<vmem>>
    %dma_start3A_50 = tpu.memref_squeeze %dma_start3A_49 : memref<1x48x256xf32, #tpu.memory_space<vmem>> -> memref<48x256xf32, #tpu.memory_space<vmem>>
    %dma_start3A_51 = arith.constant 48 : i32
    %dma_start3A_52 = tpu.memref_slice %arg7[%dma_start3A_51] : memref<240xi32, #tpu.memory_space<vmem>> -> memref<48xi32, #tpu.memory_space<vmem>>
    %dma_start3A_53 = arith.constant 0 : i32
    %dma_start3A_54 = arith.constant 0 : i32
    %dma_start3A_55 = tpu.memref_slice %arg4[%dma_start3A_53, %dma_start3A_54] : memref<50000x256xf32, #tpu.memory_space<hbm>> -> memref<50000x256xf32, #tpu.memory_space<hbm>>
    %dma_start3A_56 = tpu.memref_slice %arg10[%dma_start3A_45, %dma_start3A_46] : memref<2x2x!tpu.dma_semaphore, #tpu.memory_space<semaphore_mem>> -> memref<1x1x!tpu.dma_semaphore, #tpu.memory_space<semaphore_mem>>
    %dma_start3A_57 = tpu.memref_squeeze %dma_start3A_56 : memref<1x1x!tpu.dma_semaphore, #tpu.memory_space<semaphore_mem>> -> memref<!tpu.dma_semaphore, #tpu.memory_space<semaphore_mem>>
    tpu.enqueue_indirect_dma source(%dma_start3A_55 : memref<50000x256xf32, #tpu.memory_space<hbm>>) target(%dma_start3A_50 : memref<48x256xf32, #tpu.memory_space<vmem>>) offsets(%dma_start3A_52 : memref<48xi32, #tpu.memory_space<vmem>>) semaphore(%dma_start3A_57 : memref<!tpu.dma_semaphore, #tpu.memory_space<semaphore_mem>>)
    %add3A_58 = arith.constant 0 : i32
    %add3A_59 = arith.addi %mul3A_2, %add3A_58 : i32
    %dma_wait3A = arith.constant 0 : i32
    %dma_wait3A_60 = arith.constant 0 : i32
    %dma_wait3A_61 = arith.constant 0 : i32
    %dma_wait3A_62 = arith.constant 0 : i32
    %dma_wait3A_63 = arith.constant 0 : i32
    %dma_wait3A_64 = tpu.memref_slice %arg8[%dma_wait3A, %dma_wait3A_62, %dma_wait3A_63] : memref<2x48x512xf32, #tpu.memory_space<vmem>> -> memref<1x48x512xf32, #tpu.memory_space<vmem>>
    %dma_wait3A_65 = tpu.memref_squeeze %dma_wait3A_64 : memref<1x48x512xf32, #tpu.memory_space<vmem>> -> memref<48x512xf32, #tpu.memory_space<vmem>>
    %dma_wait3A_66 = arith.constant 0 : i32
    %dma_wait3A_67 = tpu.memref_slice %arg7[%dma_wait3A_66] : memref<240xi32, #tpu.memory_space<vmem>> -> memref<48xi32, #tpu.memory_space<vmem>>
    %dma_wait3A_68 = arith.constant 0 : i32
    %dma_wait3A_69 = arith.constant 0 : i32
    %dma_wait3A_70 = tpu.memref_slice %arg3[%dma_wait3A_68, %dma_wait3A_69] : memref<50000x512xf32, #tpu.memory_space<hbm>> -> memref<50000x512xf32, #tpu.memory_space<hbm>>
    %dma_wait3A_71 = tpu.memref_slice %arg10[%dma_wait3A_60, %dma_wait3A_61] : memref<2x2x!tpu.dma_semaphore, #tpu.memory_space<semaphore_mem>> -> memref<1x1x!tpu.dma_semaphore, #tpu.memory_space<semaphore_mem>>
    %dma_wait3A_72 = tpu.memref_squeeze %dma_wait3A_71 : memref<1x1x!tpu.dma_semaphore, #tpu.memory_space<semaphore_mem>> -> memref<!tpu.dma_semaphore, #tpu.memory_space<semaphore_mem>>
    tpu.wait_indirect_dma semaphore(%dma_wait3A_72 : memref<!tpu.dma_semaphore, #tpu.memory_space<semaphore_mem>>) src(%dma_wait3A_70 : memref<50000x512xf32, #tpu.memory_space<hbm>>) dst(%dma_wait3A_65 : memref<48x512xf32, #tpu.memory_space<vmem>>)
    %dma_start3A_73 = arith.constant 0 : i32
    %dma_start3A_74 = arith.constant 0 : i32
    %dma_start3A_75 = arith.constant 0 : i32
    %dma_start3A_76 = arith.constant 0 : i32
    %dma_start3A_77 = arith.constant 0 : i32
    %dma_start3A_78 = tpu.memref_slice %arg8[%dma_start3A_73, %dma_start3A_76, %dma_start3A_77] : memref<2x48x512xf32, #tpu.memory_space<vmem>> -> memref<1x48x512xf32, #tpu.memory_space<vmem>>
    %dma_start3A_79 = tpu.memref_squeeze %dma_start3A_78 : memref<1x48x512xf32, #tpu.memory_space<vmem>> -> memref<48x512xf32, #tpu.memory_space<vmem>>
    %dma_start3A_80 = arith.constant 0 : i32
    %dma_start3A_81 = tpu.memref_slice %arg5[%add3A_59, %dma_start3A_80] : memref<7680x512xf32, #tpu.memory_space<hbm>> -> memref<48x512xf32, #tpu.memory_space<hbm>>
    %dma_start3A_82 = tpu.memref_slice %arg11[%dma_start3A_74, %dma_start3A_75] : memref<2x2x!tpu.dma_semaphore, #tpu.memory_space<semaphore_mem>> -> memref<1x1x!tpu.dma_semaphore, #tpu.memory_space<semaphore_mem>>
    %dma_start3A_83 = tpu.memref_squeeze %dma_start3A_82 : memref<1x1x!tpu.dma_semaphore, #tpu.memory_space<semaphore_mem>> -> memref<!tpu.dma_semaphore, #tpu.memory_space<semaphore_mem>>
    %dma_start3A_84 = arith.constant 0 : i32
    %dma_start3A_85 = tpu.memref_slice %arg5[%add3A_59, %dma_start3A_84] : memref<7680x512xf32, #tpu.memory_space<hbm>> -> memref<48x512xf32, #tpu.memory_space<hbm>>
    %dma_start3A_86 = arith.constant 0 : i32
    %dma_start3A_87 = arith.constant 0 : i32
    %dma_start3A_88 = tpu.memref_slice %arg8[%dma_start3A_73, %dma_start3A_86, %dma_start3A_87] : memref<2x48x512xf32, #tpu.memory_space<vmem>> -> memref<1x48x512xf32, #tpu.memory_space<vmem>>
    %dma_start3A_89 = tpu.memref_squeeze %dma_start3A_88 : memref<1x48x512xf32, #tpu.memory_space<vmem>> -> memref<48x512xf32, #tpu.memory_space<vmem>>
    tpu.enqueue_dma source(%dma_start3A_89 : memref<48x512xf32, #tpu.memory_space<vmem>>) target(%dma_start3A_85 : memref<48x512xf32, #tpu.memory_space<hbm>>) target_semaphore(%dma_start3A_83 : memref<!tpu.dma_semaphore, #tpu.memory_space<semaphore_mem>>)
    %dma_wait3A_90 = arith.constant 0 : i32
    %dma_wait3A_91 = arith.constant 1 : i32
    %dma_wait3A_92 = arith.constant 0 : i32
    %dma_wait3A_93 = arith.constant 0 : i32
    %dma_wait3A_94 = arith.constant 0 : i32
    %dma_wait3A_95 = tpu.memref_slice %arg9[%dma_wait3A_90, %dma_wait3A_93, %dma_wait3A_94] : memref<2x48x256xf32, #tpu.memory_space<vmem>> -> memref<1x48x256xf32, #tpu.memory_space<vmem>>
    %dma_wait3A_96 = tpu.memref_squeeze %dma_wait3A_95 : memref<1x48x256xf32, #tpu.memory_space<vmem>> -> memref<48x256xf32, #tpu.memory_space<vmem>>
    %dma_wait3A_97 = arith.constant 0 : i32
    %dma_wait3A_98 = tpu.memref_slice %arg7[%dma_wait3A_97] : memref<240xi32, #tpu.memory_space<vmem>> -> memref<48xi32, #tpu.memory_space<vmem>>
    %dma_wait3A_99 = arith.constant 0 : i32
    %dma_wait3A_100 = arith.constant 0 : i32
    %dma_wait3A_101 = tpu.memref_slice %arg4[%dma_wait3A_99, %dma_wait3A_100] : memref<50000x256xf32, #tpu.memory_space<hbm>> -> memref<50000x256xf32, #tpu.memory_space<hbm>>
    %dma_wait3A_102 = tpu.memref_slice %arg10[%dma_wait3A_91, %dma_wait3A_92] : memref<2x2x!tpu.dma_semaphore, #tpu.memory_space<semaphore_mem>> -> memref<1x1x!tpu.dma_semaphore, #tpu.memory_space<semaphore_mem>>
    %dma_wait3A_103 = tpu.memref_squeeze %dma_wait3A_102 : memref<1x1x!tpu.dma_semaphore, #tpu.memory_space<semaphore_mem>> -> memref<!tpu.dma_semaphore, #tpu.memory_space<semaphore_mem>>
    tpu.wait_indirect_dma semaphore(%dma_wait3A_103 : memref<!tpu.dma_semaphore, #tpu.memory_space<semaphore_mem>>) src(%dma_wait3A_101 : memref<50000x256xf32, #tpu.memory_space<hbm>>) dst(%dma_wait3A_96 : memref<48x256xf32, #tpu.memory_space<vmem>>)
    %dma_start3A_104 = arith.constant 0 : i32
    %dma_start3A_105 = arith.constant 1 : i32
    %dma_start3A_106 = arith.constant 0 : i32
    %dma_start3A_107 = arith.constant 0 : i32
    %dma_start3A_108 = arith.constant 0 : i32
    %dma_start3A_109 = tpu.memref_slice %arg9[%dma_start3A_104, %dma_start3A_107, %dma_start3A_108] : memref<2x48x256xf32, #tpu.memory_space<vmem>> -> memref<1x48x256xf32, #tpu.memory_space<vmem>>
    %dma_start3A_110 = tpu.memref_squeeze %dma_start3A_109 : memref<1x48x256xf32, #tpu.memory_space<vmem>> -> memref<48x256xf32, #tpu.memory_space<vmem>>
    %dma_start3A_111 = arith.constant 0 : i32
    %dma_start3A_112 = tpu.memref_slice %arg6[%add3A_59, %dma_start3A_111] : memref<7680x256xf32, #tpu.memory_space<hbm>> -> memref<48x256xf32, #tpu.memory_space<hbm>>
    %dma_start3A_113 = tpu.memref_slice %arg11[%dma_start3A_105, %dma_start3A_106] : memref<2x2x!tpu.dma_semaphore, #tpu.memory_space<semaphore_mem>> -> memref<1x1x!tpu.dma_semaphore, #tpu.memory_space<semaphore_mem>>
    %dma_start3A_114 = tpu.memref_squeeze %dma_start3A_113 : memref<1x1x!tpu.dma_semaphore, #tpu.memory_space<semaphore_mem>> -> memref<!tpu.dma_semaphore, #tpu.memory_space<semaphore_mem>>
    %dma_start3A_115 = arith.constant 0 : i32
    %dma_start3A_116 = tpu.memref_slice %arg6[%add3A_59, %dma_start3A_115] : memref<7680x256xf32, #tpu.memory_space<hbm>> -> memref<48x256xf32, #tpu.memory_space<hbm>>
    %dma_start3A_117 = arith.constant 0 : i32
    %dma_start3A_118 = arith.constant 0 : i32
    %dma_start3A_119 = tpu.memref_slice %arg9[%dma_start3A_104, %dma_start3A_117, %dma_start3A_118] : memref<2x48x256xf32, #tpu.memory_space<vmem>> -> memref<1x48x256xf32, #tpu.memory_space<vmem>>
    %dma_start3A_120 = tpu.memref_squeeze %dma_start3A_119 : memref<1x48x256xf32, #tpu.memory_space<vmem>> -> memref<48x256xf32, #tpu.memory_space<vmem>>
    tpu.enqueue_dma source(%dma_start3A_120 : memref<48x256xf32, #tpu.memory_space<vmem>>) target(%dma_start3A_116 : memref<48x256xf32, #tpu.memory_space<hbm>>) target_semaphore(%dma_start3A_114 : memref<!tpu.dma_semaphore, #tpu.memory_space<semaphore_mem>>)
    %dma_wait3A_121 = arith.constant 0 : i32
    %dma_wait3A_122 = arith.constant 0 : i32
    %dma_wait3A_123 = arith.constant 0 : i32
    %dma_wait3A_124 = arith.constant 0 : i32
    %dma_wait3A_125 = arith.constant 0 : i32
    %dma_wait3A_126 = tpu.memref_slice %arg8[%dma_wait3A_121, %dma_wait3A_124, %dma_wait3A_125] : memref<2x48x512xf32, #tpu.memory_space<vmem>> -> memref<1x48x512xf32, #tpu.memory_space<vmem>>
    %dma_wait3A_127 = tpu.memref_squeeze %dma_wait3A_126 : memref<1x48x512xf32, #tpu.memory_space<vmem>> -> memref<48x512xf32, #tpu.memory_space<vmem>>
    %dma_wait3A_128 = arith.constant 0 : i32
    %dma_wait3A_129 = tpu.memref_slice %arg5[%add3A_59, %dma_wait3A_128] : memref<7680x512xf32, #tpu.memory_space<hbm>> -> memref<48x512xf32, #tpu.memory_space<hbm>>
    %dma_wait3A_130 = tpu.memref_slice %arg11[%dma_wait3A_122, %dma_wait3A_123] : memref<2x2x!tpu.dma_semaphore, #tpu.memory_space<semaphore_mem>> -> memref<1x1x!tpu.dma_semaphore, #tpu.memory_space<semaphore_mem>>
    %dma_wait3A_131 = tpu.memref_squeeze %dma_wait3A_130 : memref<1x1x!tpu.dma_semaphore, #tpu.memory_space<semaphore_mem>> -> memref<!tpu.dma_semaphore, #tpu.memory_space<semaphore_mem>>
    %dma_wait3A_132 = arith.constant 0 : i32
    %dma_wait3A_133 = tpu.memref_slice %arg5[%add3A_59, %dma_wait3A_132] : memref<7680x512xf32, #tpu.memory_space<hbm>> -> memref<48x512xf32, #tpu.memory_space<hbm>>
    %dma_wait3A_134 = arith.constant 0 : i32
    %dma_wait3A_135 = arith.constant 0 : i32
    %dma_wait3A_136 = tpu.memref_slice %arg8[%dma_wait3A_121, %dma_wait3A_134, %dma_wait3A_135] : memref<2x48x512xf32, #tpu.memory_space<vmem>> -> memref<1x48x512xf32, #tpu.memory_space<vmem>>
    %dma_wait3A_137 = tpu.memref_squeeze %dma_wait3A_136 : memref<1x48x512xf32, #tpu.memory_space<vmem>> -> memref<48x512xf32, #tpu.memory_space<vmem>>
    tpu.wait_dma2 semaphore(%dma_wait3A_131 : memref<!tpu.dma_semaphore, #tpu.memory_space<semaphore_mem>>) src(%dma_wait3A_137 : memref<48x512xf32, #tpu.memory_space<vmem>>) dst(%dma_wait3A_133 : memref<48x512xf32, #tpu.memory_space<hbm>>)
    %dma_wait3A_138 = arith.constant 0 : i32
    %dma_wait3A_139 = arith.constant 1 : i32
    %dma_wait3A_140 = arith.constant 0 : i32
    %dma_wait3A_141 = arith.constant 0 : i32
    %dma_wait3A_142 = arith.constant 0 : i32
    %dma_wait3A_143 = tpu.memref_slice %arg9[%dma_wait3A_138, %dma_wait3A_141, %dma_wait3A_142] : memref<2x48x256xf32, #tpu.memory_space<vmem>> -> memref<1x48x256xf32, #tpu.memory_space<vmem>>
    %dma_wait3A_144 = tpu.memref_squeeze %dma_wait3A_143 : memref<1x48x256xf32, #tpu.memory_space<vmem>> -> memref<48x256xf32, #tpu.memory_space<vmem>>
    %dma_wait3A_145 = arith.constant 0 : i32
    %dma_wait3A_146 = tpu.memref_slice %arg6[%add3A_59, %dma_wait3A_145] : memref<7680x256xf32, #tpu.memory_space<hbm>> -> memref<48x256xf32, #tpu.memory_space<hbm>>
    %dma_wait3A_147 = tpu.memref_slice %arg11[%dma_wait3A_139, %dma_wait3A_140] : memref<2x2x!tpu.dma_semaphore, #tpu.memory_space<semaphore_mem>> -> memref<1x1x!tpu.dma_semaphore, #tpu.memory_space<semaphore_mem>>
    %dma_wait3A_148 = tpu.memref_squeeze %dma_wait3A_147 : memref<1x1x!tpu.dma_semaphore, #tpu.memory_space<semaphore_mem>> -> memref<!tpu.dma_semaphore, #tpu.memory_space<semaphore_mem>>
    %dma_wait3A_149 = arith.constant 0 : i32
    %dma_wait3A_150 = tpu.memref_slice %arg6[%add3A_59, %dma_wait3A_149] : memref<7680x256xf32, #tpu.memory_space<hbm>> -> memref<48x256xf32, #tpu.memory_space<hbm>>
    %dma_wait3A_151 = arith.constant 0 : i32
    %dma_wait3A_152 = arith.constant 0 : i32
    %dma_wait3A_153 = tpu.memref_slice %arg9[%dma_wait3A_138, %dma_wait3A_151, %dma_wait3A_152] : memref<2x48x256xf32, #tpu.memory_space<vmem>> -> memref<1x48x256xf32, #tpu.memory_space<vmem>>
    %dma_wait3A_154 = tpu.memref_squeeze %dma_wait3A_153 : memref<1x48x256xf32, #tpu.memory_space<vmem>> -> memref<48x256xf32, #tpu.memory_space<vmem>>
    tpu.wait_dma2 semaphore(%dma_wait3A_148 : memref<!tpu.dma_semaphore, #tpu.memory_space<semaphore_mem>>) src(%dma_wait3A_154 : memref<48x256xf32, #tpu.memory_space<vmem>>) dst(%dma_wait3A_150 : memref<48x256xf32, #tpu.memory_space<hbm>>)
    %dma_start3A_155 = arith.constant 0 : i32
    %dma_start3A_156 = arith.constant 0 : i32
    %dma_start3A_157 = arith.constant 0 : i32
    %dma_start3A_158 = arith.constant 0 : i32
    %dma_start3A_159 = arith.constant 0 : i32
    %dma_start3A_160 = tpu.memref_slice %arg8[%dma_start3A_155, %dma_start3A_158, %dma_start3A_159] : memref<2x48x512xf32, #tpu.memory_space<vmem>> -> memref<1x48x512xf32, #tpu.memory_space<vmem>>
    %dma_start3A_161 = tpu.memref_squeeze %dma_start3A_160 : memref<1x48x512xf32, #tpu.memory_space<vmem>> -> memref<48x512xf32, #tpu.memory_space<vmem>>
    %dma_start3A_162 = arith.constant 96 : i32
    %dma_start3A_163 = tpu.memref_slice %arg7[%dma_start3A_162] : memref<240xi32, #tpu.memory_space<vmem>> -> memref<48xi32, #tpu.memory_space<vmem>>
    %dma_start3A_164 = arith.constant 0 : i32
    %dma_start3A_165 = arith.constant 0 : i32
    %dma_start3A_166 = tpu.memref_slice %arg3[%dma_start3A_164, %dma_start3A_165] : memref<50000x512xf32, #tpu.memory_space<hbm>> -> memref<50000x512xf32, #tpu.memory_space<hbm>>
    %dma_start3A_167 = tpu.memref_slice %arg10[%dma_start3A_156, %dma_start3A_157] : memref<2x2x!tpu.dma_semaphore, #tpu.memory_space<semaphore_mem>> -> memref<1x1x!tpu.dma_semaphore, #tpu.memory_space<semaphore_mem>>
    %dma_start3A_168 = tpu.memref_squeeze %dma_start3A_167 : memref<1x1x!tpu.dma_semaphore, #tpu.memory_space<semaphore_mem>> -> memref<!tpu.dma_semaphore, #tpu.memory_space<semaphore_mem>>
    tpu.enqueue_indirect_dma source(%dma_start3A_166 : memref<50000x512xf32, #tpu.memory_space<hbm>>) target(%dma_start3A_161 : memref<48x512xf32, #tpu.memory_space<vmem>>) offsets(%dma_start3A_163 : memref<48xi32, #tpu.memory_space<vmem>>) semaphore(%dma_start3A_168 : memref<!tpu.dma_semaphore, #tpu.memory_space<semaphore_mem>>)
    %dma_start3A_169 = arith.constant 0 : i32
    %dma_start3A_170 = arith.constant 1 : i32
    %dma_start3A_171 = arith.constant 0 : i32
    %dma_start3A_172 = arith.constant 0 : i32
    %dma_start3A_173 = arith.constant 0 : i32
    %dma_start3A_174 = tpu.memref_slice %arg9[%dma_start3A_169, %dma_start3A_172, %dma_start3A_173] : memref<2x48x256xf32, #tpu.memory_space<vmem>> -> memref<1x48x256xf32, #tpu.memory_space<vmem>>
    %dma_start3A_175 = tpu.memref_squeeze %dma_start3A_174 : memref<1x48x256xf32, #tpu.memory_space<vmem>> -> memref<48x256xf32, #tpu.memory_space<vmem>>
    %dma_start3A_176 = arith.constant 96 : i32
    %dma_start3A_177 = tpu.memref_slice %arg7[%dma_start3A_176] : memref<240xi32, #tpu.memory_space<vmem>> -> memref<48xi32, #tpu.memory_space<vmem>>
    %dma_start3A_178 = arith.constant 0 : i32
    %dma_start3A_179 = arith.constant 0 : i32
    %dma_start3A_180 = tpu.memref_slice %arg4[%dma_start3A_178, %dma_start3A_179] : memref<50000x256xf32, #tpu.memory_space<hbm>> -> memref<50000x256xf32, #tpu.memory_space<hbm>>
    %dma_start3A_181 = tpu.memref_slice %arg10[%dma_start3A_170, %dma_start3A_171] : memref<2x2x!tpu.dma_semaphore, #tpu.memory_space<semaphore_mem>> -> memref<1x1x!tpu.dma_semaphore, #tpu.memory_space<semaphore_mem>>
    %dma_start3A_182 = tpu.memref_squeeze %dma_start3A_181 : memref<1x1x!tpu.dma_semaphore, #tpu.memory_space<semaphore_mem>> -> memref<!tpu.dma_semaphore, #tpu.memory_space<semaphore_mem>>
    tpu.enqueue_indirect_dma source(%dma_start3A_180 : memref<50000x256xf32, #tpu.memory_space<hbm>>) target(%dma_start3A_175 : memref<48x256xf32, #tpu.memory_space<vmem>>) offsets(%dma_start3A_177 : memref<48xi32, #tpu.memory_space<vmem>>) semaphore(%dma_start3A_182 : memref<!tpu.dma_semaphore, #tpu.memory_space<semaphore_mem>>)
    %add3A_183 = arith.constant 48 : i32
    %add3A_184 = arith.addi %mul3A_2, %add3A_183 : i32
    %dma_wait3A_185 = arith.constant 1 : i32
    %dma_wait3A_186 = arith.constant 0 : i32
    %dma_wait3A_187 = arith.constant 1 : i32
    %dma_wait3A_188 = arith.constant 0 : i32
    %dma_wait3A_189 = arith.constant 0 : i32
    %dma_wait3A_190 = tpu.memref_slice %arg8[%dma_wait3A_185, %dma_wait3A_188, %dma_wait3A_189] : memref<2x48x512xf32, #tpu.memory_space<vmem>> -> memref<1x48x512xf32, #tpu.memory_space<vmem>>
    %dma_wait3A_191 = tpu.memref_squeeze %dma_wait3A_190 : memref<1x48x512xf32, #tpu.memory_space<vmem>> -> memref<48x512xf32, #tpu.memory_space<vmem>>
    %dma_wait3A_192 = arith.constant 48 : i32
    %dma_wait3A_193 = tpu.memref_slice %arg7[%dma_wait3A_192] : memref<240xi32, #tpu.memory_space<vmem>> -> memref<48xi32, #tpu.memory_space<vmem>>
    %dma_wait3A_194 = arith.constant 0 : i32
    %dma_wait3A_195 = arith.constant 0 : i32
    %dma_wait3A_196 = tpu.memref_slice %arg3[%dma_wait3A_194, %dma_wait3A_195] : memref<50000x512xf32, #tpu.memory_space<hbm>> -> memref<50000x512xf32, #tpu.memory_space<hbm>>
    %dma_wait3A_197 = tpu.memref_slice %arg10[%dma_wait3A_186, %dma_wait3A_187] : memref<2x2x!tpu.dma_semaphore, #tpu.memory_space<semaphore_mem>> -> memref<1x1x!tpu.dma_semaphore, #tpu.memory_space<semaphore_mem>>
    %dma_wait3A_198 = tpu.memref_squeeze %dma_wait3A_197 : memref<1x1x!tpu.dma_semaphore, #tpu.memory_space<semaphore_mem>> -> memref<!tpu.dma_semaphore, #tpu.memory_space<semaphore_mem>>
    tpu.wait_indirect_dma semaphore(%dma_wait3A_198 : memref<!tpu.dma_semaphore, #tpu.memory_space<semaphore_mem>>) src(%dma_wait3A_196 : memref<50000x512xf32, #tpu.memory_space<hbm>>) dst(%dma_wait3A_191 : memref<48x512xf32, #tpu.memory_space<vmem>>)
    %dma_start3A_199 = arith.constant 1 : i32
    %dma_start3A_200 = arith.constant 0 : i32
    %dma_start3A_201 = arith.constant 1 : i32
    %dma_start3A_202 = arith.constant 0 : i32
    %dma_start3A_203 = arith.constant 0 : i32
    %dma_start3A_204 = tpu.memref_slice %arg8[%dma_start3A_199, %dma_start3A_202, %dma_start3A_203] : memref<2x48x512xf32, #tpu.memory_space<vmem>> -> memref<1x48x512xf32, #tpu.memory_space<vmem>>
    %dma_start3A_205 = tpu.memref_squeeze %dma_start3A_204 : memref<1x48x512xf32, #tpu.memory_space<vmem>> -> memref<48x512xf32, #tpu.memory_space<vmem>>
    %dma_start3A_206 = arith.constant 0 : i32
    %dma_start3A_207 = tpu.memref_slice %arg5[%add3A_184, %dma_start3A_206] : memref<7680x512xf32, #tpu.memory_space<hbm>> -> memref<48x512xf32, #tpu.memory_space<hbm>>
    %dma_start3A_208 = tpu.memref_slice %arg11[%dma_start3A_200, %dma_start3A_201] : memref<2x2x!tpu.dma_semaphore, #tpu.memory_space<semaphore_mem>> -> memref<1x1x!tpu.dma_semaphore, #tpu.memory_space<semaphore_mem>>
    %dma_start3A_209 = tpu.memref_squeeze %dma_start3A_208 : memref<1x1x!tpu.dma_semaphore, #tpu.memory_space<semaphore_mem>> -> memref<!tpu.dma_semaphore, #tpu.memory_space<semaphore_mem>>
    %dma_start3A_210 = arith.constant 0 : i32
    %dma_start3A_211 = tpu.memref_slice %arg5[%add3A_184, %dma_start3A_210] : memref<7680x512xf32, #tpu.memory_space<hbm>> -> memref<48x512xf32, #tpu.memory_space<hbm>>
    %dma_start3A_212 = arith.constant 0 : i32
    %dma_start3A_213 = arith.constant 0 : i32
    %dma_start3A_214 = tpu.memref_slice %arg8[%dma_start3A_199, %dma_start3A_212, %dma_start3A_213] : memref<2x48x512xf32, #tpu.memory_space<vmem>> -> memref<1x48x512xf32, #tpu.memory_space<vmem>>
    %dma_start3A_215 = tpu.memref_squeeze %dma_start3A_214 : memref<1x48x512xf32, #tpu.memory_space<vmem>> -> memref<48x512xf32, #tpu.memory_space<vmem>>
    tpu.enqueue_dma source(%dma_start3A_215 : memref<48x512xf32, #tpu.memory_space<vmem>>) target(%dma_start3A_211 : memref<48x512xf32, #tpu.memory_space<hbm>>) target_semaphore(%dma_start3A_209 : memref<!tpu.dma_semaphore, #tpu.memory_space<semaphore_mem>>)
    %dma_wait3A_216 = arith.constant 1 : i32
    %dma_wait3A_217 = arith.constant 1 : i32
    %dma_wait3A_218 = arith.constant 1 : i32
    %dma_wait3A_219 = arith.constant 0 : i32
    %dma_wait3A_220 = arith.constant 0 : i32
    %dma_wait3A_221 = tpu.memref_slice %arg9[%dma_wait3A_216, %dma_wait3A_219, %dma_wait3A_220] : memref<2x48x256xf32, #tpu.memory_space<vmem>> -> memref<1x48x256xf32, #tpu.memory_space<vmem>>
    %dma_wait3A_222 = tpu.memref_squeeze %dma_wait3A_221 : memref<1x48x256xf32, #tpu.memory_space<vmem>> -> memref<48x256xf32, #tpu.memory_space<vmem>>
    %dma_wait3A_223 = arith.constant 48 : i32
    %dma_wait3A_224 = tpu.memref_slice %arg7[%dma_wait3A_223] : memref<240xi32, #tpu.memory_space<vmem>> -> memref<48xi32, #tpu.memory_space<vmem>>
    %dma_wait3A_225 = arith.constant 0 : i32
    %dma_wait3A_226 = arith.constant 0 : i32
    %dma_wait3A_227 = tpu.memref_slice %arg4[%dma_wait3A_225, %dma_wait3A_226] : memref<50000x256xf32, #tpu.memory_space<hbm>> -> memref<50000x256xf32, #tpu.memory_space<hbm>>
    %dma_wait3A_228 = tpu.memref_slice %arg10[%dma_wait3A_217, %dma_wait3A_218] : memref<2x2x!tpu.dma_semaphore, #tpu.memory_space<semaphore_mem>> -> memref<1x1x!tpu.dma_semaphore, #tpu.memory_space<semaphore_mem>>
    %dma_wait3A_229 = tpu.memref_squeeze %dma_wait3A_228 : memref<1x1x!tpu.dma_semaphore, #tpu.memory_space<semaphore_mem>> -> memref<!tpu.dma_semaphore, #tpu.memory_space<semaphore_mem>>
    tpu.wait_indirect_dma semaphore(%dma_wait3A_229 : memref<!tpu.dma_semaphore, #tpu.memory_space<semaphore_mem>>) src(%dma_wait3A_227 : memref<50000x256xf32, #tpu.memory_space<hbm>>) dst(%dma_wait3A_222 : memref<48x256xf32, #tpu.memory_space<vmem>>)
    %dma_start3A_230 = arith.constant 1 : i32
    %dma_start3A_231 = arith.constant 1 : i32
    %dma_start3A_232 = arith.constant 1 : i32
    %dma_start3A_233 = arith.constant 0 : i32
    %dma_start3A_234 = arith.constant 0 : i32
    %dma_start3A_235 = tpu.memref_slice %arg9[%dma_start3A_230, %dma_start3A_233, %dma_start3A_234] : memref<2x48x256xf32, #tpu.memory_space<vmem>> -> memref<1x48x256xf32, #tpu.memory_space<vmem>>
    %dma_start3A_236 = tpu.memref_squeeze %dma_start3A_235 : memref<1x48x256xf32, #tpu.memory_space<vmem>> -> memref<48x256xf32, #tpu.memory_space<vmem>>
    %dma_start3A_237 = arith.constant 0 : i32
    %dma_start3A_238 = tpu.memref_slice %arg6[%add3A_184, %dma_start3A_237] : memref<7680x256xf32, #tpu.memory_space<hbm>> -> memref<48x256xf32, #tpu.memory_space<hbm>>
    %dma_start3A_239 = tpu.memref_slice %arg11[%dma_start3A_231, %dma_start3A_232] : memref<2x2x!tpu.dma_semaphore, #tpu.memory_space<semaphore_mem>> -> memref<1x1x!tpu.dma_semaphore, #tpu.memory_space<semaphore_mem>>
    %dma_start3A_240 = tpu.memref_squeeze %dma_start3A_239 : memref<1x1x!tpu.dma_semaphore, #tpu.memory_space<semaphore_mem>> -> memref<!tpu.dma_semaphore, #tpu.memory_space<semaphore_mem>>
    %dma_start3A_241 = arith.constant 0 : i32
    %dma_start3A_242 = tpu.memref_slice %arg6[%add3A_184, %dma_start3A_241] : memref<7680x256xf32, #tpu.memory_space<hbm>> -> memref<48x256xf32, #tpu.memory_space<hbm>>
    %dma_start3A_243 = arith.constant 0 : i32
    %dma_start3A_244 = arith.constant 0 : i32
    %dma_start3A_245 = tpu.memref_slice %arg9[%dma_start3A_230, %dma_start3A_243, %dma_start3A_244] : memref<2x48x256xf32, #tpu.memory_space<vmem>> -> memref<1x48x256xf32, #tpu.memory_space<vmem>>
    %dma_start3A_246 = tpu.memref_squeeze %dma_start3A_245 : memref<1x48x256xf32, #tpu.memory_space<vmem>> -> memref<48x256xf32, #tpu.memory_space<vmem>>
    tpu.enqueue_dma source(%dma_start3A_246 : memref<48x256xf32, #tpu.memory_space<vmem>>) target(%dma_start3A_242 : memref<48x256xf32, #tpu.memory_space<hbm>>) target_semaphore(%dma_start3A_240 : memref<!tpu.dma_semaphore, #tpu.memory_space<semaphore_mem>>)
    %dma_wait3A_247 = arith.constant 1 : i32
    %dma_wait3A_248 = arith.constant 0 : i32
    %dma_wait3A_249 = arith.constant 1 : i32
    %dma_wait3A_250 = arith.constant 0 : i32
    %dma_wait3A_251 = arith.constant 0 : i32
    %dma_wait3A_252 = tpu.memref_slice %arg8[%dma_wait3A_247, %dma_wait3A_250, %dma_wait3A_251] : memref<2x48x512xf32, #tpu.memory_space<vmem>> -> memref<1x48x512xf32, #tpu.memory_space<vmem>>
    %dma_wait3A_253 = tpu.memref_squeeze %dma_wait3A_252 : memref<1x48x512xf32, #tpu.memory_space<vmem>> -> memref<48x512xf32, #tpu.memory_space<vmem>>
    %dma_wait3A_254 = arith.constant 0 : i32
    %dma_wait3A_255 = tpu.memref_slice %arg5[%add3A_184, %dma_wait3A_254] : memref<7680x512xf32, #tpu.memory_space<hbm>> -> memref<48x512xf32, #tpu.memory_space<hbm>>
    %dma_wait3A_256 = tpu.memref_slice %arg11[%dma_wait3A_248, %dma_wait3A_249] : memref<2x2x!tpu.dma_semaphore, #tpu.memory_space<semaphore_mem>> -> memref<1x1x!tpu.dma_semaphore, #tpu.memory_space<semaphore_mem>>
    %dma_wait3A_257 = tpu.memref_squeeze %dma_wait3A_256 : memref<1x1x!tpu.dma_semaphore, #tpu.memory_space<semaphore_mem>> -> memref<!tpu.dma_semaphore, #tpu.memory_space<semaphore_mem>>
    %dma_wait3A_258 = arith.constant 0 : i32
    %dma_wait3A_259 = tpu.memref_slice %arg5[%add3A_184, %dma_wait3A_258] : memref<7680x512xf32, #tpu.memory_space<hbm>> -> memref<48x512xf32, #tpu.memory_space<hbm>>
    %dma_wait3A_260 = arith.constant 0 : i32
    %dma_wait3A_261 = arith.constant 0 : i32
    %dma_wait3A_262 = tpu.memref_slice %arg8[%dma_wait3A_247, %dma_wait3A_260, %dma_wait3A_261] : memref<2x48x512xf32, #tpu.memory_space<vmem>> -> memref<1x48x512xf32, #tpu.memory_space<vmem>>
    %dma_wait3A_263 = tpu.memref_squeeze %dma_wait3A_262 : memref<1x48x512xf32, #tpu.memory_space<vmem>> -> memref<48x512xf32, #tpu.memory_space<vmem>>
    tpu.wait_dma2 semaphore(%dma_wait3A_257 : memref<!tpu.dma_semaphore, #tpu.memory_space<semaphore_mem>>) src(%dma_wait3A_263 : memref<48x512xf32, #tpu.memory_space<vmem>>) dst(%dma_wait3A_259 : memref<48x512xf32, #tpu.memory_space<hbm>>)
    %dma_wait3A_264 = arith.constant 1 : i32
    %dma_wait3A_265 = arith.constant 1 : i32
    %dma_wait3A_266 = arith.constant 1 : i32
    %dma_wait3A_267 = arith.constant 0 : i32
    %dma_wait3A_268 = arith.constant 0 : i32
    %dma_wait3A_269 = tpu.memref_slice %arg9[%dma_wait3A_264, %dma_wait3A_267, %dma_wait3A_268] : memref<2x48x256xf32, #tpu.memory_space<vmem>> -> memref<1x48x256xf32, #tpu.memory_space<vmem>>
    %dma_wait3A_270 = tpu.memref_squeeze %dma_wait3A_269 : memref<1x48x256xf32, #tpu.memory_space<vmem>> -> memref<48x256xf32, #tpu.memory_space<vmem>>
    %dma_wait3A_271 = arith.constant 0 : i32
    %dma_wait3A_272 = tpu.memref_slice %arg6[%add3A_184, %dma_wait3A_271] : memref<7680x256xf32, #tpu.memory_space<hbm>> -> memref<48x256xf32, #tpu.memory_space<hbm>>
    %dma_wait3A_273 = tpu.memref_slice %arg11[%dma_wait3A_265, %dma_wait3A_266] : memref<2x2x!tpu.dma_semaphore, #tpu.memory_space<semaphore_mem>> -> memref<1x1x!tpu.dma_semaphore, #tpu.memory_space<semaphore_mem>>
    %dma_wait3A_274 = tpu.memref_squeeze %dma_wait3A_273 : memref<1x1x!tpu.dma_semaphore, #tpu.memory_space<semaphore_mem>> -> memref<!tpu.dma_semaphore, #tpu.memory_space<semaphore_mem>>
    %dma_wait3A_275 = arith.constant 0 : i32
    %dma_wait3A_276 = tpu.memref_slice %arg6[%add3A_184, %dma_wait3A_275] : memref<7680x256xf32, #tpu.memory_space<hbm>> -> memref<48x256xf32, #tpu.memory_space<hbm>>
    %dma_wait3A_277 = arith.constant 0 : i32
    %dma_wait3A_278 = arith.constant 0 : i32
    %dma_wait3A_279 = tpu.memref_slice %arg9[%dma_wait3A_264, %dma_wait3A_277, %dma_wait3A_278] : memref<2x48x256xf32, #tpu.memory_space<vmem>> -> memref<1x48x256xf32, #tpu.memory_space<vmem>>
    %dma_wait3A_280 = tpu.memref_squeeze %dma_wait3A_279 : memref<1x48x256xf32, #tpu.memory_space<vmem>> -> memref<48x256xf32, #tpu.memory_space<vmem>>
    tpu.wait_dma2 semaphore(%dma_wait3A_274 : memref<!tpu.dma_semaphore, #tpu.memory_space<semaphore_mem>>) src(%dma_wait3A_280 : memref<48x256xf32, #tpu.memory_space<vmem>>) dst(%dma_wait3A_276 : memref<48x256xf32, #tpu.memory_space<hbm>>)
    %dma_start3A_281 = arith.constant 1 : i32
    %dma_start3A_282 = arith.constant 0 : i32
    %dma_start3A_283 = arith.constant 1 : i32
    %dma_start3A_284 = arith.constant 0 : i32
    %dma_start3A_285 = arith.constant 0 : i32
    %dma_start3A_286 = tpu.memref_slice %arg8[%dma_start3A_281, %dma_start3A_284, %dma_start3A_285] : memref<2x48x512xf32, #tpu.memory_space<vmem>> -> memref<1x48x512xf32, #tpu.memory_space<vmem>>
    %dma_start3A_287 = tpu.memref_squeeze %dma_start3A_286 : memref<1x48x512xf32, #tpu.memory_space<vmem>> -> memref<48x512xf32, #tpu.memory_space<vmem>>
    %dma_start3A_288 = arith.constant 144 : i32
    %dma_start3A_289 = tpu.memref_slice %arg7[%dma_start3A_288] : memref<240xi32, #tpu.memory_space<vmem>> -> memref<48xi32, #tpu.memory_space<vmem>>
    %dma_start3A_290 = arith.constant 0 : i32
    %dma_start3A_291 = arith.constant 0 : i32
    %dma_start3A_292 = tpu.memref_slice %arg3[%dma_start3A_290, %dma_start3A_291] : memref<50000x512xf32, #tpu.memory_space<hbm>> -> memref<50000x512xf32, #tpu.memory_space<hbm>>
    %dma_start3A_293 = tpu.memref_slice %arg10[%dma_start3A_282, %dma_start3A_283] : memref<2x2x!tpu.dma_semaphore, #tpu.memory_space<semaphore_mem>> -> memref<1x1x!tpu.dma_semaphore, #tpu.memory_space<semaphore_mem>>
    %dma_start3A_294 = tpu.memref_squeeze %dma_start3A_293 : memref<1x1x!tpu.dma_semaphore, #tpu.memory_space<semaphore_mem>> -> memref<!tpu.dma_semaphore, #tpu.memory_space<semaphore_mem>>
    tpu.enqueue_indirect_dma source(%dma_start3A_292 : memref<50000x512xf32, #tpu.memory_space<hbm>>) target(%dma_start3A_287 : memref<48x512xf32, #tpu.memory_space<vmem>>) offsets(%dma_start3A_289 : memref<48xi32, #tpu.memory_space<vmem>>) semaphore(%dma_start3A_294 : memref<!tpu.dma_semaphore, #tpu.memory_space<semaphore_mem>>)
    %dma_start3A_295 = arith.constant 1 : i32
    %dma_start3A_296 = arith.constant 1 : i32
    %dma_start3A_297 = arith.constant 1 : i32
    %dma_start3A_298 = arith.constant 0 : i32
    %dma_start3A_299 = arith.constant 0 : i32
    %dma_start3A_300 = tpu.memref_slice %arg9[%dma_start3A_295, %dma_start3A_298, %dma_start3A_299] : memref<2x48x256xf32, #tpu.memory_space<vmem>> -> memref<1x48x256xf32, #tpu.memory_space<vmem>>
    %dma_start3A_301 = tpu.memref_squeeze %dma_start3A_300 : memref<1x48x256xf32, #tpu.memory_space<vmem>> -> memref<48x256xf32, #tpu.memory_space<vmem>>
    %dma_start3A_302 = arith.constant 144 : i32
    %dma_start3A_303 = tpu.memref_slice %arg7[%dma_start3A_302] : memref<240xi32, #tpu.memory_space<vmem>> -> memref<48xi32, #tpu.memory_space<vmem>>
    %dma_start3A_304 = arith.constant 0 : i32
    %dma_start3A_305 = arith.constant 0 : i32
    %dma_start3A_306 = tpu.memref_slice %arg4[%dma_start3A_304, %dma_start3A_305] : memref<50000x256xf32, #tpu.memory_space<hbm>> -> memref<50000x256xf32, #tpu.memory_space<hbm>>
    %dma_start3A_307 = tpu.memref_slice %arg10[%dma_start3A_296, %dma_start3A_297] : memref<2x2x!tpu.dma_semaphore, #tpu.memory_space<semaphore_mem>> -> memref<1x1x!tpu.dma_semaphore, #tpu.memory_space<semaphore_mem>>
    %dma_start3A_308 = tpu.memref_squeeze %dma_start3A_307 : memref<1x1x!tpu.dma_semaphore, #tpu.memory_space<semaphore_mem>> -> memref<!tpu.dma_semaphore, #tpu.memory_space<semaphore_mem>>
    tpu.enqueue_indirect_dma source(%dma_start3A_306 : memref<50000x256xf32, #tpu.memory_space<hbm>>) target(%dma_start3A_301 : memref<48x256xf32, #tpu.memory_space<vmem>>) offsets(%dma_start3A_303 : memref<48xi32, #tpu.memory_space<vmem>>) semaphore(%dma_start3A_308 : memref<!tpu.dma_semaphore, #tpu.memory_space<semaphore_mem>>)
    %add3A_309 = arith.constant 96 : i32
    %add3A_310 = arith.addi %mul3A_2, %add3A_309 : i32
    %dma_wait3A_311 = arith.constant 0 : i32
    %dma_wait3A_312 = arith.constant 0 : i32
    %dma_wait3A_313 = arith.constant 0 : i32
    %dma_wait3A_314 = arith.constant 0 : i32
    %dma_wait3A_315 = arith.constant 0 : i32
    %dma_wait3A_316 = tpu.memref_slice %arg8[%dma_wait3A_311, %dma_wait3A_314, %dma_wait3A_315] : memref<2x48x512xf32, #tpu.memory_space<vmem>> -> memref<1x48x512xf32, #tpu.memory_space<vmem>>
    %dma_wait3A_317 = tpu.memref_squeeze %dma_wait3A_316 : memref<1x48x512xf32, #tpu.memory_space<vmem>> -> memref<48x512xf32, #tpu.memory_space<vmem>>
    %dma_wait3A_318 = arith.constant 96 : i32
    %dma_wait3A_319 = tpu.memref_slice %arg7[%dma_wait3A_318] : memref<240xi32, #tpu.memory_space<vmem>> -> memref<48xi32, #tpu.memory_space<vmem>>
    %dma_wait3A_320 = arith.constant 0 : i32
    %dma_wait3A_321 = arith.constant 0 : i32
    %dma_wait3A_322 = tpu.memref_slice %arg3[%dma_wait3A_320, %dma_wait3A_321] : memref<50000x512xf32, #tpu.memory_space<hbm>> -> memref<50000x512xf32, #tpu.memory_space<hbm>>
    %dma_wait3A_323 = tpu.memref_slice %arg10[%dma_wait3A_312, %dma_wait3A_313] : memref<2x2x!tpu.dma_semaphore, #tpu.memory_space<semaphore_mem>> -> memref<1x1x!tpu.dma_semaphore, #tpu.memory_space<semaphore_mem>>
    %dma_wait3A_324 = tpu.memref_squeeze %dma_wait3A_323 : memref<1x1x!tpu.dma_semaphore, #tpu.memory_space<semaphore_mem>> -> memref<!tpu.dma_semaphore, #tpu.memory_space<semaphore_mem>>
    tpu.wait_indirect_dma semaphore(%dma_wait3A_324 : memref<!tpu.dma_semaphore, #tpu.memory_space<semaphore_mem>>) src(%dma_wait3A_322 : memref<50000x512xf32, #tpu.memory_space<hbm>>) dst(%dma_wait3A_317 : memref<48x512xf32, #tpu.memory_space<vmem>>)
    %dma_start3A_325 = arith.constant 0 : i32
    %dma_start3A_326 = arith.constant 0 : i32
    %dma_start3A_327 = arith.constant 0 : i32
    %dma_start3A_328 = arith.constant 0 : i32
    %dma_start3A_329 = arith.constant 0 : i32
    %dma_start3A_330 = tpu.memref_slice %arg8[%dma_start3A_325, %dma_start3A_328, %dma_start3A_329] : memref<2x48x512xf32, #tpu.memory_space<vmem>> -> memref<1x48x512xf32, #tpu.memory_space<vmem>>
    %dma_start3A_331 = tpu.memref_squeeze %dma_start3A_330 : memref<1x48x512xf32, #tpu.memory_space<vmem>> -> memref<48x512xf32, #tpu.memory_space<vmem>>
    %dma_start3A_332 = arith.constant 0 : i32
    %dma_start3A_333 = tpu.memref_slice %arg5[%add3A_310, %dma_start3A_332] : memref<7680x512xf32, #tpu.memory_space<hbm>> -> memref<48x512xf32, #tpu.memory_space<hbm>>
    %dma_start3A_334 = tpu.memref_slice %arg11[%dma_start3A_326, %dma_start3A_327] : memref<2x2x!tpu.dma_semaphore, #tpu.memory_space<semaphore_mem>> -> memref<1x1x!tpu.dma_semaphore, #tpu.memory_space<semaphore_mem>>
    %dma_start3A_335 = tpu.memref_squeeze %dma_start3A_334 : memref<1x1x!tpu.dma_semaphore, #tpu.memory_space<semaphore_mem>> -> memref<!tpu.dma_semaphore, #tpu.memory_space<semaphore_mem>>
    %dma_start3A_336 = arith.constant 0 : i32
    %dma_start3A_337 = tpu.memref_slice %arg5[%add3A_310, %dma_start3A_336] : memref<7680x512xf32, #tpu.memory_space<hbm>> -> memref<48x512xf32, #tpu.memory_space<hbm>>
    %dma_start3A_338 = arith.constant 0 : i32
    %dma_start3A_339 = arith.constant 0 : i32
    %dma_start3A_340 = tpu.memref_slice %arg8[%dma_start3A_325, %dma_start3A_338, %dma_start3A_339] : memref<2x48x512xf32, #tpu.memory_space<vmem>> -> memref<1x48x512xf32, #tpu.memory_space<vmem>>
    %dma_start3A_341 = tpu.memref_squeeze %dma_start3A_340 : memref<1x48x512xf32, #tpu.memory_space<vmem>> -> memref<48x512xf32, #tpu.memory_space<vmem>>
    tpu.enqueue_dma source(%dma_start3A_341 : memref<48x512xf32, #tpu.memory_space<vmem>>) target(%dma_start3A_337 : memref<48x512xf32, #tpu.memory_space<hbm>>) target_semaphore(%dma_start3A_335 : memref<!tpu.dma_semaphore, #tpu.memory_space<semaphore_mem>>)
    %dma_wait3A_342 = arith.constant 0 : i32
    %dma_wait3A_343 = arith.constant 1 : i32
    %dma_wait3A_344 = arith.constant 0 : i32
    %dma_wait3A_345 = arith.constant 0 : i32
    %dma_wait3A_346 = arith.constant 0 : i32
    %dma_wait3A_347 = tpu.memref_slice %arg9[%dma_wait3A_342, %dma_wait3A_345, %dma_wait3A_346] : memref<2x48x256xf32, #tpu.memory_space<vmem>> -> memref<1x48x256xf32, #tpu.memory_space<vmem>>
    %dma_wait3A_348 = tpu.memref_squeeze %dma_wait3A_347 : memref<1x48x256xf32, #tpu.memory_space<vmem>> -> memref<48x256xf32, #tpu.memory_space<vmem>>
    %dma_wait3A_349 = arith.constant 96 : i32
    %dma_wait3A_350 = tpu.memref_slice %arg7[%dma_wait3A_349] : memref<240xi32, #tpu.memory_space<vmem>> -> memref<48xi32, #tpu.memory_space<vmem>>
    %dma_wait3A_351 = arith.constant 0 : i32
    %dma_wait3A_352 = arith.constant 0 : i32
    %dma_wait3A_353 = tpu.memref_slice %arg4[%dma_wait3A_351, %dma_wait3A_352] : memref<50000x256xf32, #tpu.memory_space<hbm>> -> memref<50000x256xf32, #tpu.memory_space<hbm>>
    %dma_wait3A_354 = tpu.memref_slice %arg10[%dma_wait3A_343, %dma_wait3A_344] : memref<2x2x!tpu.dma_semaphore, #tpu.memory_space<semaphore_mem>> -> memref<1x1x!tpu.dma_semaphore, #tpu.memory_space<semaphore_mem>>
    %dma_wait3A_355 = tpu.memref_squeeze %dma_wait3A_354 : memref<1x1x!tpu.dma_semaphore, #tpu.memory_space<semaphore_mem>> -> memref<!tpu.dma_semaphore, #tpu.memory_space<semaphore_mem>>
    tpu.wait_indirect_dma semaphore(%dma_wait3A_355 : memref<!tpu.dma_semaphore, #tpu.memory_space<semaphore_mem>>) src(%dma_wait3A_353 : memref<50000x256xf32, #tpu.memory_space<hbm>>) dst(%dma_wait3A_348 : memref<48x256xf32, #tpu.memory_space<vmem>>)
    %dma_start3A_356 = arith.constant 0 : i32
    %dma_start3A_357 = arith.constant 1 : i32
    %dma_start3A_358 = arith.constant 0 : i32
    %dma_start3A_359 = arith.constant 0 : i32
    %dma_start3A_360 = arith.constant 0 : i32
    %dma_start3A_361 = tpu.memref_slice %arg9[%dma_start3A_356, %dma_start3A_359, %dma_start3A_360] : memref<2x48x256xf32, #tpu.memory_space<vmem>> -> memref<1x48x256xf32, #tpu.memory_space<vmem>>
    %dma_start3A_362 = tpu.memref_squeeze %dma_start3A_361 : memref<1x48x256xf32, #tpu.memory_space<vmem>> -> memref<48x256xf32, #tpu.memory_space<vmem>>
    %dma_start3A_363 = arith.constant 0 : i32
    %dma_start3A_364 = tpu.memref_slice %arg6[%add3A_310, %dma_start3A_363] : memref<7680x256xf32, #tpu.memory_space<hbm>> -> memref<48x256xf32, #tpu.memory_space<hbm>>
    %dma_start3A_365 = tpu.memref_slice %arg11[%dma_start3A_357, %dma_start3A_358] : memref<2x2x!tpu.dma_semaphore, #tpu.memory_space<semaphore_mem>> -> memref<1x1x!tpu.dma_semaphore, #tpu.memory_space<semaphore_mem>>
    %dma_start3A_366 = tpu.memref_squeeze %dma_start3A_365 : memref<1x1x!tpu.dma_semaphore, #tpu.memory_space<semaphore_mem>> -> memref<!tpu.dma_semaphore, #tpu.memory_space<semaphore_mem>>
    %dma_start3A_367 = arith.constant 0 : i32
    %dma_start3A_368 = tpu.memref_slice %arg6[%add3A_310, %dma_start3A_367] : memref<7680x256xf32, #tpu.memory_space<hbm>> -> memref<48x256xf32, #tpu.memory_space<hbm>>
    %dma_start3A_369 = arith.constant 0 : i32
    %dma_start3A_370 = arith.constant 0 : i32
    %dma_start3A_371 = tpu.memref_slice %arg9[%dma_start3A_356, %dma_start3A_369, %dma_start3A_370] : memref<2x48x256xf32, #tpu.memory_space<vmem>> -> memref<1x48x256xf32, #tpu.memory_space<vmem>>
    %dma_start3A_372 = tpu.memref_squeeze %dma_start3A_371 : memref<1x48x256xf32, #tpu.memory_space<vmem>> -> memref<48x256xf32, #tpu.memory_space<vmem>>
    tpu.enqueue_dma source(%dma_start3A_372 : memref<48x256xf32, #tpu.memory_space<vmem>>) target(%dma_start3A_368 : memref<48x256xf32, #tpu.memory_space<hbm>>) target_semaphore(%dma_start3A_366 : memref<!tpu.dma_semaphore, #tpu.memory_space<semaphore_mem>>)
    %dma_wait3A_373 = arith.constant 0 : i32
    %dma_wait3A_374 = arith.constant 0 : i32
    %dma_wait3A_375 = arith.constant 0 : i32
    %dma_wait3A_376 = arith.constant 0 : i32
    %dma_wait3A_377 = arith.constant 0 : i32
    %dma_wait3A_378 = tpu.memref_slice %arg8[%dma_wait3A_373, %dma_wait3A_376, %dma_wait3A_377] : memref<2x48x512xf32, #tpu.memory_space<vmem>> -> memref<1x48x512xf32, #tpu.memory_space<vmem>>
    %dma_wait3A_379 = tpu.memref_squeeze %dma_wait3A_378 : memref<1x48x512xf32, #tpu.memory_space<vmem>> -> memref<48x512xf32, #tpu.memory_space<vmem>>
    %dma_wait3A_380 = arith.constant 0 : i32
    %dma_wait3A_381 = tpu.memref_slice %arg5[%add3A_310, %dma_wait3A_380] : memref<7680x512xf32, #tpu.memory_space<hbm>> -> memref<48x512xf32, #tpu.memory_space<hbm>>
    %dma_wait3A_382 = tpu.memref_slice %arg11[%dma_wait3A_374, %dma_wait3A_375] : memref<2x2x!tpu.dma_semaphore, #tpu.memory_space<semaphore_mem>> -> memref<1x1x!tpu.dma_semaphore, #tpu.memory_space<semaphore_mem>>
    %dma_wait3A_383 = tpu.memref_squeeze %dma_wait3A_382 : memref<1x1x!tpu.dma_semaphore, #tpu.memory_space<semaphore_mem>> -> memref<!tpu.dma_semaphore, #tpu.memory_space<semaphore_mem>>
    %dma_wait3A_384 = arith.constant 0 : i32
    %dma_wait3A_385 = tpu.memref_slice %arg5[%add3A_310, %dma_wait3A_384] : memref<7680x512xf32, #tpu.memory_space<hbm>> -> memref<48x512xf32, #tpu.memory_space<hbm>>
    %dma_wait3A_386 = arith.constant 0 : i32
    %dma_wait3A_387 = arith.constant 0 : i32
    %dma_wait3A_388 = tpu.memref_slice %arg8[%dma_wait3A_373, %dma_wait3A_386, %dma_wait3A_387] : memref<2x48x512xf32, #tpu.memory_space<vmem>> -> memref<1x48x512xf32, #tpu.memory_space<vmem>>
    %dma_wait3A_389 = tpu.memref_squeeze %dma_wait3A_388 : memref<1x48x512xf32, #tpu.memory_space<vmem>> -> memref<48x512xf32, #tpu.memory_space<vmem>>
    tpu.wait_dma2 semaphore(%dma_wait3A_383 : memref<!tpu.dma_semaphore, #tpu.memory_space<semaphore_mem>>) src(%dma_wait3A_389 : memref<48x512xf32, #tpu.memory_space<vmem>>) dst(%dma_wait3A_385 : memref<48x512xf32, #tpu.memory_space<hbm>>)
    %dma_wait3A_390 = arith.constant 0 : i32
    %dma_wait3A_391 = arith.constant 1 : i32
    %dma_wait3A_392 = arith.constant 0 : i32
    %dma_wait3A_393 = arith.constant 0 : i32
    %dma_wait3A_394 = arith.constant 0 : i32
    %dma_wait3A_395 = tpu.memref_slice %arg9[%dma_wait3A_390, %dma_wait3A_393, %dma_wait3A_394] : memref<2x48x256xf32, #tpu.memory_space<vmem>> -> memref<1x48x256xf32, #tpu.memory_space<vmem>>
    %dma_wait3A_396 = tpu.memref_squeeze %dma_wait3A_395 : memref<1x48x256xf32, #tpu.memory_space<vmem>> -> memref<48x256xf32, #tpu.memory_space<vmem>>
    %dma_wait3A_397 = arith.constant 0 : i32
    %dma_wait3A_398 = tpu.memref_slice %arg6[%add3A_310, %dma_wait3A_397] : memref<7680x256xf32, #tpu.memory_space<hbm>> -> memref<48x256xf32, #tpu.memory_space<hbm>>
    %dma_wait3A_399 = tpu.memref_slice %arg11[%dma_wait3A_391, %dma_wait3A_392] : memref<2x2x!tpu.dma_semaphore, #tpu.memory_space<semaphore_mem>> -> memref<1x1x!tpu.dma_semaphore, #tpu.memory_space<semaphore_mem>>
    %dma_wait3A_400 = tpu.memref_squeeze %dma_wait3A_399 : memref<1x1x!tpu.dma_semaphore, #tpu.memory_space<semaphore_mem>> -> memref<!tpu.dma_semaphore, #tpu.memory_space<semaphore_mem>>
    %dma_wait3A_401 = arith.constant 0 : i32
    %dma_wait3A_402 = tpu.memref_slice %arg6[%add3A_310, %dma_wait3A_401] : memref<7680x256xf32, #tpu.memory_space<hbm>> -> memref<48x256xf32, #tpu.memory_space<hbm>>
    %dma_wait3A_403 = arith.constant 0 : i32
    %dma_wait3A_404 = arith.constant 0 : i32
    %dma_wait3A_405 = tpu.memref_slice %arg9[%dma_wait3A_390, %dma_wait3A_403, %dma_wait3A_404] : memref<2x48x256xf32, #tpu.memory_space<vmem>> -> memref<1x48x256xf32, #tpu.memory_space<vmem>>
    %dma_wait3A_406 = tpu.memref_squeeze %dma_wait3A_405 : memref<1x48x256xf32, #tpu.memory_space<vmem>> -> memref<48x256xf32, #tpu.memory_space<vmem>>
    tpu.wait_dma2 semaphore(%dma_wait3A_400 : memref<!tpu.dma_semaphore, #tpu.memory_space<semaphore_mem>>) src(%dma_wait3A_406 : memref<48x256xf32, #tpu.memory_space<vmem>>) dst(%dma_wait3A_402 : memref<48x256xf32, #tpu.memory_space<hbm>>)
    %dma_start3A_407 = arith.constant 0 : i32
    %dma_start3A_408 = arith.constant 0 : i32
    %dma_start3A_409 = arith.constant 0 : i32
    %dma_start3A_410 = arith.constant 0 : i32
    %dma_start3A_411 = arith.constant 0 : i32
    %dma_start3A_412 = tpu.memref_slice %arg8[%dma_start3A_407, %dma_start3A_410, %dma_start3A_411] : memref<2x48x512xf32, #tpu.memory_space<vmem>> -> memref<1x48x512xf32, #tpu.memory_space<vmem>>
    %dma_start3A_413 = tpu.memref_squeeze %dma_start3A_412 : memref<1x48x512xf32, #tpu.memory_space<vmem>> -> memref<48x512xf32, #tpu.memory_space<vmem>>
    %dma_start3A_414 = arith.constant 192 : i32
    %dma_start3A_415 = tpu.memref_slice %arg7[%dma_start3A_414] : memref<240xi32, #tpu.memory_space<vmem>> -> memref<48xi32, #tpu.memory_space<vmem>>
    %dma_start3A_416 = arith.constant 0 : i32
    %dma_start3A_417 = arith.constant 0 : i32
    %dma_start3A_418 = tpu.memref_slice %arg3[%dma_start3A_416, %dma_start3A_417] : memref<50000x512xf32, #tpu.memory_space<hbm>> -> memref<50000x512xf32, #tpu.memory_space<hbm>>
    %dma_start3A_419 = tpu.memref_slice %arg10[%dma_start3A_408, %dma_start3A_409] : memref<2x2x!tpu.dma_semaphore, #tpu.memory_space<semaphore_mem>> -> memref<1x1x!tpu.dma_semaphore, #tpu.memory_space<semaphore_mem>>
    %dma_start3A_420 = tpu.memref_squeeze %dma_start3A_419 : memref<1x1x!tpu.dma_semaphore, #tpu.memory_space<semaphore_mem>> -> memref<!tpu.dma_semaphore, #tpu.memory_space<semaphore_mem>>
    tpu.enqueue_indirect_dma source(%dma_start3A_418 : memref<50000x512xf32, #tpu.memory_space<hbm>>) target(%dma_start3A_413 : memref<48x512xf32, #tpu.memory_space<vmem>>) offsets(%dma_start3A_415 : memref<48xi32, #tpu.memory_space<vmem>>) semaphore(%dma_start3A_420 : memref<!tpu.dma_semaphore, #tpu.memory_space<semaphore_mem>>)
    %dma_start3A_421 = arith.constant 0 : i32
    %dma_start3A_422 = arith.constant 1 : i32
    %dma_start3A_423 = arith.constant 0 : i32
    %dma_start3A_424 = arith.constant 0 : i32
    %dma_start3A_425 = arith.constant 0 : i32
    %dma_start3A_426 = tpu.memref_slice %arg9[%dma_start3A_421, %dma_start3A_424, %dma_start3A_425] : memref<2x48x256xf32, #tpu.memory_space<vmem>> -> memref<1x48x256xf32, #tpu.memory_space<vmem>>
    %dma_start3A_427 = tpu.memref_squeeze %dma_start3A_426 : memref<1x48x256xf32, #tpu.memory_space<vmem>> -> memref<48x256xf32, #tpu.memory_space<vmem>>
    %dma_start3A_428 = arith.constant 192 : i32
    %dma_start3A_429 = tpu.memref_slice %arg7[%dma_start3A_428] : memref<240xi32, #tpu.memory_space<vmem>> -> memref<48xi32, #tpu.memory_space<vmem>>
    %dma_start3A_430 = arith.constant 0 : i32
    %dma_start3A_431 = arith.constant 0 : i32
    %dma_start3A_432 = tpu.memref_slice %arg4[%dma_start3A_430, %dma_start3A_431] : memref<50000x256xf32, #tpu.memory_space<hbm>> -> memref<50000x256xf32, #tpu.memory_space<hbm>>
    %dma_start3A_433 = tpu.memref_slice %arg10[%dma_start3A_422, %dma_start3A_423] : memref<2x2x!tpu.dma_semaphore, #tpu.memory_space<semaphore_mem>> -> memref<1x1x!tpu.dma_semaphore, #tpu.memory_space<semaphore_mem>>
    %dma_start3A_434 = tpu.memref_squeeze %dma_start3A_433 : memref<1x1x!tpu.dma_semaphore, #tpu.memory_space<semaphore_mem>> -> memref<!tpu.dma_semaphore, #tpu.memory_space<semaphore_mem>>
    tpu.enqueue_indirect_dma source(%dma_start3A_432 : memref<50000x256xf32, #tpu.memory_space<hbm>>) target(%dma_start3A_427 : memref<48x256xf32, #tpu.memory_space<vmem>>) offsets(%dma_start3A_429 : memref<48xi32, #tpu.memory_space<vmem>>) semaphore(%dma_start3A_434 : memref<!tpu.dma_semaphore, #tpu.memory_space<semaphore_mem>>)
    %add3A_435 = arith.constant 144 : i32
    %add3A_436 = arith.addi %mul3A_2, %add3A_435 : i32
    %dma_wait3A_437 = arith.constant 1 : i32
    %dma_wait3A_438 = arith.constant 0 : i32
    %dma_wait3A_439 = arith.constant 1 : i32
    %dma_wait3A_440 = arith.constant 0 : i32
    %dma_wait3A_441 = arith.constant 0 : i32
    %dma_wait3A_442 = tpu.memref_slice %arg8[%dma_wait3A_437, %dma_wait3A_440, %dma_wait3A_441] : memref<2x48x512xf32, #tpu.memory_space<vmem>> -> memref<1x48x512xf32, #tpu.memory_space<vmem>>
    %dma_wait3A_443 = tpu.memref_squeeze %dma_wait3A_442 : memref<1x48x512xf32, #tpu.memory_space<vmem>> -> memref<48x512xf32, #tpu.memory_space<vmem>>
    %dma_wait3A_444 = arith.constant 144 : i32
    %dma_wait3A_445 = tpu.memref_slice %arg7[%dma_wait3A_444] : memref<240xi32, #tpu.memory_space<vmem>> -> memref<48xi32, #tpu.memory_space<vmem>>
    %dma_wait3A_446 = arith.constant 0 : i32
    %dma_wait3A_447 = arith.constant 0 : i32
    %dma_wait3A_448 = tpu.memref_slice %arg3[%dma_wait3A_446, %dma_wait3A_447] : memref<50000x512xf32, #tpu.memory_space<hbm>> -> memref<50000x512xf32, #tpu.memory_space<hbm>>
    %dma_wait3A_449 = tpu.memref_slice %arg10[%dma_wait3A_438, %dma_wait3A_439] : memref<2x2x!tpu.dma_semaphore, #tpu.memory_space<semaphore_mem>> -> memref<1x1x!tpu.dma_semaphore, #tpu.memory_space<semaphore_mem>>
    %dma_wait3A_450 = tpu.memref_squeeze %dma_wait3A_449 : memref<1x1x!tpu.dma_semaphore, #tpu.memory_space<semaphore_mem>> -> memref<!tpu.dma_semaphore, #tpu.memory_space<semaphore_mem>>
    tpu.wait_indirect_dma semaphore(%dma_wait3A_450 : memref<!tpu.dma_semaphore, #tpu.memory_space<semaphore_mem>>) src(%dma_wait3A_448 : memref<50000x512xf32, #tpu.memory_space<hbm>>) dst(%dma_wait3A_443 : memref<48x512xf32, #tpu.memory_space<vmem>>)
    %dma_start3A_451 = arith.constant 1 : i32
    %dma_start3A_452 = arith.constant 0 : i32
    %dma_start3A_453 = arith.constant 1 : i32
    %dma_start3A_454 = arith.constant 0 : i32
    %dma_start3A_455 = arith.constant 0 : i32
    %dma_start3A_456 = tpu.memref_slice %arg8[%dma_start3A_451, %dma_start3A_454, %dma_start3A_455] : memref<2x48x512xf32, #tpu.memory_space<vmem>> -> memref<1x48x512xf32, #tpu.memory_space<vmem>>
    %dma_start3A_457 = tpu.memref_squeeze %dma_start3A_456 : memref<1x48x512xf32, #tpu.memory_space<vmem>> -> memref<48x512xf32, #tpu.memory_space<vmem>>
    %dma_start3A_458 = arith.constant 0 : i32
    %dma_start3A_459 = tpu.memref_slice %arg5[%add3A_436, %dma_start3A_458] : memref<7680x512xf32, #tpu.memory_space<hbm>> -> memref<48x512xf32, #tpu.memory_space<hbm>>
    %dma_start3A_460 = tpu.memref_slice %arg11[%dma_start3A_452, %dma_start3A_453] : memref<2x2x!tpu.dma_semaphore, #tpu.memory_space<semaphore_mem>> -> memref<1x1x!tpu.dma_semaphore, #tpu.memory_space<semaphore_mem>>
    %dma_start3A_461 = tpu.memref_squeeze %dma_start3A_460 : memref<1x1x!tpu.dma_semaphore, #tpu.memory_space<semaphore_mem>> -> memref<!tpu.dma_semaphore, #tpu.memory_space<semaphore_mem>>
    %dma_start3A_462 = arith.constant 0 : i32
    %dma_start3A_463 = tpu.memref_slice %arg5[%add3A_436, %dma_start3A_462] : memref<7680x512xf32, #tpu.memory_space<hbm>> -> memref<48x512xf32, #tpu.memory_space<hbm>>
    %dma_start3A_464 = arith.constant 0 : i32
    %dma_start3A_465 = arith.constant 0 : i32
    %dma_start3A_466 = tpu.memref_slice %arg8[%dma_start3A_451, %dma_start3A_464, %dma_start3A_465] : memref<2x48x512xf32, #tpu.memory_space<vmem>> -> memref<1x48x512xf32, #tpu.memory_space<vmem>>
    %dma_start3A_467 = tpu.memref_squeeze %dma_start3A_466 : memref<1x48x512xf32, #tpu.memory_space<vmem>> -> memref<48x512xf32, #tpu.memory_space<vmem>>
    tpu.enqueue_dma source(%dma_start3A_467 : memref<48x512xf32, #tpu.memory_space<vmem>>) target(%dma_start3A_463 : memref<48x512xf32, #tpu.memory_space<hbm>>) target_semaphore(%dma_start3A_461 : memref<!tpu.dma_semaphore, #tpu.memory_space<semaphore_mem>>)
    %dma_wait3A_468 = arith.constant 1 : i32
    %dma_wait3A_469 = arith.constant 1 : i32
    %dma_wait3A_470 = arith.constant 1 : i32
    %dma_wait3A_471 = arith.constant 0 : i32
    %dma_wait3A_472 = arith.constant 0 : i32
    %dma_wait3A_473 = tpu.memref_slice %arg9[%dma_wait3A_468, %dma_wait3A_471, %dma_wait3A_472] : memref<2x48x256xf32, #tpu.memory_space<vmem>> -> memref<1x48x256xf32, #tpu.memory_space<vmem>>
    %dma_wait3A_474 = tpu.memref_squeeze %dma_wait3A_473 : memref<1x48x256xf32, #tpu.memory_space<vmem>> -> memref<48x256xf32, #tpu.memory_space<vmem>>
    %dma_wait3A_475 = arith.constant 144 : i32
    %dma_wait3A_476 = tpu.memref_slice %arg7[%dma_wait3A_475] : memref<240xi32, #tpu.memory_space<vmem>> -> memref<48xi32, #tpu.memory_space<vmem>>
    %dma_wait3A_477 = arith.constant 0 : i32
    %dma_wait3A_478 = arith.constant 0 : i32
    %dma_wait3A_479 = tpu.memref_slice %arg4[%dma_wait3A_477, %dma_wait3A_478] : memref<50000x256xf32, #tpu.memory_space<hbm>> -> memref<50000x256xf32, #tpu.memory_space<hbm>>
    %dma_wait3A_480 = tpu.memref_slice %arg10[%dma_wait3A_469, %dma_wait3A_470] : memref<2x2x!tpu.dma_semaphore, #tpu.memory_space<semaphore_mem>> -> memref<1x1x!tpu.dma_semaphore, #tpu.memory_space<semaphore_mem>>
    %dma_wait3A_481 = tpu.memref_squeeze %dma_wait3A_480 : memref<1x1x!tpu.dma_semaphore, #tpu.memory_space<semaphore_mem>> -> memref<!tpu.dma_semaphore, #tpu.memory_space<semaphore_mem>>
    tpu.wait_indirect_dma semaphore(%dma_wait3A_481 : memref<!tpu.dma_semaphore, #tpu.memory_space<semaphore_mem>>) src(%dma_wait3A_479 : memref<50000x256xf32, #tpu.memory_space<hbm>>) dst(%dma_wait3A_474 : memref<48x256xf32, #tpu.memory_space<vmem>>)
    %dma_start3A_482 = arith.constant 1 : i32
    %dma_start3A_483 = arith.constant 1 : i32
    %dma_start3A_484 = arith.constant 1 : i32
    %dma_start3A_485 = arith.constant 0 : i32
    %dma_start3A_486 = arith.constant 0 : i32
    %dma_start3A_487 = tpu.memref_slice %arg9[%dma_start3A_482, %dma_start3A_485, %dma_start3A_486] : memref<2x48x256xf32, #tpu.memory_space<vmem>> -> memref<1x48x256xf32, #tpu.memory_space<vmem>>
    %dma_start3A_488 = tpu.memref_squeeze %dma_start3A_487 : memref<1x48x256xf32, #tpu.memory_space<vmem>> -> memref<48x256xf32, #tpu.memory_space<vmem>>
    %dma_start3A_489 = arith.constant 0 : i32
    %dma_start3A_490 = tpu.memref_slice %arg6[%add3A_436, %dma_start3A_489] : memref<7680x256xf32, #tpu.memory_space<hbm>> -> memref<48x256xf32, #tpu.memory_space<hbm>>
    %dma_start3A_491 = tpu.memref_slice %arg11[%dma_start3A_483, %dma_start3A_484] : memref<2x2x!tpu.dma_semaphore, #tpu.memory_space<semaphore_mem>> -> memref<1x1x!tpu.dma_semaphore, #tpu.memory_space<semaphore_mem>>
    %dma_start3A_492 = tpu.memref_squeeze %dma_start3A_491 : memref<1x1x!tpu.dma_semaphore, #tpu.memory_space<semaphore_mem>> -> memref<!tpu.dma_semaphore, #tpu.memory_space<semaphore_mem>>
    %dma_start3A_493 = arith.constant 0 : i32
    %dma_start3A_494 = tpu.memref_slice %arg6[%add3A_436, %dma_start3A_493] : memref<7680x256xf32, #tpu.memory_space<hbm>> -> memref<48x256xf32, #tpu.memory_space<hbm>>
    %dma_start3A_495 = arith.constant 0 : i32
    %dma_start3A_496 = arith.constant 0 : i32
    %dma_start3A_497 = tpu.memref_slice %arg9[%dma_start3A_482, %dma_start3A_495, %dma_start3A_496] : memref<2x48x256xf32, #tpu.memory_space<vmem>> -> memref<1x48x256xf32, #tpu.memory_space<vmem>>
    %dma_start3A_498 = tpu.memref_squeeze %dma_start3A_497 : memref<1x48x256xf32, #tpu.memory_space<vmem>> -> memref<48x256xf32, #tpu.memory_space<vmem>>
    tpu.enqueue_dma source(%dma_start3A_498 : memref<48x256xf32, #tpu.memory_space<vmem>>) target(%dma_start3A_494 : memref<48x256xf32, #tpu.memory_space<hbm>>) target_semaphore(%dma_start3A_492 : memref<!tpu.dma_semaphore, #tpu.memory_space<semaphore_mem>>)
    %add3A_499 = arith.constant 192 : i32
    %add3A_500 = arith.addi %mul3A_2, %add3A_499 : i32
    %dma_wait3A_501 = arith.constant 0 : i32
    %dma_wait3A_502 = arith.constant 0 : i32
    %dma_wait3A_503 = arith.constant 0 : i32
    %dma_wait3A_504 = arith.constant 0 : i32
    %dma_wait3A_505 = arith.constant 0 : i32
    %dma_wait3A_506 = tpu.memref_slice %arg8[%dma_wait3A_501, %dma_wait3A_504, %dma_wait3A_505] : memref<2x48x512xf32, #tpu.memory_space<vmem>> -> memref<1x48x512xf32, #tpu.memory_space<vmem>>
    %dma_wait3A_507 = tpu.memref_squeeze %dma_wait3A_506 : memref<1x48x512xf32, #tpu.memory_space<vmem>> -> memref<48x512xf32, #tpu.memory_space<vmem>>
    %dma_wait3A_508 = arith.constant 192 : i32
    %dma_wait3A_509 = tpu.memref_slice %arg7[%dma_wait3A_508] : memref<240xi32, #tpu.memory_space<vmem>> -> memref<48xi32, #tpu.memory_space<vmem>>
    %dma_wait3A_510 = arith.constant 0 : i32
    %dma_wait3A_511 = arith.constant 0 : i32
    %dma_wait3A_512 = tpu.memref_slice %arg3[%dma_wait3A_510, %dma_wait3A_511] : memref<50000x512xf32, #tpu.memory_space<hbm>> -> memref<50000x512xf32, #tpu.memory_space<hbm>>
    %dma_wait3A_513 = tpu.memref_slice %arg10[%dma_wait3A_502, %dma_wait3A_503] : memref<2x2x!tpu.dma_semaphore, #tpu.memory_space<semaphore_mem>> -> memref<1x1x!tpu.dma_semaphore, #tpu.memory_space<semaphore_mem>>
    %dma_wait3A_514 = tpu.memref_squeeze %dma_wait3A_513 : memref<1x1x!tpu.dma_semaphore, #tpu.memory_space<semaphore_mem>> -> memref<!tpu.dma_semaphore, #tpu.memory_space<semaphore_mem>>
    tpu.wait_indirect_dma semaphore(%dma_wait3A_514 : memref<!tpu.dma_semaphore, #tpu.memory_space<semaphore_mem>>) src(%dma_wait3A_512 : memref<50000x512xf32, #tpu.memory_space<hbm>>) dst(%dma_wait3A_507 : memref<48x512xf32, #tpu.memory_space<vmem>>)
    %dma_start3A_515 = arith.constant 0 : i32
    %dma_start3A_516 = arith.constant 0 : i32
    %dma_start3A_517 = arith.constant 0 : i32
    %dma_start3A_518 = arith.constant 0 : i32
    %dma_start3A_519 = arith.constant 0 : i32
    %dma_start3A_520 = tpu.memref_slice %arg8[%dma_start3A_515, %dma_start3A_518, %dma_start3A_519] : memref<2x48x512xf32, #tpu.memory_space<vmem>> -> memref<1x48x512xf32, #tpu.memory_space<vmem>>
    %dma_start3A_521 = tpu.memref_squeeze %dma_start3A_520 : memref<1x48x512xf32, #tpu.memory_space<vmem>> -> memref<48x512xf32, #tpu.memory_space<vmem>>
    %dma_start3A_522 = arith.constant 0 : i32
    %dma_start3A_523 = tpu.memref_slice %arg5[%add3A_500, %dma_start3A_522] : memref<7680x512xf32, #tpu.memory_space<hbm>> -> memref<48x512xf32, #tpu.memory_space<hbm>>
    %dma_start3A_524 = tpu.memref_slice %arg11[%dma_start3A_516, %dma_start3A_517] : memref<2x2x!tpu.dma_semaphore, #tpu.memory_space<semaphore_mem>> -> memref<1x1x!tpu.dma_semaphore, #tpu.memory_space<semaphore_mem>>
    %dma_start3A_525 = tpu.memref_squeeze %dma_start3A_524 : memref<1x1x!tpu.dma_semaphore, #tpu.memory_space<semaphore_mem>> -> memref<!tpu.dma_semaphore, #tpu.memory_space<semaphore_mem>>
    %dma_start3A_526 = arith.constant 0 : i32
    %dma_start3A_527 = tpu.memref_slice %arg5[%add3A_500, %dma_start3A_526] : memref<7680x512xf32, #tpu.memory_space<hbm>> -> memref<48x512xf32, #tpu.memory_space<hbm>>
    %dma_start3A_528 = arith.constant 0 : i32
    %dma_start3A_529 = arith.constant 0 : i32
    %dma_start3A_530 = tpu.memref_slice %arg8[%dma_start3A_515, %dma_start3A_528, %dma_start3A_529] : memref<2x48x512xf32, #tpu.memory_space<vmem>> -> memref<1x48x512xf32, #tpu.memory_space<vmem>>
    %dma_start3A_531 = tpu.memref_squeeze %dma_start3A_530 : memref<1x48x512xf32, #tpu.memory_space<vmem>> -> memref<48x512xf32, #tpu.memory_space<vmem>>
    tpu.enqueue_dma source(%dma_start3A_531 : memref<48x512xf32, #tpu.memory_space<vmem>>) target(%dma_start3A_527 : memref<48x512xf32, #tpu.memory_space<hbm>>) target_semaphore(%dma_start3A_525 : memref<!tpu.dma_semaphore, #tpu.memory_space<semaphore_mem>>)
    %dma_wait3A_532 = arith.constant 0 : i32
    %dma_wait3A_533 = arith.constant 1 : i32
    %dma_wait3A_534 = arith.constant 0 : i32
    %dma_wait3A_535 = arith.constant 0 : i32
    %dma_wait3A_536 = arith.constant 0 : i32
    %dma_wait3A_537 = tpu.memref_slice %arg9[%dma_wait3A_532, %dma_wait3A_535, %dma_wait3A_536] : memref<2x48x256xf32, #tpu.memory_space<vmem>> -> memref<1x48x256xf32, #tpu.memory_space<vmem>>
    %dma_wait3A_538 = tpu.memref_squeeze %dma_wait3A_537 : memref<1x48x256xf32, #tpu.memory_space<vmem>> -> memref<48x256xf32, #tpu.memory_space<vmem>>
    %dma_wait3A_539 = arith.constant 192 : i32
    %dma_wait3A_540 = tpu.memref_slice %arg7[%dma_wait3A_539] : memref<240xi32, #tpu.memory_space<vmem>> -> memref<48xi32, #tpu.memory_space<vmem>>
    %dma_wait3A_541 = arith.constant 0 : i32
    %dma_wait3A_542 = arith.constant 0 : i32
    %dma_wait3A_543 = tpu.memref_slice %arg4[%dma_wait3A_541, %dma_wait3A_542] : memref<50000x256xf32, #tpu.memory_space<hbm>> -> memref<50000x256xf32, #tpu.memory_space<hbm>>
    %dma_wait3A_544 = tpu.memref_slice %arg10[%dma_wait3A_533, %dma_wait3A_534] : memref<2x2x!tpu.dma_semaphore, #tpu.memory_space<semaphore_mem>> -> memref<1x1x!tpu.dma_semaphore, #tpu.memory_space<semaphore_mem>>
    %dma_wait3A_545 = tpu.memref_squeeze %dma_wait3A_544 : memref<1x1x!tpu.dma_semaphore, #tpu.memory_space<semaphore_mem>> -> memref<!tpu.dma_semaphore, #tpu.memory_space<semaphore_mem>>
    tpu.wait_indirect_dma semaphore(%dma_wait3A_545 : memref<!tpu.dma_semaphore, #tpu.memory_space<semaphore_mem>>) src(%dma_wait3A_543 : memref<50000x256xf32, #tpu.memory_space<hbm>>) dst(%dma_wait3A_538 : memref<48x256xf32, #tpu.memory_space<vmem>>)
    %dma_start3A_546 = arith.constant 0 : i32
    %dma_start3A_547 = arith.constant 1 : i32
    %dma_start3A_548 = arith.constant 0 : i32
    %dma_start3A_549 = arith.constant 0 : i32
    %dma_start3A_550 = arith.constant 0 : i32
    %dma_start3A_551 = tpu.memref_slice %arg9[%dma_start3A_546, %dma_start3A_549, %dma_start3A_550] : memref<2x48x256xf32, #tpu.memory_space<vmem>> -> memref<1x48x256xf32, #tpu.memory_space<vmem>>
    %dma_start3A_552 = tpu.memref_squeeze %dma_start3A_551 : memref<1x48x256xf32, #tpu.memory_space<vmem>> -> memref<48x256xf32, #tpu.memory_space<vmem>>
    %dma_start3A_553 = arith.constant 0 : i32
    %dma_start3A_554 = tpu.memref_slice %arg6[%add3A_500, %dma_start3A_553] : memref<7680x256xf32, #tpu.memory_space<hbm>> -> memref<48x256xf32, #tpu.memory_space<hbm>>
    %dma_start3A_555 = tpu.memref_slice %arg11[%dma_start3A_547, %dma_start3A_548] : memref<2x2x!tpu.dma_semaphore, #tpu.memory_space<semaphore_mem>> -> memref<1x1x!tpu.dma_semaphore, #tpu.memory_space<semaphore_mem>>
    %dma_start3A_556 = tpu.memref_squeeze %dma_start3A_555 : memref<1x1x!tpu.dma_semaphore, #tpu.memory_space<semaphore_mem>> -> memref<!tpu.dma_semaphore, #tpu.memory_space<semaphore_mem>>
    %dma_start3A_557 = arith.constant 0 : i32
    %dma_start3A_558 = tpu.memref_slice %arg6[%add3A_500, %dma_start3A_557] : memref<7680x256xf32, #tpu.memory_space<hbm>> -> memref<48x256xf32, #tpu.memory_space<hbm>>
    %dma_start3A_559 = arith.constant 0 : i32
    %dma_start3A_560 = arith.constant 0 : i32
    %dma_start3A_561 = tpu.memref_slice %arg9[%dma_start3A_546, %dma_start3A_559, %dma_start3A_560] : memref<2x48x256xf32, #tpu.memory_space<vmem>> -> memref<1x48x256xf32, #tpu.memory_space<vmem>>
    %dma_start3A_562 = tpu.memref_squeeze %dma_start3A_561 : memref<1x48x256xf32, #tpu.memory_space<vmem>> -> memref<48x256xf32, #tpu.memory_space<vmem>>
    tpu.enqueue_dma source(%dma_start3A_562 : memref<48x256xf32, #tpu.memory_space<vmem>>) target(%dma_start3A_558 : memref<48x256xf32, #tpu.memory_space<hbm>>) target_semaphore(%dma_start3A_556 : memref<!tpu.dma_semaphore, #tpu.memory_space<semaphore_mem>>)
    %dma_wait3A_563 = arith.constant 1 : i32
    %dma_wait3A_564 = arith.constant 0 : i32
    %dma_wait3A_565 = arith.constant 1 : i32
    %dma_wait3A_566 = arith.constant 0 : i32
    %dma_wait3A_567 = arith.constant 0 : i32
    %dma_wait3A_568 = tpu.memref_slice %arg8[%dma_wait3A_563, %dma_wait3A_566, %dma_wait3A_567] : memref<2x48x512xf32, #tpu.memory_space<vmem>> -> memref<1x48x512xf32, #tpu.memory_space<vmem>>
    %dma_wait3A_569 = tpu.memref_squeeze %dma_wait3A_568 : memref<1x48x512xf32, #tpu.memory_space<vmem>> -> memref<48x512xf32, #tpu.memory_space<vmem>>
    %dma_wait3A_570 = arith.constant 0 : i32
    %dma_wait3A_571 = tpu.memref_slice %arg5[%add3A_436, %dma_wait3A_570] : memref<7680x512xf32, #tpu.memory_space<hbm>> -> memref<48x512xf32, #tpu.memory_space<hbm>>
    %dma_wait3A_572 = tpu.memref_slice %arg11[%dma_wait3A_564, %dma_wait3A_565] : memref<2x2x!tpu.dma_semaphore, #tpu.memory_space<semaphore_mem>> -> memref<1x1x!tpu.dma_semaphore, #tpu.memory_space<semaphore_mem>>
    %dma_wait3A_573 = tpu.memref_squeeze %dma_wait3A_572 : memref<1x1x!tpu.dma_semaphore, #tpu.memory_space<semaphore_mem>> -> memref<!tpu.dma_semaphore, #tpu.memory_space<semaphore_mem>>
    %dma_wait3A_574 = arith.constant 0 : i32
    %dma_wait3A_575 = tpu.memref_slice %arg5[%add3A_436, %dma_wait3A_574] : memref<7680x512xf32, #tpu.memory_space<hbm>> -> memref<48x512xf32, #tpu.memory_space<hbm>>
    %dma_wait3A_576 = arith.constant 0 : i32
    %dma_wait3A_577 = arith.constant 0 : i32
    %dma_wait3A_578 = tpu.memref_slice %arg8[%dma_wait3A_563, %dma_wait3A_576, %dma_wait3A_577] : memref<2x48x512xf32, #tpu.memory_space<vmem>> -> memref<1x48x512xf32, #tpu.memory_space<vmem>>
    %dma_wait3A_579 = tpu.memref_squeeze %dma_wait3A_578 : memref<1x48x512xf32, #tpu.memory_space<vmem>> -> memref<48x512xf32, #tpu.memory_space<vmem>>
    tpu.wait_dma2 semaphore(%dma_wait3A_573 : memref<!tpu.dma_semaphore, #tpu.memory_space<semaphore_mem>>) src(%dma_wait3A_579 : memref<48x512xf32, #tpu.memory_space<vmem>>) dst(%dma_wait3A_575 : memref<48x512xf32, #tpu.memory_space<hbm>>)
    %dma_wait3A_580 = arith.constant 0 : i32
    %dma_wait3A_581 = arith.constant 0 : i32
    %dma_wait3A_582 = arith.constant 0 : i32
    %dma_wait3A_583 = arith.constant 0 : i32
    %dma_wait3A_584 = arith.constant 0 : i32
    %dma_wait3A_585 = tpu.memref_slice %arg8[%dma_wait3A_580, %dma_wait3A_583, %dma_wait3A_584] : memref<2x48x512xf32, #tpu.memory_space<vmem>> -> memref<1x48x512xf32, #tpu.memory_space<vmem>>
    %dma_wait3A_586 = tpu.memref_squeeze %dma_wait3A_585 : memref<1x48x512xf32, #tpu.memory_space<vmem>> -> memref<48x512xf32, #tpu.memory_space<vmem>>
    %dma_wait3A_587 = arith.constant 0 : i32
    %dma_wait3A_588 = tpu.memref_slice %arg5[%add3A_500, %dma_wait3A_587] : memref<7680x512xf32, #tpu.memory_space<hbm>> -> memref<48x512xf32, #tpu.memory_space<hbm>>
    %dma_wait3A_589 = tpu.memref_slice %arg11[%dma_wait3A_581, %dma_wait3A_582] : memref<2x2x!tpu.dma_semaphore, #tpu.memory_space<semaphore_mem>> -> memref<1x1x!tpu.dma_semaphore, #tpu.memory_space<semaphore_mem>>
    %dma_wait3A_590 = tpu.memref_squeeze %dma_wait3A_589 : memref<1x1x!tpu.dma_semaphore, #tpu.memory_space<semaphore_mem>> -> memref<!tpu.dma_semaphore, #tpu.memory_space<semaphore_mem>>
    %dma_wait3A_591 = arith.constant 0 : i32
    %dma_wait3A_592 = tpu.memref_slice %arg5[%add3A_500, %dma_wait3A_591] : memref<7680x512xf32, #tpu.memory_space<hbm>> -> memref<48x512xf32, #tpu.memory_space<hbm>>
    %dma_wait3A_593 = arith.constant 0 : i32
    %dma_wait3A_594 = arith.constant 0 : i32
    %dma_wait3A_595 = tpu.memref_slice %arg8[%dma_wait3A_580, %dma_wait3A_593, %dma_wait3A_594] : memref<2x48x512xf32, #tpu.memory_space<vmem>> -> memref<1x48x512xf32, #tpu.memory_space<vmem>>
    %dma_wait3A_596 = tpu.memref_squeeze %dma_wait3A_595 : memref<1x48x512xf32, #tpu.memory_space<vmem>> -> memref<48x512xf32, #tpu.memory_space<vmem>>
    tpu.wait_dma2 semaphore(%dma_wait3A_590 : memref<!tpu.dma_semaphore, #tpu.memory_space<semaphore_mem>>) src(%dma_wait3A_596 : memref<48x512xf32, #tpu.memory_space<vmem>>) dst(%dma_wait3A_592 : memref<48x512xf32, #tpu.memory_space<hbm>>)
    %dma_wait3A_597 = arith.constant 1 : i32
    %dma_wait3A_598 = arith.constant 1 : i32
    %dma_wait3A_599 = arith.constant 1 : i32
    %dma_wait3A_600 = arith.constant 0 : i32
    %dma_wait3A_601 = arith.constant 0 : i32
    %dma_wait3A_602 = tpu.memref_slice %arg9[%dma_wait3A_597, %dma_wait3A_600, %dma_wait3A_601] : memref<2x48x256xf32, #tpu.memory_space<vmem>> -> memref<1x48x256xf32, #tpu.memory_space<vmem>>
    %dma_wait3A_603 = tpu.memref_squeeze %dma_wait3A_602 : memref<1x48x256xf32, #tpu.memory_space<vmem>> -> memref<48x256xf32, #tpu.memory_space<vmem>>
    %dma_wait3A_604 = arith.constant 0 : i32
    %dma_wait3A_605 = tpu.memref_slice %arg6[%add3A_436, %dma_wait3A_604] : memref<7680x256xf32, #tpu.memory_space<hbm>> -> memref<48x256xf32, #tpu.memory_space<hbm>>
    %dma_wait3A_606 = tpu.memref_slice %arg11[%dma_wait3A_598, %dma_wait3A_599] : memref<2x2x!tpu.dma_semaphore, #tpu.memory_space<semaphore_mem>> -> memref<1x1x!tpu.dma_semaphore, #tpu.memory_space<semaphore_mem>>
    %dma_wait3A_607 = tpu.memref_squeeze %dma_wait3A_606 : memref<1x1x!tpu.dma_semaphore, #tpu.memory_space<semaphore_mem>> -> memref<!tpu.dma_semaphore, #tpu.memory_space<semaphore_mem>>
    %dma_wait3A_608 = arith.constant 0 : i32
    %dma_wait3A_609 = tpu.memref_slice %arg6[%add3A_436, %dma_wait3A_608] : memref<7680x256xf32, #tpu.memory_space<hbm>> -> memref<48x256xf32, #tpu.memory_space<hbm>>
    %dma_wait3A_610 = arith.constant 0 : i32
    %dma_wait3A_611 = arith.constant 0 : i32
    %dma_wait3A_612 = tpu.memref_slice %arg9[%dma_wait3A_597, %dma_wait3A_610, %dma_wait3A_611] : memref<2x48x256xf32, #tpu.memory_space<vmem>> -> memref<1x48x256xf32, #tpu.memory_space<vmem>>
    %dma_wait3A_613 = tpu.memref_squeeze %dma_wait3A_612 : memref<1x48x256xf32, #tpu.memory_space<vmem>> -> memref<48x256xf32, #tpu.memory_space<vmem>>
    tpu.wait_dma2 semaphore(%dma_wait3A_607 : memref<!tpu.dma_semaphore, #tpu.memory_space<semaphore_mem>>) src(%dma_wait3A_613 : memref<48x256xf32, #tpu.memory_space<vmem>>) dst(%dma_wait3A_609 : memref<48x256xf32, #tpu.memory_space<hbm>>)
    %dma_wait3A_614 = arith.constant 0 : i32
    %dma_wait3A_615 = arith.constant 1 : i32
    %dma_wait3A_616 = arith.constant 0 : i32
    %dma_wait3A_617 = arith.constant 0 : i32
    %dma_wait3A_618 = arith.constant 0 : i32
    %dma_wait3A_619 = tpu.memref_slice %arg9[%dma_wait3A_614, %dma_wait3A_617, %dma_wait3A_618] : memref<2x48x256xf32, #tpu.memory_space<vmem>> -> memref<1x48x256xf32, #tpu.memory_space<vmem>>
    %dma_wait3A_620 = tpu.memref_squeeze %dma_wait3A_619 : memref<1x48x256xf32, #tpu.memory_space<vmem>> -> memref<48x256xf32, #tpu.memory_space<vmem>>
    %dma_wait3A_621 = arith.constant 0 : i32
    %dma_wait3A_622 = tpu.memref_slice %arg6[%add3A_500, %dma_wait3A_621] : memref<7680x256xf32, #tpu.memory_space<hbm>> -> memref<48x256xf32, #tpu.memory_space<hbm>>
    %dma_wait3A_623 = tpu.memref_slice %arg11[%dma_wait3A_615, %dma_wait3A_616] : memref<2x2x!tpu.dma_semaphore, #tpu.memory_space<semaphore_mem>> -> memref<1x1x!tpu.dma_semaphore, #tpu.memory_space<semaphore_mem>>
    %dma_wait3A_624 = tpu.memref_squeeze %dma_wait3A_623 : memref<1x1x!tpu.dma_semaphore, #tpu.memory_space<semaphore_mem>> -> memref<!tpu.dma_semaphore, #tpu.memory_space<semaphore_mem>>
    %dma_wait3A_625 = arith.constant 0 : i32
    %dma_wait3A_626 = tpu.memref_slice %arg6[%add3A_500, %dma_wait3A_625] : memref<7680x256xf32, #tpu.memory_space<hbm>> -> memref<48x256xf32, #tpu.memory_space<hbm>>
    %dma_wait3A_627 = arith.constant 0 : i32
    %dma_wait3A_628 = arith.constant 0 : i32
    %dma_wait3A_629 = tpu.memref_slice %arg9[%dma_wait3A_614, %dma_wait3A_627, %dma_wait3A_628] : memref<2x48x256xf32, #tpu.memory_space<vmem>> -> memref<1x48x256xf32, #tpu.memory_space<vmem>>
    %dma_wait3A_630 = tpu.memref_squeeze %dma_wait3A_629 : memref<1x48x256xf32, #tpu.memory_space<vmem>> -> memref<48x256xf32, #tpu.memory_space<vmem>>
    tpu.wait_dma2 semaphore(%dma_wait3A_624 : memref<!tpu.dma_semaphore, #tpu.memory_space<semaphore_mem>>) src(%dma_wait3A_630 : memref<48x256xf32, #tpu.memory_space<vmem>>) dst(%dma_wait3A_626 : memref<48x256xf32, #tpu.memory_space<hbm>>)
    return
  }
}

#map = affine_map<(d0, d1) -> (0)>
#map1 = affine_map<(d0, d1) -> (0, 0)>
module attributes {stable_mosaic.version = 14 : i64} {
  func.func @_struct_body(%arg0: i32, %arg1: i32, %arg2: memref<7680xi32, #tpu.memory_space<hbm>>, %arg3: memref<301056xf32, #tpu.memory_space<hbm>>, %arg4: memref<480x128xf32, #tpu.memory_space<hbm>>, %arg5: memref<480x128xf32, #tpu.memory_space<hbm>>, %arg6: memref<7680xi32, #tpu.memory_space<vmem>>, %arg7: memref<9408xf32, #tpu.memory_space<vmem>>, %arg8: memref<480x128xf32, #tpu.memory_space<vmem>>, %arg9: memref<5x96xi32, #tpu.memory_space<vmem>>, %arg10: memref<480x128xf32, #tpu.memory_space<vmem_shared>>) attributes {dimension_semantics = [#tpu.dimension_semantics<core_parallel>, #tpu.dimension_semantics<subcore_parallel>], iteration_bounds = array<i64: 2, 16>, scalar_prefetch = 0 : i64, scratch_operands = 5 : i64, tpu.core_type = #tpu.core_type<sc_vector_subcore>, window_params = [{transform_indices = #map}, {transform_indices = #map}, {transform_indices = #map1}, {transform_indices = #map1}]} {
    %mul3A = arith.constant 2 : i32
    %mul3A_0 = arith.muli %arg1, %mul3A : i32
    %add3A = arith.addi %mul3A_0, %arg0 : i32
    %mul3A_1 = arith.constant 1568 : i32
    %mul3A_2 = arith.muli %add3A, %mul3A_1 : i32
    "tpu.region"() ({
      %run_scoped3A_327 = tpu.sem_alloc : memref<!tpu.dma_semaphore, #tpu.memory_space<semaphore_mem>>
      tpu.enqueue_dma source(%arg2 : memref<7680xi32, #tpu.memory_space<hbm>>) target(%arg6 : memref<7680xi32, #tpu.memory_space<vmem>>) target_semaphore(%run_scoped3A_327 : memref<!tpu.dma_semaphore, #tpu.memory_space<semaphore_mem>>)
      tpu.wait_dma2 semaphore(%run_scoped3A_327 : memref<!tpu.dma_semaphore, #tpu.memory_space<semaphore_mem>>) src(%arg2 : memref<7680xi32, #tpu.memory_space<hbm>>) dst(%arg6 : memref<7680xi32, #tpu.memory_space<vmem>>)
      tpu.yield
    }) : () -> ()
    %mul3A_3 = arith.constant 6 : i32
    %mul3A_4 = arith.muli %mul3A_2, %mul3A_3 : i32
    "tpu.region"() ({
      %run_scoped3A_327 = tpu.sem_alloc : memref<!tpu.dma_semaphore, #tpu.memory_space<semaphore_mem>>
      %dma_start3A = tpu.memref_slice %arg3[%mul3A_4] : memref<301056xf32, #tpu.memory_space<hbm>> -> memref<9408xf32, #tpu.memory_space<hbm>>
      %dma_start3A_328 = tpu.memref_slice %arg3[%mul3A_4] : memref<301056xf32, #tpu.memory_space<hbm>> -> memref<9408xf32, #tpu.memory_space<hbm>>
      tpu.enqueue_dma source(%dma_start3A_328 : memref<9408xf32, #tpu.memory_space<hbm>>) target(%arg7 : memref<9408xf32, #tpu.memory_space<vmem>>) target_semaphore(%run_scoped3A_327 : memref<!tpu.dma_semaphore, #tpu.memory_space<semaphore_mem>>)
      %dma_wait3A = tpu.memref_slice %arg3[%mul3A_4] : memref<301056xf32, #tpu.memory_space<hbm>> -> memref<9408xf32, #tpu.memory_space<hbm>>
      %dma_wait3A_329 = tpu.memref_slice %arg3[%mul3A_4] : memref<301056xf32, #tpu.memory_space<hbm>> -> memref<9408xf32, #tpu.memory_space<hbm>>
      tpu.wait_dma2 semaphore(%run_scoped3A_327 : memref<!tpu.dma_semaphore, #tpu.memory_space<semaphore_mem>>) src(%dma_wait3A_329 : memref<9408xf32, #tpu.memory_space<hbm>>) dst(%arg7 : memref<9408xf32, #tpu.memory_space<vmem>>)
      tpu.yield
    }) : () -> ()
    %broadcast_in_dim3A = arith.constant 0.000000e+00 : f32
    %broadcast_in_dim3A_5 = vector.broadcast %broadcast_in_dim3A : f32 to vector<16xf32>
    %iota3A = tpu.iota {dimensions = array<i32: 0>} : vector<16xi32>
    %scan3A = arith.constant 0 : i32
    %scan3A_6 = arith.constant 0 : i32
    %scan3A_7 = arith.constant 480 : i32
    %scan3A_8 = arith.addi %scan3A_6, %scan3A_7 : i32
    %scan3A_9 = arith.constant 1 : i32
    scf.for %scan3A_327 = %scan3A_6 to %scan3A_8 step %scan3A_9  : i32 {
      %swap3A_328 = arith.index_cast %scan3A_327 : i32 to index
      %swap3A_329 = arith.constant 0 : index
      %swap3A_330 = tpu.vector_load %arg8[%swap3A_328, %swap3A_329] {strides = array<i32>} : memref<480x128xf32, #tpu.memory_space<vmem>>, vector<16xf32>,
      tpu.vector_store %arg8[%swap3A_328, %swap3A_329], %broadcast_in_dim3A_5 {strides = array<i32>} : memref<480x128xf32, #tpu.memory_space<vmem>>, vector<16xf32>,
      %swap3A_331 = arith.index_cast %scan3A_327 : i32 to index
      %swap3A_332 = arith.constant 16 : index
      %swap3A_333 = tpu.vector_load %arg8[%swap3A_331, %swap3A_332] {strides = array<i32>} : memref<480x128xf32, #tpu.memory_space<vmem>>, vector<16xf32>,
      tpu.vector_store %arg8[%swap3A_331, %swap3A_332], %broadcast_in_dim3A_5 {strides = array<i32>} : memref<480x128xf32, #tpu.memory_space<vmem>>, vector<16xf32>,
      %swap3A_334 = arith.index_cast %scan3A_327 : i32 to index
      %swap3A_335 = arith.constant 32 : index
      %swap3A_336 = tpu.vector_load %arg8[%swap3A_334, %swap3A_335] {strides = array<i32>} : memref<480x128xf32, #tpu.memory_space<vmem>>, vector<16xf32>,
      tpu.vector_store %arg8[%swap3A_334, %swap3A_335], %broadcast_in_dim3A_5 {strides = array<i32>} : memref<480x128xf32, #tpu.memory_space<vmem>>, vector<16xf32>,
      %swap3A_337 = arith.index_cast %scan3A_327 : i32 to index
      %swap3A_338 = arith.constant 48 : index
      %swap3A_339 = tpu.vector_load %arg8[%swap3A_337, %swap3A_338] {strides = array<i32>} : memref<480x128xf32, #tpu.memory_space<vmem>>, vector<16xf32>,
      tpu.vector_store %arg8[%swap3A_337, %swap3A_338], %broadcast_in_dim3A_5 {strides = array<i32>} : memref<480x128xf32, #tpu.memory_space<vmem>>, vector<16xf32>,
      %swap3A_340 = arith.index_cast %scan3A_327 : i32 to index
      %swap3A_341 = arith.constant 64 : index
      %swap3A_342 = tpu.vector_load %arg8[%swap3A_340, %swap3A_341] {strides = array<i32>} : memref<480x128xf32, #tpu.memory_space<vmem>>, vector<16xf32>,
      tpu.vector_store %arg8[%swap3A_340, %swap3A_341], %broadcast_in_dim3A_5 {strides = array<i32>} : memref<480x128xf32, #tpu.memory_space<vmem>>, vector<16xf32>,
      %swap3A_343 = arith.index_cast %scan3A_327 : i32 to index
      %swap3A_344 = arith.constant 80 : index
      %swap3A_345 = tpu.vector_load %arg8[%swap3A_343, %swap3A_344] {strides = array<i32>} : memref<480x128xf32, #tpu.memory_space<vmem>>, vector<16xf32>,
      tpu.vector_store %arg8[%swap3A_343, %swap3A_344], %broadcast_in_dim3A_5 {strides = array<i32>} : memref<480x128xf32, #tpu.memory_space<vmem>>, vector<16xf32>,
      %swap3A_346 = arith.index_cast %scan3A_327 : i32 to index
      %swap3A_347 = arith.constant 96 : index
      %swap3A_348 = tpu.vector_load %arg8[%swap3A_346, %swap3A_347] {strides = array<i32>} : memref<480x128xf32, #tpu.memory_space<vmem>>, vector<16xf32>,
      tpu.vector_store %arg8[%swap3A_346, %swap3A_347], %broadcast_in_dim3A_5 {strides = array<i32>} : memref<480x128xf32, #tpu.memory_space<vmem>>, vector<16xf32>,
      %swap3A_349 = arith.index_cast %scan3A_327 : i32 to index
      %swap3A_350 = arith.constant 112 : index
      %swap3A_351 = tpu.vector_load %arg8[%swap3A_349, %swap3A_350] {strides = array<i32>} : memref<480x128xf32, #tpu.memory_space<vmem>>, vector<16xf32>,
      tpu.vector_store %arg8[%swap3A_349, %swap3A_350], %broadcast_in_dim3A_5 {strides = array<i32>} : memref<480x128xf32, #tpu.memory_space<vmem>>, vector<16xf32>,
    }
    %scan3A_10 = arith.constant 480 : i32
    %add3A_11 = arith.constant 0 : i32
    %add3A_12 = vector.broadcast %add3A_11 : i32 to vector<16xi32>
    %add3A_13 = arith.addi %iota3A, %add3A_12 : vector<16xi32>
    %add3A_14 = arith.constant 0 : i32
    %add3A_15 = vector.broadcast %add3A_14 : i32 to vector<16xi32>
    %add3A_16 = arith.addi %add3A_13, %add3A_15 : vector<16xi32>
    %swap3A = arith.constant 0 : i32
    %swap3A_17 = arith.index_cast %swap3A : i32 to index
    %swap3A_18 = arith.constant 0 : index
    %swap3A_19 = tpu.vector_load %arg9[%swap3A_17, %swap3A_18] {strides = array<i32>} : memref<5x96xi32, #tpu.memory_space<vmem>>, vector<16xi32>,
    tpu.vector_store %arg9[%swap3A_17, %swap3A_18], %add3A_16 {strides = array<i32>} : memref<5x96xi32, #tpu.memory_space<vmem>>, vector<16xi32>,
    %add3A_20 = arith.constant 0 : i32
    %add3A_21 = vector.broadcast %add3A_20 : i32 to vector<16xi32>
    %add3A_22 = arith.addi %iota3A, %add3A_21 : vector<16xi32>
    %add3A_23 = arith.constant 16 : i32
    %add3A_24 = vector.broadcast %add3A_23 : i32 to vector<16xi32>
    %add3A_25 = arith.addi %add3A_22, %add3A_24 : vector<16xi32>
    %swap3A_26 = arith.constant 0 : i32
    %swap3A_27 = arith.index_cast %swap3A_26 : i32 to index
    %swap3A_28 = arith.constant 16 : index
    %swap3A_29 = tpu.vector_load %arg9[%swap3A_27, %swap3A_28] {strides = array<i32>} : memref<5x96xi32, #tpu.memory_space<vmem>>, vector<16xi32>,
    tpu.vector_store %arg9[%swap3A_27, %swap3A_28], %add3A_25 {strides = array<i32>} : memref<5x96xi32, #tpu.memory_space<vmem>>, vector<16xi32>,
    %add3A_30 = arith.constant 0 : i32
    %add3A_31 = vector.broadcast %add3A_30 : i32 to vector<16xi32>
    %add3A_32 = arith.addi %iota3A, %add3A_31 : vector<16xi32>
    %add3A_33 = arith.constant 32 : i32
    %add3A_34 = vector.broadcast %add3A_33 : i32 to vector<16xi32>
    %add3A_35 = arith.addi %add3A_32, %add3A_34 : vector<16xi32>
    %swap3A_36 = arith.constant 0 : i32
    %swap3A_37 = arith.index_cast %swap3A_36 : i32 to index
    %swap3A_38 = arith.constant 32 : index
    %swap3A_39 = tpu.vector_load %arg9[%swap3A_37, %swap3A_38] {strides = array<i32>} : memref<5x96xi32, #tpu.memory_space<vmem>>, vector<16xi32>,
    tpu.vector_store %arg9[%swap3A_37, %swap3A_38], %add3A_35 {strides = array<i32>} : memref<5x96xi32, #tpu.memory_space<vmem>>, vector<16xi32>,
    %add3A_40 = arith.constant 0 : i32
    %add3A_41 = vector.broadcast %add3A_40 : i32 to vector<16xi32>
    %add3A_42 = arith.addi %iota3A, %add3A_41 : vector<16xi32>
    %add3A_43 = arith.constant 48 : i32
    %add3A_44 = vector.broadcast %add3A_43 : i32 to vector<16xi32>
    %add3A_45 = arith.addi %add3A_42, %add3A_44 : vector<16xi32>
    %swap3A_46 = arith.constant 0 : i32
    %swap3A_47 = arith.index_cast %swap3A_46 : i32 to index
    %swap3A_48 = arith.constant 48 : index
    %swap3A_49 = tpu.vector_load %arg9[%swap3A_47, %swap3A_48] {strides = array<i32>} : memref<5x96xi32, #tpu.memory_space<vmem>>, vector<16xi32>,
    tpu.vector_store %arg9[%swap3A_47, %swap3A_48], %add3A_45 {strides = array<i32>} : memref<5x96xi32, #tpu.memory_space<vmem>>, vector<16xi32>,
    %add3A_50 = arith.constant 0 : i32
    %add3A_51 = vector.broadcast %add3A_50 : i32 to vector<16xi32>
    %add3A_52 = arith.addi %iota3A, %add3A_51 : vector<16xi32>
    %add3A_53 = arith.constant 64 : i32
    %add3A_54 = vector.broadcast %add3A_53 : i32 to vector<16xi32>
    %add3A_55 = arith.addi %add3A_52, %add3A_54 : vector<16xi32>
    %swap3A_56 = arith.constant 0 : i32
    %swap3A_57 = arith.index_cast %swap3A_56 : i32 to index
    %swap3A_58 = arith.constant 64 : index
    %swap3A_59 = tpu.vector_load %arg9[%swap3A_57, %swap3A_58] {strides = array<i32>} : memref<5x96xi32, #tpu.memory_space<vmem>>, vector<16xi32>,
    tpu.vector_store %arg9[%swap3A_57, %swap3A_58], %add3A_55 {strides = array<i32>} : memref<5x96xi32, #tpu.memory_space<vmem>>, vector<16xi32>,
    %add3A_60 = arith.constant 0 : i32
    %add3A_61 = vector.broadcast %add3A_60 : i32 to vector<16xi32>
    %add3A_62 = arith.addi %iota3A, %add3A_61 : vector<16xi32>
    %add3A_63 = arith.constant 80 : i32
    %add3A_64 = vector.broadcast %add3A_63 : i32 to vector<16xi32>
    %add3A_65 = arith.addi %add3A_62, %add3A_64 : vector<16xi32>
    %swap3A_66 = arith.constant 0 : i32
    %swap3A_67 = arith.index_cast %swap3A_66 : i32 to index
    %swap3A_68 = arith.constant 80 : index
    %swap3A_69 = tpu.vector_load %arg9[%swap3A_67, %swap3A_68] {strides = array<i32>} : memref<5x96xi32, #tpu.memory_space<vmem>>, vector<16xi32>,
    tpu.vector_store %arg9[%swap3A_67, %swap3A_68], %add3A_65 {strides = array<i32>} : memref<5x96xi32, #tpu.memory_space<vmem>>, vector<16xi32>,
    %add3A_70 = arith.constant 96 : i32
    %add3A_71 = vector.broadcast %add3A_70 : i32 to vector<16xi32>
    %add3A_72 = arith.addi %iota3A, %add3A_71 : vector<16xi32>
    %add3A_73 = arith.constant 0 : i32
    %add3A_74 = vector.broadcast %add3A_73 : i32 to vector<16xi32>
    %add3A_75 = arith.addi %add3A_72, %add3A_74 : vector<16xi32>
    %swap3A_76 = arith.constant 1 : i32
    %swap3A_77 = arith.index_cast %swap3A_76 : i32 to index
    %swap3A_78 = arith.constant 0 : index
    %swap3A_79 = tpu.vector_load %arg9[%swap3A_77, %swap3A_78] {strides = array<i32>} : memref<5x96xi32, #tpu.memory_space<vmem>>, vector<16xi32>,
    tpu.vector_store %arg9[%swap3A_77, %swap3A_78], %add3A_75 {strides = array<i32>} : memref<5x96xi32, #tpu.memory_space<vmem>>, vector<16xi32>,
    %add3A_80 = arith.constant 96 : i32
    %add3A_81 = vector.broadcast %add3A_80 : i32 to vector<16xi32>
    %add3A_82 = arith.addi %iota3A, %add3A_81 : vector<16xi32>
    %add3A_83 = arith.constant 16 : i32
    %add3A_84 = vector.broadcast %add3A_83 : i32 to vector<16xi32>
    %add3A_85 = arith.addi %add3A_82, %add3A_84 : vector<16xi32>
    %swap3A_86 = arith.constant 1 : i32
    %swap3A_87 = arith.index_cast %swap3A_86 : i32 to index
    %swap3A_88 = arith.constant 16 : index
    %swap3A_89 = tpu.vector_load %arg9[%swap3A_87, %swap3A_88] {strides = array<i32>} : memref<5x96xi32, #tpu.memory_space<vmem>>, vector<16xi32>,
    tpu.vector_store %arg9[%swap3A_87, %swap3A_88], %add3A_85 {strides = array<i32>} : memref<5x96xi32, #tpu.memory_space<vmem>>, vector<16xi32>,
    %add3A_90 = arith.constant 96 : i32
    %add3A_91 = vector.broadcast %add3A_90 : i32 to vector<16xi32>
    %add3A_92 = arith.addi %iota3A, %add3A_91 : vector<16xi32>
    %add3A_93 = arith.constant 32 : i32
    %add3A_94 = vector.broadcast %add3A_93 : i32 to vector<16xi32>
    %add3A_95 = arith.addi %add3A_92, %add3A_94 : vector<16xi32>
    %swap3A_96 = arith.constant 1 : i32
    %swap3A_97 = arith.index_cast %swap3A_96 : i32 to index
    %swap3A_98 = arith.constant 32 : index
    %swap3A_99 = tpu.vector_load %arg9[%swap3A_97, %swap3A_98] {strides = array<i32>} : memref<5x96xi32, #tpu.memory_space<vmem>>, vector<16xi32>,
    tpu.vector_store %arg9[%swap3A_97, %swap3A_98], %add3A_95 {strides = array<i32>} : memref<5x96xi32, #tpu.memory_space<vmem>>, vector<16xi32>,
    %add3A_100 = arith.constant 96 : i32
    %add3A_101 = vector.broadcast %add3A_100 : i32 to vector<16xi32>
    %add3A_102 = arith.addi %iota3A, %add3A_101 : vector<16xi32>
    %add3A_103 = arith.constant 48 : i32
    %add3A_104 = vector.broadcast %add3A_103 : i32 to vector<16xi32>
    %add3A_105 = arith.addi %add3A_102, %add3A_104 : vector<16xi32>
    %swap3A_106 = arith.constant 1 : i32
    %swap3A_107 = arith.index_cast %swap3A_106 : i32 to index
    %swap3A_108 = arith.constant 48 : index
    %swap3A_109 = tpu.vector_load %arg9[%swap3A_107, %swap3A_108] {strides = array<i32>} : memref<5x96xi32, #tpu.memory_space<vmem>>, vector<16xi32>,
    tpu.vector_store %arg9[%swap3A_107, %swap3A_108], %add3A_105 {strides = array<i32>} : memref<5x96xi32, #tpu.memory_space<vmem>>, vector<16xi32>,
    %add3A_110 = arith.constant 96 : i32
    %add3A_111 = vector.broadcast %add3A_110 : i32 to vector<16xi32>
    %add3A_112 = arith.addi %iota3A, %add3A_111 : vector<16xi32>
    %add3A_113 = arith.constant 64 : i32
    %add3A_114 = vector.broadcast %add3A_113 : i32 to vector<16xi32>
    %add3A_115 = arith.addi %add3A_112, %add3A_114 : vector<16xi32>
    %swap3A_116 = arith.constant 1 : i32
    %swap3A_117 = arith.index_cast %swap3A_116 : i32 to index
    %swap3A_118 = arith.constant 64 : index
    %swap3A_119 = tpu.vector_load %arg9[%swap3A_117, %swap3A_118] {strides = array<i32>} : memref<5x96xi32, #tpu.memory_space<vmem>>, vector<16xi32>,
    tpu.vector_store %arg9[%swap3A_117, %swap3A_118], %add3A_115 {strides = array<i32>} : memref<5x96xi32, #tpu.memory_space<vmem>>, vector<16xi32>,
    %add3A_120 = arith.constant 96 : i32
    %add3A_121 = vector.broadcast %add3A_120 : i32 to vector<16xi32>
    %add3A_122 = arith.addi %iota3A, %add3A_121 : vector<16xi32>
    %add3A_123 = arith.constant 80 : i32
    %add3A_124 = vector.broadcast %add3A_123 : i32 to vector<16xi32>
    %add3A_125 = arith.addi %add3A_122, %add3A_124 : vector<16xi32>
    %swap3A_126 = arith.constant 1 : i32
    %swap3A_127 = arith.index_cast %swap3A_126 : i32 to index
    %swap3A_128 = arith.constant 80 : index
    %swap3A_129 = tpu.vector_load %arg9[%swap3A_127, %swap3A_128] {strides = array<i32>} : memref<5x96xi32, #tpu.memory_space<vmem>>, vector<16xi32>,
    tpu.vector_store %arg9[%swap3A_127, %swap3A_128], %add3A_125 {strides = array<i32>} : memref<5x96xi32, #tpu.memory_space<vmem>>, vector<16xi32>,
    %add3A_130 = arith.constant 192 : i32
    %add3A_131 = vector.broadcast %add3A_130 : i32 to vector<16xi32>
    %add3A_132 = arith.addi %iota3A, %add3A_131 : vector<16xi32>
    %add3A_133 = arith.constant 0 : i32
    %add3A_134 = vector.broadcast %add3A_133 : i32 to vector<16xi32>
    %add3A_135 = arith.addi %add3A_132, %add3A_134 : vector<16xi32>
    %swap3A_136 = arith.constant 2 : i32
    %swap3A_137 = arith.index_cast %swap3A_136 : i32 to index
    %swap3A_138 = arith.constant 0 : index
    %swap3A_139 = tpu.vector_load %arg9[%swap3A_137, %swap3A_138] {strides = array<i32>} : memref<5x96xi32, #tpu.memory_space<vmem>>, vector<16xi32>,
    tpu.vector_store %arg9[%swap3A_137, %swap3A_138], %add3A_135 {strides = array<i32>} : memref<5x96xi32, #tpu.memory_space<vmem>>, vector<16xi32>,
    %add3A_140 = arith.constant 192 : i32
    %add3A_141 = vector.broadcast %add3A_140 : i32 to vector<16xi32>
    %add3A_142 = arith.addi %iota3A, %add3A_141 : vector<16xi32>
    %add3A_143 = arith.constant 16 : i32
    %add3A_144 = vector.broadcast %add3A_143 : i32 to vector<16xi32>
    %add3A_145 = arith.addi %add3A_142, %add3A_144 : vector<16xi32>
    %swap3A_146 = arith.constant 2 : i32
    %swap3A_147 = arith.index_cast %swap3A_146 : i32 to index
    %swap3A_148 = arith.constant 16 : index
    %swap3A_149 = tpu.vector_load %arg9[%swap3A_147, %swap3A_148] {strides = array<i32>} : memref<5x96xi32, #tpu.memory_space<vmem>>, vector<16xi32>,
    tpu.vector_store %arg9[%swap3A_147, %swap3A_148], %add3A_145 {strides = array<i32>} : memref<5x96xi32, #tpu.memory_space<vmem>>, vector<16xi32>,
    %add3A_150 = arith.constant 192 : i32
    %add3A_151 = vector.broadcast %add3A_150 : i32 to vector<16xi32>
    %add3A_152 = arith.addi %iota3A, %add3A_151 : vector<16xi32>
    %add3A_153 = arith.constant 32 : i32
    %add3A_154 = vector.broadcast %add3A_153 : i32 to vector<16xi32>
    %add3A_155 = arith.addi %add3A_152, %add3A_154 : vector<16xi32>
    %swap3A_156 = arith.constant 2 : i32
    %swap3A_157 = arith.index_cast %swap3A_156 : i32 to index
    %swap3A_158 = arith.constant 32 : index
    %swap3A_159 = tpu.vector_load %arg9[%swap3A_157, %swap3A_158] {strides = array<i32>} : memref<5x96xi32, #tpu.memory_space<vmem>>, vector<16xi32>,
    tpu.vector_store %arg9[%swap3A_157, %swap3A_158], %add3A_155 {strides = array<i32>} : memref<5x96xi32, #tpu.memory_space<vmem>>, vector<16xi32>,
    %add3A_160 = arith.constant 192 : i32
    %add3A_161 = vector.broadcast %add3A_160 : i32 to vector<16xi32>
    %add3A_162 = arith.addi %iota3A, %add3A_161 : vector<16xi32>
    %add3A_163 = arith.constant 48 : i32
    %add3A_164 = vector.broadcast %add3A_163 : i32 to vector<16xi32>
    %add3A_165 = arith.addi %add3A_162, %add3A_164 : vector<16xi32>
    %swap3A_166 = arith.constant 2 : i32
    %swap3A_167 = arith.index_cast %swap3A_166 : i32 to index
    %swap3A_168 = arith.constant 48 : index
    %swap3A_169 = tpu.vector_load %arg9[%swap3A_167, %swap3A_168] {strides = array<i32>} : memref<5x96xi32, #tpu.memory_space<vmem>>, vector<16xi32>,
    tpu.vector_store %arg9[%swap3A_167, %swap3A_168], %add3A_165 {strides = array<i32>} : memref<5x96xi32, #tpu.memory_space<vmem>>, vector<16xi32>,
    %add3A_170 = arith.constant 192 : i32
    %add3A_171 = vector.broadcast %add3A_170 : i32 to vector<16xi32>
    %add3A_172 = arith.addi %iota3A, %add3A_171 : vector<16xi32>
    %add3A_173 = arith.constant 64 : i32
    %add3A_174 = vector.broadcast %add3A_173 : i32 to vector<16xi32>
    %add3A_175 = arith.addi %add3A_172, %add3A_174 : vector<16xi32>
    %swap3A_176 = arith.constant 2 : i32
    %swap3A_177 = arith.index_cast %swap3A_176 : i32 to index
    %swap3A_178 = arith.constant 64 : index
    %swap3A_179 = tpu.vector_load %arg9[%swap3A_177, %swap3A_178] {strides = array<i32>} : memref<5x96xi32, #tpu.memory_space<vmem>>, vector<16xi32>,
    tpu.vector_store %arg9[%swap3A_177, %swap3A_178], %add3A_175 {strides = array<i32>} : memref<5x96xi32, #tpu.memory_space<vmem>>, vector<16xi32>,
    %add3A_180 = arith.constant 192 : i32
    %add3A_181 = vector.broadcast %add3A_180 : i32 to vector<16xi32>
    %add3A_182 = arith.addi %iota3A, %add3A_181 : vector<16xi32>
    %add3A_183 = arith.constant 80 : i32
    %add3A_184 = vector.broadcast %add3A_183 : i32 to vector<16xi32>
    %add3A_185 = arith.addi %add3A_182, %add3A_184 : vector<16xi32>
    %swap3A_186 = arith.constant 2 : i32
    %swap3A_187 = arith.index_cast %swap3A_186 : i32 to index
    %swap3A_188 = arith.constant 80 : index
    %swap3A_189 = tpu.vector_load %arg9[%swap3A_187, %swap3A_188] {strides = array<i32>} : memref<5x96xi32, #tpu.memory_space<vmem>>, vector<16xi32>,
    tpu.vector_store %arg9[%swap3A_187, %swap3A_188], %add3A_185 {strides = array<i32>} : memref<5x96xi32, #tpu.memory_space<vmem>>, vector<16xi32>,
    %add3A_190 = arith.constant 288 : i32
    %add3A_191 = vector.broadcast %add3A_190 : i32 to vector<16xi32>
    %add3A_192 = arith.addi %iota3A, %add3A_191 : vector<16xi32>
    %add3A_193 = arith.constant 0 : i32
    %add3A_194 = vector.broadcast %add3A_193 : i32 to vector<16xi32>
    %add3A_195 = arith.addi %add3A_192, %add3A_194 : vector<16xi32>
    %swap3A_196 = arith.constant 3 : i32
    %swap3A_197 = arith.index_cast %swap3A_196 : i32 to index
    %swap3A_198 = arith.constant 0 : index
    %swap3A_199 = tpu.vector_load %arg9[%swap3A_197, %swap3A_198] {strides = array<i32>} : memref<5x96xi32, #tpu.memory_space<vmem>>, vector<16xi32>,
    tpu.vector_store %arg9[%swap3A_197, %swap3A_198], %add3A_195 {strides = array<i32>} : memref<5x96xi32, #tpu.memory_space<vmem>>, vector<16xi32>,
    %add3A_200 = arith.constant 288 : i32
    %add3A_201 = vector.broadcast %add3A_200 : i32 to vector<16xi32>
    %add3A_202 = arith.addi %iota3A, %add3A_201 : vector<16xi32>
    %add3A_203 = arith.constant 16 : i32
    %add3A_204 = vector.broadcast %add3A_203 : i32 to vector<16xi32>
    %add3A_205 = arith.addi %add3A_202, %add3A_204 : vector<16xi32>
    %swap3A_206 = arith.constant 3 : i32
    %swap3A_207 = arith.index_cast %swap3A_206 : i32 to index
    %swap3A_208 = arith.constant 16 : index
    %swap3A_209 = tpu.vector_load %arg9[%swap3A_207, %swap3A_208] {strides = array<i32>} : memref<5x96xi32, #tpu.memory_space<vmem>>, vector<16xi32>,
    tpu.vector_store %arg9[%swap3A_207, %swap3A_208], %add3A_205 {strides = array<i32>} : memref<5x96xi32, #tpu.memory_space<vmem>>, vector<16xi32>,
    %add3A_210 = arith.constant 288 : i32
    %add3A_211 = vector.broadcast %add3A_210 : i32 to vector<16xi32>
    %add3A_212 = arith.addi %iota3A, %add3A_211 : vector<16xi32>
    %add3A_213 = arith.constant 32 : i32
    %add3A_214 = vector.broadcast %add3A_213 : i32 to vector<16xi32>
    %add3A_215 = arith.addi %add3A_212, %add3A_214 : vector<16xi32>
    %swap3A_216 = arith.constant 3 : i32
    %swap3A_217 = arith.index_cast %swap3A_216 : i32 to index
    %swap3A_218 = arith.constant 32 : index
    %swap3A_219 = tpu.vector_load %arg9[%swap3A_217, %swap3A_218] {strides = array<i32>} : memref<5x96xi32, #tpu.memory_space<vmem>>, vector<16xi32>,
    tpu.vector_store %arg9[%swap3A_217, %swap3A_218], %add3A_215 {strides = array<i32>} : memref<5x96xi32, #tpu.memory_space<vmem>>, vector<16xi32>,
    %add3A_220 = arith.constant 288 : i32
    %add3A_221 = vector.broadcast %add3A_220 : i32 to vector<16xi32>
    %add3A_222 = arith.addi %iota3A, %add3A_221 : vector<16xi32>
    %add3A_223 = arith.constant 48 : i32
    %add3A_224 = vector.broadcast %add3A_223 : i32 to vector<16xi32>
    %add3A_225 = arith.addi %add3A_222, %add3A_224 : vector<16xi32>
    %swap3A_226 = arith.constant 3 : i32
    %swap3A_227 = arith.index_cast %swap3A_226 : i32 to index
    %swap3A_228 = arith.constant 48 : index
    %swap3A_229 = tpu.vector_load %arg9[%swap3A_227, %swap3A_228] {strides = array<i32>} : memref<5x96xi32, #tpu.memory_space<vmem>>, vector<16xi32>,
    tpu.vector_store %arg9[%swap3A_227, %swap3A_228], %add3A_225 {strides = array<i32>} : memref<5x96xi32, #tpu.memory_space<vmem>>, vector<16xi32>,
    %add3A_230 = arith.constant 288 : i32
    %add3A_231 = vector.broadcast %add3A_230 : i32 to vector<16xi32>
    %add3A_232 = arith.addi %iota3A, %add3A_231 : vector<16xi32>
    %add3A_233 = arith.constant 64 : i32
    %add3A_234 = vector.broadcast %add3A_233 : i32 to vector<16xi32>
    %add3A_235 = arith.addi %add3A_232, %add3A_234 : vector<16xi32>
    %swap3A_236 = arith.constant 3 : i32
    %swap3A_237 = arith.index_cast %swap3A_236 : i32 to index
    %swap3A_238 = arith.constant 64 : index
    %swap3A_239 = tpu.vector_load %arg9[%swap3A_237, %swap3A_238] {strides = array<i32>} : memref<5x96xi32, #tpu.memory_space<vmem>>, vector<16xi32>,
    tpu.vector_store %arg9[%swap3A_237, %swap3A_238], %add3A_235 {strides = array<i32>} : memref<5x96xi32, #tpu.memory_space<vmem>>, vector<16xi32>,
    %add3A_240 = arith.constant 288 : i32
    %add3A_241 = vector.broadcast %add3A_240 : i32 to vector<16xi32>
    %add3A_242 = arith.addi %iota3A, %add3A_241 : vector<16xi32>
    %add3A_243 = arith.constant 80 : i32
    %add3A_244 = vector.broadcast %add3A_243 : i32 to vector<16xi32>
    %add3A_245 = arith.addi %add3A_242, %add3A_244 : vector<16xi32>
    %swap3A_246 = arith.constant 3 : i32
    %swap3A_247 = arith.index_cast %swap3A_246 : i32 to index
    %swap3A_248 = arith.constant 80 : index
    %swap3A_249 = tpu.vector_load %arg9[%swap3A_247, %swap3A_248] {strides = array<i32>} : memref<5x96xi32, #tpu.memory_space<vmem>>, vector<16xi32>,
    tpu.vector_store %arg9[%swap3A_247, %swap3A_248], %add3A_245 {strides = array<i32>} : memref<5x96xi32, #tpu.memory_space<vmem>>, vector<16xi32>,
    %add3A_250 = arith.constant 384 : i32
    %add3A_251 = vector.broadcast %add3A_250 : i32 to vector<16xi32>
    %add3A_252 = arith.addi %iota3A, %add3A_251 : vector<16xi32>
    %add3A_253 = arith.constant 0 : i32
    %add3A_254 = vector.broadcast %add3A_253 : i32 to vector<16xi32>
    %add3A_255 = arith.addi %add3A_252, %add3A_254 : vector<16xi32>
    %swap3A_256 = arith.constant 4 : i32
    %swap3A_257 = arith.index_cast %swap3A_256 : i32 to index
    %swap3A_258 = arith.constant 0 : index
    %swap3A_259 = tpu.vector_load %arg9[%swap3A_257, %swap3A_258] {strides = array<i32>} : memref<5x96xi32, #tpu.memory_space<vmem>>, vector<16xi32>,
    tpu.vector_store %arg9[%swap3A_257, %swap3A_258], %add3A_255 {strides = array<i32>} : memref<5x96xi32, #tpu.memory_space<vmem>>, vector<16xi32>,
    %add3A_260 = arith.constant 384 : i32
    %add3A_261 = vector.broadcast %add3A_260 : i32 to vector<16xi32>
    %add3A_262 = arith.addi %iota3A, %add3A_261 : vector<16xi32>
    %add3A_263 = arith.constant 16 : i32
    %add3A_264 = vector.broadcast %add3A_263 : i32 to vector<16xi32>
    %add3A_265 = arith.addi %add3A_262, %add3A_264 : vector<16xi32>
    %swap3A_266 = arith.constant 4 : i32
    %swap3A_267 = arith.index_cast %swap3A_266 : i32 to index
    %swap3A_268 = arith.constant 16 : index
    %swap3A_269 = tpu.vector_load %arg9[%swap3A_267, %swap3A_268] {strides = array<i32>} : memref<5x96xi32, #tpu.memory_space<vmem>>, vector<16xi32>,
    tpu.vector_store %arg9[%swap3A_267, %swap3A_268], %add3A_265 {strides = array<i32>} : memref<5x96xi32, #tpu.memory_space<vmem>>, vector<16xi32>,
    %add3A_270 = arith.constant 384 : i32
    %add3A_271 = vector.broadcast %add3A_270 : i32 to vector<16xi32>
    %add3A_272 = arith.addi %iota3A, %add3A_271 : vector<16xi32>
    %add3A_273 = arith.constant 32 : i32
    %add3A_274 = vector.broadcast %add3A_273 : i32 to vector<16xi32>
    %add3A_275 = arith.addi %add3A_272, %add3A_274 : vector<16xi32>
    %swap3A_276 = arith.constant 4 : i32
    %swap3A_277 = arith.index_cast %swap3A_276 : i32 to index
    %swap3A_278 = arith.constant 32 : index
    %swap3A_279 = tpu.vector_load %arg9[%swap3A_277, %swap3A_278] {strides = array<i32>} : memref<5x96xi32, #tpu.memory_space<vmem>>, vector<16xi32>,
    tpu.vector_store %arg9[%swap3A_277, %swap3A_278], %add3A_275 {strides = array<i32>} : memref<5x96xi32, #tpu.memory_space<vmem>>, vector<16xi32>,
    %add3A_280 = arith.constant 384 : i32
    %add3A_281 = vector.broadcast %add3A_280 : i32 to vector<16xi32>
    %add3A_282 = arith.addi %iota3A, %add3A_281 : vector<16xi32>
    %add3A_283 = arith.constant 48 : i32
    %add3A_284 = vector.broadcast %add3A_283 : i32 to vector<16xi32>
    %add3A_285 = arith.addi %add3A_282, %add3A_284 : vector<16xi32>
    %swap3A_286 = arith.constant 4 : i32
    %swap3A_287 = arith.index_cast %swap3A_286 : i32 to index
    %swap3A_288 = arith.constant 48 : index
    %swap3A_289 = tpu.vector_load %arg9[%swap3A_287, %swap3A_288] {strides = array<i32>} : memref<5x96xi32, #tpu.memory_space<vmem>>, vector<16xi32>,
    tpu.vector_store %arg9[%swap3A_287, %swap3A_288], %add3A_285 {strides = array<i32>} : memref<5x96xi32, #tpu.memory_space<vmem>>, vector<16xi32>,
    %add3A_290 = arith.constant 384 : i32
    %add3A_291 = vector.broadcast %add3A_290 : i32 to vector<16xi32>
    %add3A_292 = arith.addi %iota3A, %add3A_291 : vector<16xi32>
    %add3A_293 = arith.constant 64 : i32
    %add3A_294 = vector.broadcast %add3A_293 : i32 to vector<16xi32>
    %add3A_295 = arith.addi %add3A_292, %add3A_294 : vector<16xi32>
    %swap3A_296 = arith.constant 4 : i32
    %swap3A_297 = arith.index_cast %swap3A_296 : i32 to index
    %swap3A_298 = arith.constant 64 : index
    %swap3A_299 = tpu.vector_load %arg9[%swap3A_297, %swap3A_298] {strides = array<i32>} : memref<5x96xi32, #tpu.memory_space<vmem>>, vector<16xi32>,
    tpu.vector_store %arg9[%swap3A_297, %swap3A_298], %add3A_295 {strides = array<i32>} : memref<5x96xi32, #tpu.memory_space<vmem>>, vector<16xi32>,
    %add3A_300 = arith.constant 384 : i32
    %add3A_301 = vector.broadcast %add3A_300 : i32 to vector<16xi32>
    %add3A_302 = arith.addi %iota3A, %add3A_301 : vector<16xi32>
    %add3A_303 = arith.constant 80 : i32
    %add3A_304 = vector.broadcast %add3A_303 : i32 to vector<16xi32>
    %add3A_305 = arith.addi %add3A_302, %add3A_304 : vector<16xi32>
    %swap3A_306 = arith.constant 4 : i32
    %swap3A_307 = arith.index_cast %swap3A_306 : i32 to index
    %swap3A_308 = arith.constant 80 : index
    %swap3A_309 = tpu.vector_load %arg9[%swap3A_307, %swap3A_308] {strides = array<i32>} : memref<5x96xi32, #tpu.memory_space<vmem>>, vector<16xi32>,
    tpu.vector_store %arg9[%swap3A_307, %swap3A_308], %add3A_305 {strides = array<i32>} : memref<5x96xi32, #tpu.memory_space<vmem>>, vector<16xi32>,
    %mul3A_310 = arith.constant 30 : i32
    %mul3A_311 = arith.muli %arg1, %mul3A_310 : i32
    %mul3A_312 = arith.constant 30 : i32
    %mul3A_313 = arith.muli %arg1, %mul3A_312 : i32
    "tpu.region"() ({
      %run_scoped3A_327 = tpu.sem_alloc : memref<!tpu.dma_semaphore, #tpu.memory_space<semaphore_mem>>
      %dma_start3A = arith.constant 0 : i32
      %dma_start3A_328 = tpu.memref_slice %arg8[%mul3A_311, %dma_start3A] : memref<480x128xf32, #tpu.memory_space<vmem>> -> memref<30x128xf32, #tpu.memory_space<vmem>>
      %dma_start3A_329 = arith.constant 0 : i32
      %dma_start3A_330 = tpu.memref_slice %arg10[%mul3A_313, %dma_start3A_329] : memref<480x128xf32, #tpu.memory_space<vmem_shared>> -> memref<30x128xf32, #tpu.memory_space<vmem_shared>>
      %dma_start3A_331 = arith.constant 0 : i32
      %dma_start3A_332 = tpu.memref_slice %arg10[%mul3A_313, %dma_start3A_331] : memref<480x128xf32, #tpu.memory_space<vmem_shared>> -> memref<30x128xf32, #tpu.memory_space<vmem_shared>>
      %dma_start3A_333 = arith.constant 0 : i32
      %dma_start3A_334 = tpu.memref_slice %arg8[%mul3A_311, %dma_start3A_333] : memref<480x128xf32, #tpu.memory_space<vmem>> -> memref<30x128xf32, #tpu.memory_space<vmem>>
      tpu.enqueue_dma source(%dma_start3A_334 : memref<30x128xf32, #tpu.memory_space<vmem>>) target(%dma_start3A_332 : memref<30x128xf32, #tpu.memory_space<vmem_shared>>) target_semaphore(%run_scoped3A_327 : memref<!tpu.dma_semaphore, #tpu.memory_space<semaphore_mem>>)
      %dma_wait3A = arith.constant 0 : i32
      %dma_wait3A_335 = tpu.memref_slice %arg8[%mul3A_311, %dma_wait3A] : memref<480x128xf32, #tpu.memory_space<vmem>> -> memref<30x128xf32, #tpu.memory_space<vmem>>
      %dma_wait3A_336 = arith.constant 0 : i32
      %dma_wait3A_337 = tpu.memref_slice %arg10[%mul3A_313, %dma_wait3A_336] : memref<480x128xf32, #tpu.memory_space<vmem_shared>> -> memref<30x128xf32, #tpu.memory_space<vmem_shared>>
      %dma_wait3A_338 = arith.constant 0 : i32
      %dma_wait3A_339 = tpu.memref_slice %arg10[%mul3A_313, %dma_wait3A_338] : memref<480x128xf32, #tpu.memory_space<vmem_shared>> -> memref<30x128xf32, #tpu.memory_space<vmem_shared>>
      %dma_wait3A_340 = arith.constant 0 : i32
      %dma_wait3A_341 = tpu.memref_slice %arg8[%mul3A_311, %dma_wait3A_340] : memref<480x128xf32, #tpu.memory_space<vmem>> -> memref<30x128xf32, #tpu.memory_space<vmem>>
      tpu.wait_dma2 semaphore(%run_scoped3A_327 : memref<!tpu.dma_semaphore, #tpu.memory_space<semaphore_mem>>) src(%dma_wait3A_341 : memref<30x128xf32, #tpu.memory_space<vmem>>) dst(%dma_wait3A_339 : memref<30x128xf32, #tpu.memory_space<vmem_shared>>)
      tpu.yield
    }) : () -> ()
    %scan3A_314 = arith.constant 0 : i32
    %scan3A_315 = arith.constant 0 : i32
    %scan3A_316 = arith.constant 480 : i32
    %scan3A_317 = arith.addi %scan3A_315, %scan3A_316 : i32
    %scan3A_318 = arith.constant 1 : i32
    scf.for %scan3A_327 = %scan3A_315 to %scan3A_317 step %scan3A_318  : i32 {
      %mul3A_328 = arith.constant 16 : i32
      %mul3A_329 = arith.muli %scan3A_327, %mul3A_328 : i32
      %get3A = arith.index_cast %mul3A_329 : i32 to index
      %get3A_330 = tpu.vector_load %arg6[%get3A] {strides = array<i32>} : memref<7680xi32, #tpu.memory_space<vmem>>, vector<16xi32>,
      %ge3A = vector.broadcast %mul3A_2 : i32 to vector<16xi32>
      %ge3A_331 = arith.cmpi sge, %get3A_330, %ge3A : vector<16xi32>
      %add3A_332 = arith.constant 1568 : i32
      %add3A_333 = arith.addi %mul3A_2, %add3A_332 : i32
      %lt3A = vector.broadcast %add3A_333 : i32 to vector<16xi32>
      %lt3A_334 = arith.cmpi slt, %get3A_330, %lt3A : vector<16xi32>
      %and3A = arith.andi %ge3A_331, %lt3A_334 : vector<16xi1>
      %sub3A = vector.broadcast %mul3A_2 : i32 to vector<16xi32>
      %sub3A_335 = arith.subi %get3A_330, %sub3A : vector<16xi32>
      %jit3A = arith.constant 0 : i32
      %jit3A_336 = arith.constant 1567 : i32
      %max3A = vector.broadcast %jit3A : i32 to vector<16xi32>
      %max3A_337 = arith.maxsi %max3A, %sub3A_335 : vector<16xi32>
      %min3A = vector.broadcast %jit3A_336 : i32 to vector<16xi32>
      %min3A_338 = arith.minsi %min3A, %max3A_337 : vector<16xi32>
      %mul3A_339 = arith.constant 6 : i32
      %mul3A_340 = vector.broadcast %mul3A_339 : i32 to vector<16xi32>
      %mul3A_341 = arith.muli %min3A_338, %mul3A_340 : vector<16xi32>
      %mul3A_342 = arith.constant 16 : i32
      %mul3A_343 = arith.muli %scan3A_327, %mul3A_342 : i32
      %add3A_344 = vector.broadcast %mul3A_343 : i32 to vector<16xi32>
      %add3A_345 = arith.addi %iota3A, %add3A_344 : vector<16xi32>
      %mul3A_346 = arith.constant 8 : i32
      %mul3A_347 = vector.broadcast %mul3A_346 : i32 to vector<16xi32>
      %mul3A_348 = arith.muli %add3A_345, %mul3A_347 : vector<16xi32>
      %add3A_349 = arith.constant 0 : i32
      %add3A_350 = vector.broadcast %add3A_349 : i32 to vector<16xi32>
      %add3A_351 = arith.addi %mul3A_348, %add3A_350 : vector<16xi32>
      %add3A_352 = arith.constant 0 : i32
      %add3A_353 = vector.broadcast %add3A_352 : i32 to vector<16xi32>
      %add3A_354 = arith.addi %mul3A_341, %add3A_353 : vector<16xi32>
      %gather3A = tpu.vector_load_idx %arg7[%add3A_354] masked %and3A : memref<9408xf32, #tpu.memory_space<vmem>>[vector<16xi32>], vector<16xf32>, vector<16xi1>
      %shift_right_arithmetic3A = arith.constant 7 : i32
      %shift_right_arithmetic3A_355 = vector.broadcast %shift_right_arithmetic3A : i32 to vector<16xi32>
      %shift_right_arithmetic3A_356 = arith.shrsi %add3A_351, %shift_right_arithmetic3A_355 : vector<16xi32>
      %and3A_357 = arith.constant 127 : i32
      %and3A_358 = vector.broadcast %and3A_357 : i32 to vector<16xi32>
      %and3A_359 = arith.andi %add3A_351, %and3A_358 : vector<16xi32>
      tpu.vector_store_idx %arg8[%shift_right_arithmetic3A_356, %and3A_359], %gather3A masked %and3A : memref<480x128xf32, #tpu.memory_space<vmem>>[vector<16xi32>, vector<16xi32>], vector<16xf32>, vector<16xi1>
      %add3A_360 = arith.constant 1 : i32
      %add3A_361 = vector.broadcast %add3A_360 : i32 to vector<16xi32>
      %add3A_362 = arith.addi %mul3A_348, %add3A_361 : vector<16xi32>
      %add3A_363 = arith.constant 1 : i32
      %add3A_364 = vector.broadcast %add3A_363 : i32 to vector<16xi32>
      %add3A_365 = arith.addi %mul3A_341, %add3A_364 : vector<16xi32>
      %gather3A_366 = tpu.vector_load_idx %arg7[%add3A_365] masked %and3A : memref<9408xf32, #tpu.memory_space<vmem>>[vector<16xi32>], vector<16xf32>, vector<16xi1>
      %shift_right_arithmetic3A_367 = arith.constant 7 : i32
      %shift_right_arithmetic3A_368 = vector.broadcast %shift_right_arithmetic3A_367 : i32 to vector<16xi32>
      %shift_right_arithmetic3A_369 = arith.shrsi %add3A_362, %shift_right_arithmetic3A_368 : vector<16xi32>
      %and3A_370 = arith.constant 127 : i32
      %and3A_371 = vector.broadcast %and3A_370 : i32 to vector<16xi32>
      %and3A_372 = arith.andi %add3A_362, %and3A_371 : vector<16xi32>
      tpu.vector_store_idx %arg8[%shift_right_arithmetic3A_369, %and3A_372], %gather3A_366 masked %and3A : memref<480x128xf32, #tpu.memory_space<vmem>>[vector<16xi32>, vector<16xi32>], vector<16xf32>, vector<16xi1>
      %add3A_373 = arith.constant 2 : i32
      %add3A_374 = vector.broadcast %add3A_373 : i32 to vector<16xi32>
      %add3A_375 = arith.addi %mul3A_348, %add3A_374 : vector<16xi32>
      %add3A_376 = arith.constant 2 : i32
      %add3A_377 = vector.broadcast %add3A_376 : i32 to vector<16xi32>
      %add3A_378 = arith.addi %mul3A_341, %add3A_377 : vector<16xi32>
      %gather3A_379 = tpu.vector_load_idx %arg7[%add3A_378] masked %and3A : memref<9408xf32, #tpu.memory_space<vmem>>[vector<16xi32>], vector<16xf32>, vector<16xi1>
      %shift_right_arithmetic3A_380 = arith.constant 7 : i32
      %shift_right_arithmetic3A_381 = vector.broadcast %shift_right_arithmetic3A_380 : i32 to vector<16xi32>
      %shift_right_arithmetic3A_382 = arith.shrsi %add3A_375, %shift_right_arithmetic3A_381 : vector<16xi32>
      %and3A_383 = arith.constant 127 : i32
      %and3A_384 = vector.broadcast %and3A_383 : i32 to vector<16xi32>
      %and3A_385 = arith.andi %add3A_375, %and3A_384 : vector<16xi32>
      tpu.vector_store_idx %arg8[%shift_right_arithmetic3A_382, %and3A_385], %gather3A_379 masked %and3A : memref<480x128xf32, #tpu.memory_space<vmem>>[vector<16xi32>, vector<16xi32>], vector<16xf32>, vector<16xi1>
      %add3A_386 = arith.constant 3 : i32
      %add3A_387 = vector.broadcast %add3A_386 : i32 to vector<16xi32>
      %add3A_388 = arith.addi %mul3A_348, %add3A_387 : vector<16xi32>
      %add3A_389 = arith.constant 3 : i32
      %add3A_390 = vector.broadcast %add3A_389 : i32 to vector<16xi32>
      %add3A_391 = arith.addi %mul3A_341, %add3A_390 : vector<16xi32>
      %gather3A_392 = tpu.vector_load_idx %arg7[%add3A_391] masked %and3A : memref<9408xf32, #tpu.memory_space<vmem>>[vector<16xi32>], vector<16xf32>, vector<16xi1>
      %shift_right_arithmetic3A_393 = arith.constant 7 : i32
      %shift_right_arithmetic3A_394 = vector.broadcast %shift_right_arithmetic3A_393 : i32 to vector<16xi32>
      %shift_right_arithmetic3A_395 = arith.shrsi %add3A_388, %shift_right_arithmetic3A_394 : vector<16xi32>
      %and3A_396 = arith.constant 127 : i32
      %and3A_397 = vector.broadcast %and3A_396 : i32 to vector<16xi32>
      %and3A_398 = arith.andi %add3A_388, %and3A_397 : vector<16xi32>
      tpu.vector_store_idx %arg8[%shift_right_arithmetic3A_395, %and3A_398], %gather3A_392 masked %and3A : memref<480x128xf32, #tpu.memory_space<vmem>>[vector<16xi32>, vector<16xi32>], vector<16xf32>, vector<16xi1>
      %add3A_399 = arith.constant 4 : i32
      %add3A_400 = vector.broadcast %add3A_399 : i32 to vector<16xi32>
      %add3A_401 = arith.addi %mul3A_348, %add3A_400 : vector<16xi32>
      %add3A_402 = arith.constant 4 : i32
      %add3A_403 = vector.broadcast %add3A_402 : i32 to vector<16xi32>
      %add3A_404 = arith.addi %mul3A_341, %add3A_403 : vector<16xi32>
      %gather3A_405 = tpu.vector_load_idx %arg7[%add3A_404] masked %and3A : memref<9408xf32, #tpu.memory_space<vmem>>[vector<16xi32>], vector<16xf32>, vector<16xi1>
      %shift_right_arithmetic3A_406 = arith.constant 7 : i32
      %shift_right_arithmetic3A_407 = vector.broadcast %shift_right_arithmetic3A_406 : i32 to vector<16xi32>
      %shift_right_arithmetic3A_408 = arith.shrsi %add3A_401, %shift_right_arithmetic3A_407 : vector<16xi32>
      %and3A_409 = arith.constant 127 : i32
      %and3A_410 = vector.broadcast %and3A_409 : i32 to vector<16xi32>
      %and3A_411 = arith.andi %add3A_401, %and3A_410 : vector<16xi32>
      tpu.vector_store_idx %arg8[%shift_right_arithmetic3A_408, %and3A_411], %gather3A_405 masked %and3A : memref<480x128xf32, #tpu.memory_space<vmem>>[vector<16xi32>, vector<16xi32>], vector<16xf32>, vector<16xi1>
      %add3A_412 = arith.constant 5 : i32
      %add3A_413 = vector.broadcast %add3A_412 : i32 to vector<16xi32>
      %add3A_414 = arith.addi %mul3A_348, %add3A_413 : vector<16xi32>
      %add3A_415 = arith.constant 5 : i32
      %add3A_416 = vector.broadcast %add3A_415 : i32 to vector<16xi32>
      %add3A_417 = arith.addi %mul3A_341, %add3A_416 : vector<16xi32>
      %gather3A_418 = tpu.vector_load_idx %arg7[%add3A_417] masked %and3A : memref<9408xf32, #tpu.memory_space<vmem>>[vector<16xi32>], vector<16xf32>, vector<16xi1>
      %shift_right_arithmetic3A_419 = arith.constant 7 : i32
      %shift_right_arithmetic3A_420 = vector.broadcast %shift_right_arithmetic3A_419 : i32 to vector<16xi32>
      %shift_right_arithmetic3A_421 = arith.shrsi %add3A_414, %shift_right_arithmetic3A_420 : vector<16xi32>
      %and3A_422 = arith.constant 127 : i32
      %and3A_423 = vector.broadcast %and3A_422 : i32 to vector<16xi32>
      %and3A_424 = arith.andi %add3A_414, %and3A_423 : vector<16xi32>
      tpu.vector_store_idx %arg8[%shift_right_arithmetic3A_421, %and3A_424], %gather3A_418 masked %and3A : memref<480x128xf32, #tpu.memory_space<vmem>>[vector<16xi32>, vector<16xi32>], vector<16xf32>, vector<16xi1>
    }
    %scan3A_319 = arith.constant 480 : i32
    %barrier3A = arith.constant 0 : index
    tpu.barrier barrier_id(%barrier3A)
    %run_scoped3A = arith.constant 0 : i32
    "tpu.region"() ({
      %run_scoped3A_327 = tpu.sem_alloc : memref<!tpu.dma_semaphore, #tpu.memory_space<semaphore_mem>>
      %dma_start3A = arith.constant 0 : i32
      %dma_start3A_328 = arith.constant 0 : i32
      %dma_start3A_329 = tpu.memref_slice %arg8[%dma_start3A, %dma_start3A_328] : memref<480x128xf32, #tpu.memory_space<vmem>> -> memref<96x128xf32, #tpu.memory_space<vmem>>
      %dma_start3A_330 = arith.constant 0 : i32
      %dma_start3A_331 = tpu.memref_slice %arg9[%run_scoped3A, %dma_start3A_330] : memref<5x96xi32, #tpu.memory_space<vmem>> -> memref<1x96xi32, #tpu.memory_space<vmem>>
      %dma_start3A_332 = tpu.memref_squeeze %dma_start3A_331 : memref<1x96xi32, #tpu.memory_space<vmem>> -> memref<96xi32, #tpu.memory_space<vmem>>
      %dma_start3A_333 = arith.constant 0 : i32
      %dma_start3A_334 = arith.constant 0 : i32
      %dma_start3A_335 = tpu.memref_slice %arg10[%dma_start3A_333, %dma_start3A_334] : memref<480x128xf32, #tpu.memory_space<vmem_shared>> -> memref<480x128xf32, #tpu.memory_space<vmem_shared>>
      tpu.enqueue_indirect_dma source(%dma_start3A_329 : memref<96x128xf32, #tpu.memory_space<vmem>>) target(%dma_start3A_335 : memref<480x128xf32, #tpu.memory_space<vmem_shared>>) offsets(%dma_start3A_332 : memref<96xi32, #tpu.memory_space<vmem>>) semaphore(%run_scoped3A_327 : memref<!tpu.dma_semaphore, #tpu.memory_space<semaphore_mem>>) {add = true}
      %dma_wait3A = arith.constant 0 : i32
      %dma_wait3A_336 = arith.constant 0 : i32
      %dma_wait3A_337 = tpu.memref_slice %arg8[%dma_wait3A, %dma_wait3A_336] : memref<480x128xf32, #tpu.memory_space<vmem>> -> memref<96x128xf32, #tpu.memory_space<vmem>>
      %dma_wait3A_338 = arith.constant 0 : i32
      %dma_wait3A_339 = tpu.memref_slice %arg9[%run_scoped3A, %dma_wait3A_338] : memref<5x96xi32, #tpu.memory_space<vmem>> -> memref<1x96xi32, #tpu.memory_space<vmem>>
      %dma_wait3A_340 = tpu.memref_squeeze %dma_wait3A_339 : memref<1x96xi32, #tpu.memory_space<vmem>> -> memref<96xi32, #tpu.memory_space<vmem>>
      %dma_wait3A_341 = arith.constant 0 : i32
      %dma_wait3A_342 = arith.constant 0 : i32
      %dma_wait3A_343 = tpu.memref_slice %arg10[%dma_wait3A_341, %dma_wait3A_342] : memref<480x128xf32, #tpu.memory_space<vmem_shared>> -> memref<480x128xf32, #tpu.memory_space<vmem_shared>>
      tpu.wait_indirect_dma semaphore(%run_scoped3A_327 : memref<!tpu.dma_semaphore, #tpu.memory_space<semaphore_mem>>) src(%dma_wait3A_337 : memref<96x128xf32, #tpu.memory_space<vmem>>) dst(%dma_wait3A_343 : memref<480x128xf32, #tpu.memory_space<vmem_shared>>)
      tpu.yield
    }) : () -> ()
    %run_scoped3A_320 = arith.constant 1 : i32
    "tpu.region"() ({
      %run_scoped3A_327 = tpu.sem_alloc : memref<!tpu.dma_semaphore, #tpu.memory_space<semaphore_mem>>
      %dma_start3A = arith.constant 96 : i32
      %dma_start3A_328 = arith.constant 0 : i32
      %dma_start3A_329 = tpu.memref_slice %arg8[%dma_start3A, %dma_start3A_328] : memref<480x128xf32, #tpu.memory_space<vmem>> -> memref<96x128xf32, #tpu.memory_space<vmem>>
      %dma_start3A_330 = arith.constant 0 : i32
      %dma_start3A_331 = tpu.memref_slice %arg9[%run_scoped3A_320, %dma_start3A_330] : memref<5x96xi32, #tpu.memory_space<vmem>> -> memref<1x96xi32, #tpu.memory_space<vmem>>
      %dma_start3A_332 = tpu.memref_squeeze %dma_start3A_331 : memref<1x96xi32, #tpu.memory_space<vmem>> -> memref<96xi32, #tpu.memory_space<vmem>>
      %dma_start3A_333 = arith.constant 0 : i32
      %dma_start3A_334 = arith.constant 0 : i32
      %dma_start3A_335 = tpu.memref_slice %arg10[%dma_start3A_333, %dma_start3A_334] : memref<480x128xf32, #tpu.memory_space<vmem_shared>> -> memref<480x128xf32, #tpu.memory_space<vmem_shared>>
      tpu.enqueue_indirect_dma source(%dma_start3A_329 : memref<96x128xf32, #tpu.memory_space<vmem>>) target(%dma_start3A_335 : memref<480x128xf32, #tpu.memory_space<vmem_shared>>) offsets(%dma_start3A_332 : memref<96xi32, #tpu.memory_space<vmem>>) semaphore(%run_scoped3A_327 : memref<!tpu.dma_semaphore, #tpu.memory_space<semaphore_mem>>) {add = true}
      %dma_wait3A = arith.constant 96 : i32
      %dma_wait3A_336 = arith.constant 0 : i32
      %dma_wait3A_337 = tpu.memref_slice %arg8[%dma_wait3A, %dma_wait3A_336] : memref<480x128xf32, #tpu.memory_space<vmem>> -> memref<96x128xf32, #tpu.memory_space<vmem>>
      %dma_wait3A_338 = arith.constant 0 : i32
      %dma_wait3A_339 = tpu.memref_slice %arg9[%run_scoped3A_320, %dma_wait3A_338] : memref<5x96xi32, #tpu.memory_space<vmem>> -> memref<1x96xi32, #tpu.memory_space<vmem>>
      %dma_wait3A_340 = tpu.memref_squeeze %dma_wait3A_339 : memref<1x96xi32, #tpu.memory_space<vmem>> -> memref<96xi32, #tpu.memory_space<vmem>>
      %dma_wait3A_341 = arith.constant 0 : i32
      %dma_wait3A_342 = arith.constant 0 : i32
      %dma_wait3A_343 = tpu.memref_slice %arg10[%dma_wait3A_341, %dma_wait3A_342] : memref<480x128xf32, #tpu.memory_space<vmem_shared>> -> memref<480x128xf32, #tpu.memory_space<vmem_shared>>
      tpu.wait_indirect_dma semaphore(%run_scoped3A_327 : memref<!tpu.dma_semaphore, #tpu.memory_space<semaphore_mem>>) src(%dma_wait3A_337 : memref<96x128xf32, #tpu.memory_space<vmem>>) dst(%dma_wait3A_343 : memref<480x128xf32, #tpu.memory_space<vmem_shared>>)
      tpu.yield
    }) : () -> ()
    %run_scoped3A_321 = arith.constant 2 : i32
    "tpu.region"() ({
      %run_scoped3A_327 = tpu.sem_alloc : memref<!tpu.dma_semaphore, #tpu.memory_space<semaphore_mem>>
      %dma_start3A = arith.constant 192 : i32
      %dma_start3A_328 = arith.constant 0 : i32
      %dma_start3A_329 = tpu.memref_slice %arg8[%dma_start3A, %dma_start3A_328] : memref<480x128xf32, #tpu.memory_space<vmem>> -> memref<96x128xf32, #tpu.memory_space<vmem>>
      %dma_start3A_330 = arith.constant 0 : i32
      %dma_start3A_331 = tpu.memref_slice %arg9[%run_scoped3A_321, %dma_start3A_330] : memref<5x96xi32, #tpu.memory_space<vmem>> -> memref<1x96xi32, #tpu.memory_space<vmem>>
      %dma_start3A_332 = tpu.memref_squeeze %dma_start3A_331 : memref<1x96xi32, #tpu.memory_space<vmem>> -> memref<96xi32, #tpu.memory_space<vmem>>
      %dma_start3A_333 = arith.constant 0 : i32
      %dma_start3A_334 = arith.constant 0 : i32
      %dma_start3A_335 = tpu.memref_slice %arg10[%dma_start3A_333, %dma_start3A_334] : memref<480x128xf32, #tpu.memory_space<vmem_shared>> -> memref<480x128xf32, #tpu.memory_space<vmem_shared>>
      tpu.enqueue_indirect_dma source(%dma_start3A_329 : memref<96x128xf32, #tpu.memory_space<vmem>>) target(%dma_start3A_335 : memref<480x128xf32, #tpu.memory_space<vmem_shared>>) offsets(%dma_start3A_332 : memref<96xi32, #tpu.memory_space<vmem>>) semaphore(%run_scoped3A_327 : memref<!tpu.dma_semaphore, #tpu.memory_space<semaphore_mem>>) {add = true}
      %dma_wait3A = arith.constant 192 : i32
      %dma_wait3A_336 = arith.constant 0 : i32
      %dma_wait3A_337 = tpu.memref_slice %arg8[%dma_wait3A, %dma_wait3A_336] : memref<480x128xf32, #tpu.memory_space<vmem>> -> memref<96x128xf32, #tpu.memory_space<vmem>>
      %dma_wait3A_338 = arith.constant 0 : i32
      %dma_wait3A_339 = tpu.memref_slice %arg9[%run_scoped3A_321, %dma_wait3A_338] : memref<5x96xi32, #tpu.memory_space<vmem>> -> memref<1x96xi32, #tpu.memory_space<vmem>>
      %dma_wait3A_340 = tpu.memref_squeeze %dma_wait3A_339 : memref<1x96xi32, #tpu.memory_space<vmem>> -> memref<96xi32, #tpu.memory_space<vmem>>
      %dma_wait3A_341 = arith.constant 0 : i32
      %dma_wait3A_342 = arith.constant 0 : i32
      %dma_wait3A_343 = tpu.memref_slice %arg10[%dma_wait3A_341, %dma_wait3A_342] : memref<480x128xf32, #tpu.memory_space<vmem_shared>> -> memref<480x128xf32, #tpu.memory_space<vmem_shared>>
      tpu.wait_indirect_dma semaphore(%run_scoped3A_327 : memref<!tpu.dma_semaphore, #tpu.memory_space<semaphore_mem>>) src(%dma_wait3A_337 : memref<96x128xf32, #tpu.memory_space<vmem>>) dst(%dma_wait3A_343 : memref<480x128xf32, #tpu.memory_space<vmem_shared>>)
      tpu.yield
    }) : () -> ()
    %run_scoped3A_322 = arith.constant 3 : i32
    "tpu.region"() ({
      %run_scoped3A_327 = tpu.sem_alloc : memref<!tpu.dma_semaphore, #tpu.memory_space<semaphore_mem>>
      %dma_start3A = arith.constant 288 : i32
      %dma_start3A_328 = arith.constant 0 : i32
      %dma_start3A_329 = tpu.memref_slice %arg8[%dma_start3A, %dma_start3A_328] : memref<480x128xf32, #tpu.memory_space<vmem>> -> memref<96x128xf32, #tpu.memory_space<vmem>>
      %dma_start3A_330 = arith.constant 0 : i32
      %dma_start3A_331 = tpu.memref_slice %arg9[%run_scoped3A_322, %dma_start3A_330] : memref<5x96xi32, #tpu.memory_space<vmem>> -> memref<1x96xi32, #tpu.memory_space<vmem>>
      %dma_start3A_332 = tpu.memref_squeeze %dma_start3A_331 : memref<1x96xi32, #tpu.memory_space<vmem>> -> memref<96xi32, #tpu.memory_space<vmem>>
      %dma_start3A_333 = arith.constant 0 : i32
      %dma_start3A_334 = arith.constant 0 : i32
      %dma_start3A_335 = tpu.memref_slice %arg10[%dma_start3A_333, %dma_start3A_334] : memref<480x128xf32, #tpu.memory_space<vmem_shared>> -> memref<480x128xf32, #tpu.memory_space<vmem_shared>>
      tpu.enqueue_indirect_dma source(%dma_start3A_329 : memref<96x128xf32, #tpu.memory_space<vmem>>) target(%dma_start3A_335 : memref<480x128xf32, #tpu.memory_space<vmem_shared>>) offsets(%dma_start3A_332 : memref<96xi32, #tpu.memory_space<vmem>>) semaphore(%run_scoped3A_327 : memref<!tpu.dma_semaphore, #tpu.memory_space<semaphore_mem>>) {add = true}
      %dma_wait3A = arith.constant 288 : i32
      %dma_wait3A_336 = arith.constant 0 : i32
      %dma_wait3A_337 = tpu.memref_slice %arg8[%dma_wait3A, %dma_wait3A_336] : memref<480x128xf32, #tpu.memory_space<vmem>> -> memref<96x128xf32, #tpu.memory_space<vmem>>
      %dma_wait3A_338 = arith.constant 0 : i32
      %dma_wait3A_339 = tpu.memref_slice %arg9[%run_scoped3A_322, %dma_wait3A_338] : memref<5x96xi32, #tpu.memory_space<vmem>> -> memref<1x96xi32, #tpu.memory_space<vmem>>
      %dma_wait3A_340 = tpu.memref_squeeze %dma_wait3A_339 : memref<1x96xi32, #tpu.memory_space<vmem>> -> memref<96xi32, #tpu.memory_space<vmem>>
      %dma_wait3A_341 = arith.constant 0 : i32
      %dma_wait3A_342 = arith.constant 0 : i32
      %dma_wait3A_343 = tpu.memref_slice %arg10[%dma_wait3A_341, %dma_wait3A_342] : memref<480x128xf32, #tpu.memory_space<vmem_shared>> -> memref<480x128xf32, #tpu.memory_space<vmem_shared>>
      tpu.wait_indirect_dma semaphore(%run_scoped3A_327 : memref<!tpu.dma_semaphore, #tpu.memory_space<semaphore_mem>>) src(%dma_wait3A_337 : memref<96x128xf32, #tpu.memory_space<vmem>>) dst(%dma_wait3A_343 : memref<480x128xf32, #tpu.memory_space<vmem_shared>>)
      tpu.yield
    }) : () -> ()
    %run_scoped3A_323 = arith.constant 4 : i32
    "tpu.region"() ({
      %run_scoped3A_327 = tpu.sem_alloc : memref<!tpu.dma_semaphore, #tpu.memory_space<semaphore_mem>>
      %dma_start3A = arith.constant 384 : i32
      %dma_start3A_328 = arith.constant 0 : i32
      %dma_start3A_329 = tpu.memref_slice %arg8[%dma_start3A, %dma_start3A_328] : memref<480x128xf32, #tpu.memory_space<vmem>> -> memref<96x128xf32, #tpu.memory_space<vmem>>
      %dma_start3A_330 = arith.constant 0 : i32
      %dma_start3A_331 = tpu.memref_slice %arg9[%run_scoped3A_323, %dma_start3A_330] : memref<5x96xi32, #tpu.memory_space<vmem>> -> memref<1x96xi32, #tpu.memory_space<vmem>>
      %dma_start3A_332 = tpu.memref_squeeze %dma_start3A_331 : memref<1x96xi32, #tpu.memory_space<vmem>> -> memref<96xi32, #tpu.memory_space<vmem>>
      %dma_start3A_333 = arith.constant 0 : i32
      %dma_start3A_334 = arith.constant 0 : i32
      %dma_start3A_335 = tpu.memref_slice %arg10[%dma_start3A_333, %dma_start3A_334] : memref<480x128xf32, #tpu.memory_space<vmem_shared>> -> memref<480x128xf32, #tpu.memory_space<vmem_shared>>
      tpu.enqueue_indirect_dma source(%dma_start3A_329 : memref<96x128xf32, #tpu.memory_space<vmem>>) target(%dma_start3A_335 : memref<480x128xf32, #tpu.memory_space<vmem_shared>>) offsets(%dma_start3A_332 : memref<96xi32, #tpu.memory_space<vmem>>) semaphore(%run_scoped3A_327 : memref<!tpu.dma_semaphore, #tpu.memory_space<semaphore_mem>>) {add = true}
      %dma_wait3A = arith.constant 384 : i32
      %dma_wait3A_336 = arith.constant 0 : i32
      %dma_wait3A_337 = tpu.memref_slice %arg8[%dma_wait3A, %dma_wait3A_336] : memref<480x128xf32, #tpu.memory_space<vmem>> -> memref<96x128xf32, #tpu.memory_space<vmem>>
      %dma_wait3A_338 = arith.constant 0 : i32
      %dma_wait3A_339 = tpu.memref_slice %arg9[%run_scoped3A_323, %dma_wait3A_338] : memref<5x96xi32, #tpu.memory_space<vmem>> -> memref<1x96xi32, #tpu.memory_space<vmem>>
      %dma_wait3A_340 = tpu.memref_squeeze %dma_wait3A_339 : memref<1x96xi32, #tpu.memory_space<vmem>> -> memref<96xi32, #tpu.memory_space<vmem>>
      %dma_wait3A_341 = arith.constant 0 : i32
      %dma_wait3A_342 = arith.constant 0 : i32
      %dma_wait3A_343 = tpu.memref_slice %arg10[%dma_wait3A_341, %dma_wait3A_342] : memref<480x128xf32, #tpu.memory_space<vmem_shared>> -> memref<480x128xf32, #tpu.memory_space<vmem_shared>>
      tpu.wait_indirect_dma semaphore(%run_scoped3A_327 : memref<!tpu.dma_semaphore, #tpu.memory_space<semaphore_mem>>) src(%dma_wait3A_337 : memref<96x128xf32, #tpu.memory_space<vmem>>) dst(%dma_wait3A_343 : memref<480x128xf32, #tpu.memory_space<vmem_shared>>)
      tpu.yield
    }) : () -> ()
    %barrier3A_324 = arith.constant 0 : index
    tpu.barrier barrier_id(%barrier3A_324)
    %eq3A = arith.constant 0 : i32
    %eq3A_325 = arith.cmpi eq, %arg1, %eq3A : i32
    %convert_element_type3A = arith.extui %eq3A_325 : i1 to i32
    %cond3A = arith.constant 0 : i32
    %cond3A_326 = arith.cmpi ne, %convert_element_type3A, %cond3A : i32
    scf.if %cond3A_326 {
      %eq3A_327 = arith.constant 0 : i32
      %eq3A_328 = arith.cmpi eq, %arg0, %eq3A_327 : i32
      %convert_element_type3A_329 = arith.extui %eq3A_328 : i1 to i32
      %cond3A_330 = arith.constant 0 : i32
      %cond3A_331 = arith.cmpi ne, %convert_element_type3A_329, %cond3A_330 : i32
      scf.if %cond3A_331 {
        "tpu.region"() ({
          %run_scoped3A_337 = tpu.sem_alloc : memref<!tpu.dma_semaphore, #tpu.memory_space<semaphore_mem>>
          tpu.enqueue_dma source(%arg10 : memref<480x128xf32, #tpu.memory_space<vmem_shared>>) target(%arg4 : memref<480x128xf32, #tpu.memory_space<hbm>>) target_semaphore(%run_scoped3A_337 : memref<!tpu.dma_semaphore, #tpu.memory_space<semaphore_mem>>)
          tpu.wait_dma2 semaphore(%run_scoped3A_337 : memref<!tpu.dma_semaphore, #tpu.memory_space<semaphore_mem>>) src(%arg10 : memref<480x128xf32, #tpu.memory_space<vmem_shared>>) dst(%arg4 : memref<480x128xf32, #tpu.memory_space<hbm>>)
          tpu.yield
        }) : () -> ()
      } else {
      }
      %eq3A_332 = arith.constant 1 : i32
      %eq3A_333 = arith.cmpi eq, %arg0, %eq3A_332 : i32
      %convert_element_type3A_334 = arith.extui %eq3A_333 : i1 to i32
      %cond3A_335 = arith.constant 0 : i32
      %cond3A_336 = arith.cmpi ne, %convert_element_type3A_334, %cond3A_335 : i32
      scf.if %cond3A_336 {
        "tpu.region"() ({
          %run_scoped3A_337 = tpu.sem_alloc : memref<!tpu.dma_semaphore, #tpu.memory_space<semaphore_mem>>
          tpu.enqueue_dma source(%arg10 : memref<480x128xf32, #tpu.memory_space<vmem_shared>>) target(%arg5 : memref<480x128xf32, #tpu.memory_space<hbm>>) target_semaphore(%run_scoped3A_337 : memref<!tpu.dma_semaphore, #tpu.memory_space<semaphore_mem>>)
          tpu.wait_dma2 semaphore(%run_scoped3A_337 : memref<!tpu.dma_semaphore, #tpu.memory_space<semaphore_mem>>) src(%arg10 : memref<480x128xf32, #tpu.memory_space<vmem_shared>>) dst(%arg5 : memref<480x128xf32, #tpu.memory_space<hbm>>)
          tpu.yield
        }) : () -> ()
      } else {
      }
    } else {
    }
    return
  }
}

#map = affine_map<(d0, d1) -> (0)>
#map1 = affine_map<(d0, d1) -> (0, 0)>
module attributes {stable_mosaic.version = 14 : i64} {
  func.func @_flags_body(%arg0: i32, %arg1: i32, %arg2: memref<7680xi32, #tpu.memory_space<hbm>>, %arg3: memref<1x53248xf32, #tpu.memory_space<hbm>>, %arg4: memref<7680xi32, #tpu.memory_space<vmem>>, %arg5: memref<1664xf32, #tpu.memory_space<vmem>>) attributes {dimension_semantics = [#tpu.dimension_semantics<core_parallel>, #tpu.dimension_semantics<subcore_parallel>], iteration_bounds = array<i64: 2, 16>, scalar_prefetch = 0 : i64, scratch_operands = 2 : i64, tpu.core_type = #tpu.core_type<sc_vector_subcore>, window_params = [{transform_indices = #map}, {transform_indices = #map1}]} {
    %mul3A = arith.constant 2 : i32
    %mul3A_0 = arith.muli %arg1, %mul3A : i32
    %add3A = arith.addi %mul3A_0, %arg0 : i32
    %mul3A_1 = arith.constant 1664 : i32
    %mul3A_2 = arith.muli %add3A, %mul3A_1 : i32
    "tpu.region"() ({
      %run_scoped3A_17 = tpu.sem_alloc : memref<!tpu.dma_semaphore, #tpu.memory_space<semaphore_mem>>
      tpu.enqueue_dma source(%arg2 : memref<7680xi32, #tpu.memory_space<hbm>>) target(%arg4 : memref<7680xi32, #tpu.memory_space<vmem>>) target_semaphore(%run_scoped3A_17 : memref<!tpu.dma_semaphore, #tpu.memory_space<semaphore_mem>>)
      tpu.wait_dma2 semaphore(%run_scoped3A_17 : memref<!tpu.dma_semaphore, #tpu.memory_space<semaphore_mem>>) src(%arg2 : memref<7680xi32, #tpu.memory_space<hbm>>) dst(%arg4 : memref<7680xi32, #tpu.memory_space<vmem>>)
      tpu.yield
    }) : () -> ()
    %broadcast_in_dim3A = arith.constant 0.000000e+00 : f32
    %broadcast_in_dim3A_3 = vector.broadcast %broadcast_in_dim3A : f32 to vector<16xf32>
    %scan3A = arith.constant 0 : i32
    %scan3A_4 = arith.constant 0 : i32
    %scan3A_5 = arith.constant 104 : i32
    %scan3A_6 = arith.addi %scan3A_4, %scan3A_5 : i32
    %scan3A_7 = arith.constant 1 : i32
    scf.for %scan3A_17 = %scan3A_4 to %scan3A_6 step %scan3A_7  : i32 {
      %mul3A_18 = arith.constant 16 : i32
      %mul3A_19 = arith.muli %scan3A_17, %mul3A_18 : i32
      %swap3A = arith.index_cast %mul3A_19 : i32 to index
      %swap3A_20 = tpu.vector_load %arg5[%swap3A] {strides = array<i32>} : memref<1664xf32, #tpu.memory_space<vmem>>, vector<16xf32>,
      tpu.vector_store %arg5[%swap3A], %broadcast_in_dim3A_3 {strides = array<i32>} : memref<1664xf32, #tpu.memory_space<vmem>>, vector<16xf32>,
    }
    %scan3A_8 = arith.constant 104 : i32
    %broadcast_in_dim3A_9 = arith.constant 1.000000e+00 : f32
    %broadcast_in_dim3A_10 = vector.broadcast %broadcast_in_dim3A_9 : f32 to vector<16xf32>
    %scan3A_11 = arith.constant 0 : i32
    %scan3A_12 = arith.constant 0 : i32
    %scan3A_13 = arith.constant 480 : i32
    %scan3A_14 = arith.addi %scan3A_12, %scan3A_13 : i32
    %scan3A_15 = arith.constant 1 : i32
    scf.for %scan3A_17 = %scan3A_12 to %scan3A_14 step %scan3A_15  : i32 {
      %mul3A_18 = arith.constant 16 : i32
      %mul3A_19 = arith.muli %scan3A_17, %mul3A_18 : i32
      %get3A = arith.index_cast %mul3A_19 : i32 to index
      %get3A_20 = tpu.vector_load %arg4[%get3A] {strides = array<i32>} : memref<7680xi32, #tpu.memory_space<vmem>>, vector<16xi32>,
      %ge3A = vector.broadcast %mul3A_2 : i32 to vector<16xi32>
      %ge3A_21 = arith.cmpi sge, %get3A_20, %ge3A : vector<16xi32>
      %add3A_22 = arith.constant 1664 : i32
      %add3A_23 = arith.addi %mul3A_2, %add3A_22 : i32
      %lt3A = vector.broadcast %add3A_23 : i32 to vector<16xi32>
      %lt3A_24 = arith.cmpi slt, %get3A_20, %lt3A : vector<16xi32>
      %and3A = arith.andi %ge3A_21, %lt3A_24 : vector<16xi1>
      %sub3A = vector.broadcast %mul3A_2 : i32 to vector<16xi32>
      %sub3A_25 = arith.subi %get3A_20, %sub3A : vector<16xi32>
      tpu.vector_store_idx %arg5[%sub3A_25], %broadcast_in_dim3A_10 masked %and3A : memref<1664xf32, #tpu.memory_space<vmem>>[vector<16xi32>], vector<16xf32>, vector<16xi1>
    }
    %scan3A_16 = arith.constant 480 : i32
    %run_scoped3A = arith.constant 0 : i32
    "tpu.region"() ({
      %run_scoped3A_17 = tpu.sem_alloc : memref<!tpu.dma_semaphore, #tpu.memory_space<semaphore_mem>>
      %dma_start3A = tpu.memref_slice %arg3[%run_scoped3A, %mul3A_2] : memref<1x53248xf32, #tpu.memory_space<hbm>> -> memref<1x1664xf32, #tpu.memory_space<hbm>>
      %dma_start3A_18 = tpu.memref_squeeze %dma_start3A : memref<1x1664xf32, #tpu.memory_space<hbm>> -> memref<1664xf32, #tpu.memory_space<hbm>>
      %dma_start3A_19 = tpu.memref_slice %arg3[%run_scoped3A, %mul3A_2] : memref<1x53248xf32, #tpu.memory_space<hbm>> -> memref<1x1664xf32, #tpu.memory_space<hbm>>
      %dma_start3A_20 = tpu.memref_squeeze %dma_start3A_19 : memref<1x1664xf32, #tpu.memory_space<hbm>> -> memref<1664xf32, #tpu.memory_space<hbm>>
      tpu.enqueue_dma source(%arg5 : memref<1664xf32, #tpu.memory_space<vmem>>) target(%dma_start3A_20 : memref<1664xf32, #tpu.memory_space<hbm>>) target_semaphore(%run_scoped3A_17 : memref<!tpu.dma_semaphore, #tpu.memory_space<semaphore_mem>>)
      %dma_wait3A = tpu.memref_slice %arg3[%run_scoped3A, %mul3A_2] : memref<1x53248xf32, #tpu.memory_space<hbm>> -> memref<1x1664xf32, #tpu.memory_space<hbm>>
      %dma_wait3A_21 = tpu.memref_squeeze %dma_wait3A : memref<1x1664xf32, #tpu.memory_space<hbm>> -> memref<1664xf32, #tpu.memory_space<hbm>>
      %dma_wait3A_22 = tpu.memref_slice %arg3[%run_scoped3A, %mul3A_2] : memref<1x53248xf32, #tpu.memory_space<hbm>> -> memref<1x1664xf32, #tpu.memory_space<hbm>>
      %dma_wait3A_23 = tpu.memref_squeeze %dma_wait3A_22 : memref<1x1664xf32, #tpu.memory_space<hbm>> -> memref<1664xf32, #tpu.memory_space<hbm>>
      tpu.wait_dma2 semaphore(%run_scoped3A_17 : memref<!tpu.dma_semaphore, #tpu.memory_space<semaphore_mem>>) src(%arg5 : memref<1664xf32, #tpu.memory_space<vmem>>) dst(%dma_wait3A_23 : memref<1664xf32, #tpu.memory_space<hbm>>)
      tpu.yield
    }) : () -> ()
    return
  }
}

module attributes {stable_mosaic.version = 14 : i64} {
  func.func @_loss_body(%arg0: i32, %arg1: memref<512x512xf32, #tpu.memory_space<vmem>>, %arg2: memref<512x512xf32, #tpu.memory_space<vmem>>, %arg3: memref<1x512xf32, #tpu.memory_space<vmem>>, %arg4: memref<512x8xf32, #tpu.memory_space<vmem>>, %arg5: memref<1x8xf32, #tpu.memory_space<vmem>>, %arg6: memref<512x256xf32, #tpu.memory_space<vmem>>, %arg7: memref<1x256xf32, #tpu.memory_space<vmem>>, %arg8: memref<512x8xf32, #tpu.memory_space<vmem>>, %arg9: memref<512x8xf32, #tpu.memory_space<vmem>>, %arg10: memref<512x256xf32, #tpu.memory_space<vmem>>, %arg11: memref<1x1xf32, #tpu.memory_space<smem>>) attributes {dimension_semantics = [#tpu.dimension_semantics<arbitrary>], iteration_bounds = array<i64: 15>, scalar_prefetch = 0 : i64, scratch_operands = 0 : i64, tpu.core_type = #tpu.core_type<tc>, window_params = [{transform_indices = @transform_0, window_bounds = array<i64: 512, 512>}, {pipeline_mode = #tpu.pipeline_mode<synchronous>, transform_indices = @transform_1, window_bounds = array<i64: 512, 512>}, {pipeline_mode = #tpu.pipeline_mode<synchronous>, transform_indices = @transform_2, window_bounds = array<i64: 1, 512>}, {pipeline_mode = #tpu.pipeline_mode<synchronous>, transform_indices = @transform_3, window_bounds = array<i64: 512, 8>}, {pipeline_mode = #tpu.pipeline_mode<synchronous>, transform_indices = @transform_4, window_bounds = array<i64: 1, 8>}, {pipeline_mode = #tpu.pipeline_mode<synchronous>, transform_indices = @transform_5, window_bounds = array<i64: 512, 256>}, {pipeline_mode = #tpu.pipeline_mode<synchronous>, transform_indices = @transform_6, window_bounds = array<i64: 1, 256>}, {transform_indices = @transform_7, window_bounds = array<i64: 512, 8>}, {transform_indices = @transform_8, window_bounds = array<i64: 512, 8>}, {transform_indices = @transform_9, window_bounds = array<i64: 512, 256>}, {transform_indices = @transform_10, window_bounds = array<i64: 1, 1>}]} {
    %get3A = arith.constant 0 : index
    %get3A_0 = arith.constant 0 : index
    %get3A_1 = vector.load %arg1[%get3A, %get3A_0] : memref<512x512xf32, #tpu.memory_space<vmem>>, vector<512x512xf32>
    %get3A_2 = arith.constant 0 : index
    %get3A_3 = arith.constant 0 : index
    %get3A_4 = vector.load %arg2[%get3A_2, %get3A_3] : memref<512x512xf32, #tpu.memory_space<vmem>>, vector<512x512xf32>
    %dot_general3A = arith.constant dense<0.000000e+00> : vector<512x512xf32>
    %dot_general3A_5 = tpu.matmul %get3A_1, %get3A_4, %dot_general3A {dimension_numbers = #tpu.dot_dimension_numbers<[1], [0], [0], [1], [0, 0, 1, 1], [], []>, transpose_lhs_hint = false} : vector<512x512xf32>, vector<512x512xf32>, vector<512x512xf32> -> vector<512x512xf32>
    %get3A_6 = arith.constant 0 : index
    %get3A_7 = arith.constant 0 : index
    %get3A_8 = vector.load %arg3[%get3A_6, %get3A_7] : memref<1x512xf32, #tpu.memory_space<vmem>>, vector<1x512xf32>
    %add3A = vector.broadcast %get3A_8 : vector<1x512xf32> to vector<512x512xf32>
    %add3A_9 = arith.addf %dot_general3A_5, %add3A : vector<512x512xf32>
    %max3A = arith.constant 0.000000e+00 : f32
    %max3A_10 = vector.broadcast %max3A : f32 to vector<512x512xf32>
    %max3A_11 = arith.maximumf %add3A_9, %max3A_10 : vector<512x512xf32>
    %get3A_12 = arith.constant 0 : index
    %get3A_13 = arith.constant 0 : index
    %get3A_14 = vector.load %arg4[%get3A_12, %get3A_13] : memref<512x8xf32, #tpu.memory_space<vmem>>, vector<512x8xf32>
    %dot_general3A_15 = arith.constant dense<0.000000e+00> : vector<512x8xf32>
    %dot_general3A_16 = tpu.matmul %max3A_11, %get3A_14, %dot_general3A_15 {dimension_numbers = #tpu.dot_dimension_numbers<[1], [0], [0], [1], [0, 0, 1, 1], [], []>, transpose_lhs_hint = false} : vector<512x512xf32>, vector<512x8xf32>, vector<512x8xf32> -> vector<512x8xf32>
    %get3A_17 = arith.constant 0 : index
    %get3A_18 = arith.constant 0 : index
    %get3A_19 = vector.load %arg5[%get3A_17, %get3A_18] : memref<1x8xf32, #tpu.memory_space<vmem>>, vector<1x8xf32>
    %add3A_20 = vector.broadcast %get3A_19 : vector<1x8xf32> to vector<512x8xf32>
    %add3A_21 = arith.addf %dot_general3A_16, %add3A_20 : vector<512x8xf32>
    %get3A_22 = arith.constant 0 : index
    %get3A_23 = arith.constant 0 : index
    %get3A_24 = vector.load %arg6[%get3A_22, %get3A_23] : memref<512x256xf32, #tpu.memory_space<vmem>>, vector<512x256xf32>
    %dot_general3A_25 = arith.constant dense<0.000000e+00> : vector<512x256xf32>
    %dot_general3A_26 = tpu.matmul %max3A_11, %get3A_24, %dot_general3A_25 {dimension_numbers = #tpu.dot_dimension_numbers<[1], [0], [0], [1], [0, 0, 1, 1], [], []>, transpose_lhs_hint = false} : vector<512x512xf32>, vector<512x256xf32>, vector<512x256xf32> -> vector<512x256xf32>
    %get3A_27 = arith.constant 0 : index
    %get3A_28 = arith.constant 0 : index
    %get3A_29 = vector.load %arg7[%get3A_27, %get3A_28] : memref<1x256xf32, #tpu.memory_space<vmem>>, vector<1x256xf32>
    %add3A_30 = vector.broadcast %get3A_29 : vector<1x256xf32> to vector<512x256xf32>
    %add3A_31 = arith.addf %dot_general3A_26, %add3A_30 : vector<512x256xf32>
    %get3A_32 = arith.constant 0 : index
    %get3A_33 = arith.constant 0 : index
    %get3A_34 = vector.load %arg8[%get3A_32, %get3A_33] : memref<512x8xf32, #tpu.memory_space<vmem>>, vector<512x8xf32>
    %get3A_35 = arith.constant 0 : index
    %get3A_36 = arith.constant 0 : index
    %get3A_37 = vector.load %arg9[%get3A_35, %get3A_36] : memref<512x8xf32, #tpu.memory_space<vmem>>, vector<512x8xf32>
    %add3A_38 = arith.addf %get3A_34, %get3A_37 : vector<512x8xf32>
    %sub3A = arith.subf %add3A_21, %add3A_38 : vector<512x8xf32>
    %get3A_39 = arith.constant 0 : index
    %get3A_40 = arith.constant 0 : index
    %get3A_41 = vector.load %arg10[%get3A_39, %get3A_40] : memref<512x256xf32, #tpu.memory_space<vmem>>, vector<512x256xf32>
    %sub3A_42 = arith.subf %add3A_31, %get3A_41 : vector<512x256xf32>
    %mul3A = arith.constant 512 : i32
    %mul3A_43 = arith.muli %arg0, %mul3A : i32
    %iota3A = tpu.iota {dimensions = array<i32: 0>} : vector<512x1xi32>
    %add3A_44 = vector.broadcast %mul3A_43 : i32 to vector<512x1xi32>
    %add3A_45 = arith.addi %add3A_44, %iota3A : vector<512x1xi32>
    %lt3A = arith.constant 7500 : i32
    %lt3A_46 = vector.broadcast %lt3A : i32 to vector<512x1xi32>
    %lt3A_47 = arith.cmpi slt, %add3A_45, %lt3A_46 : vector<512x1xi32>
    %mul3A_48 = arith.mulf %sub3A, %sub3A : vector<512x8xf32>
    %jit3A = arith.constant 0.000000e+00 : f32
    %broadcast_in_dim3A = vector.shape_cast %lt3A_47 : vector<512x1xi1> to vector<512x1xi1>
    %broadcast_in_dim3A_49 = vector.broadcast %broadcast_in_dim3A : vector<512x1xi1> to vector<512x8xi1>
    %broadcast_in_dim3A_50 = vector.broadcast %jit3A : f32 to vector<512x8xf32>
    %select_n3A = arith.select %broadcast_in_dim3A_49, %mul3A_48, %broadcast_in_dim3A_50 : vector<512x8xi1>, vector<512x8xf32>
    %reduce_sum3A = vector.shape_cast %select_n3A : vector<512x8xf32> to vector<1x512x8xf32>
    %reduce_sum3A_51 = arith.constant dense<0.000000e+00> : vector<1xf32>
    %reduce_sum3A_52 = vector.multi_reduction <add>, %reduce_sum3A, %reduce_sum3A_51 [1, 2] : vector<1x512x8xf32> to vector<1xf32>
    %reduce_sum3A_53 = vector.shape_cast %reduce_sum3A_52 : vector<1xf32> to vector<1x1x1xf32>
    %reduce_sum3A_54 = vector.extract %reduce_sum3A_53[0, 0, 0] : f32 from vector<1x1x1xf32>
    %mul3A_55 = arith.mulf %sub3A_42, %sub3A_42 : vector<512x256xf32>
    %jit3A_56 = arith.constant 0.000000e+00 : f32
    %broadcast_in_dim3A_57 = vector.shape_cast %lt3A_47 : vector<512x1xi1> to vector<512x1xi1>
    %broadcast_in_dim3A_58 = vector.broadcast %broadcast_in_dim3A_57 : vector<512x1xi1> to vector<512x256xi1>
    %broadcast_in_dim3A_59 = vector.broadcast %jit3A_56 : f32 to vector<512x256xf32>
    %select_n3A_60 = arith.select %broadcast_in_dim3A_58, %mul3A_55, %broadcast_in_dim3A_59 : vector<512x256xi1>, vector<512x256xf32>
    %reduce_sum3A_61 = vector.shape_cast %select_n3A_60 : vector<512x256xf32> to vector<1x512x256xf32>
    %reduce_sum3A_62 = arith.constant dense<0.000000e+00> : vector<1xf32>
    %reduce_sum3A_63 = vector.multi_reduction <add>, %reduce_sum3A_61, %reduce_sum3A_62 [1, 2] : vector<1x512x256xf32> to vector<1xf32>
    %reduce_sum3A_64 = vector.shape_cast %reduce_sum3A_63 : vector<1xf32> to vector<1x1x1xf32>
    %reduce_sum3A_65 = vector.extract %reduce_sum3A_64[0, 0, 0] : f32 from vector<1x1x1xf32>
    %add3A_66 = arith.addf %reduce_sum3A_54, %reduce_sum3A_65 : f32
    %eq3A = arith.constant 0 : i32
    %eq3A_67 = arith.cmpi eq, %arg0, %eq3A : i32
    %convert_element_type3A = arith.extui %eq3A_67 : i1 to i32
    %cond3A = arith.constant 0 : i32
    %cond3A_68 = arith.cmpi ne, %convert_element_type3A, %cond3A : i32
    scf.if %cond3A_68 {
      %swap3A_80 = arith.constant 0.000000e+00 : f32
      %swap3A_81 = arith.constant 0 : index
      %swap3A_82 = arith.constant 0 : index
      %swap3A_83 = memref.load %arg11[%swap3A_81, %swap3A_82] : memref<1x1xf32, #tpu.memory_space<smem>>
      memref.store %swap3A_80, %arg11[%swap3A_81, %swap3A_82] : memref<1x1xf32, #tpu.memory_space<smem>>
    } else {
    }
    %get3A_69 = arith.constant 0 : index
    %get3A_70 = arith.constant 0 : index
    %get3A_71 = memref.load %arg11[%get3A_69, %get3A_70] : memref<1x1xf32, #tpu.memory_space<smem>>
    %add3A_72 = arith.addf %get3A_71, %add3A_66 : f32
    %swap3A = arith.constant 0 : index
    %swap3A_73 = arith.constant 0 : index
    %swap3A_74 = memref.load %arg11[%swap3A, %swap3A_73] : memref<1x1xf32, #tpu.memory_space<smem>>
    memref.store %add3A_72, %arg11[%swap3A, %swap3A_73] : memref<1x1xf32, #tpu.memory_space<smem>>
    %eq3A_75 = arith.constant 14 : i32
    %eq3A_76 = arith.cmpi eq, %arg0, %eq3A_75 : i32
    %convert_element_type3A_77 = arith.extui %eq3A_76 : i1 to i32
    %cond3A_78 = arith.constant 0 : i32
    %cond3A_79 = arith.cmpi ne, %convert_element_type3A_77, %cond3A_78 : i32
    scf.if %cond3A_79 {
      %get3A_80 = arith.constant 0 : index
      %get3A_81 = arith.constant 0 : index
      %get3A_82 = memref.load %arg11[%get3A_80, %get3A_81] : memref<1x1xf32, #tpu.memory_space<smem>>
      %mul3A_83 = arith.constant 5.08905828E-7 : f32
      %mul3A_84 = arith.mulf %get3A_82, %mul3A_83 : f32
      %swap3A_85 = arith.constant 0 : index
      %swap3A_86 = arith.constant 0 : index
      %swap3A_87 = memref.load %arg11[%swap3A_85, %swap3A_86] : memref<1x1xf32, #tpu.memory_space<smem>>
      memref.store %mul3A_84, %arg11[%swap3A_85, %swap3A_86] : memref<1x1xf32, #tpu.memory_space<smem>>
    } else {
    }
    return
  }
  func.func @transform_0(%arg0: i32) -> (i32, i32) {
    %c0_i32 = arith.constant 0 : i32
    %c0_i32_0 = arith.constant 0 : i32
    return %arg0, %c0_i32 : i32, i32
  }
  func.func @transform_1(%arg0: i32) -> (i32, i32) {
    %c0_i32 = arith.constant 0 : i32
    %c0_i32_0 = arith.constant 0 : i32
    %c0_i32_1 = arith.constant 0 : i32
    return %c0_i32, %c0_i32_0 : i32, i32
  }
  func.func @transform_2(%arg0: i32) -> (i32, i32) {
    %c0_i32 = arith.constant 0 : i32
    %c0_i32_0 = arith.constant 0 : i32
    %c0_i32_1 = arith.constant 0 : i32
    return %c0_i32, %c0_i32_0 : i32, i32
  }
  func.func @transform_3(%arg0: i32) -> (i32, i32) {
    %c0_i32 = arith.constant 0 : i32
    %c0_i32_0 = arith.constant 0 : i32
    %c0_i32_1 = arith.constant 0 : i32
    return %c0_i32, %c0_i32_0 : i32, i32
  }
  func.func @transform_4(%arg0: i32) -> (i32, i32) {
    %c0_i32 = arith.constant 0 : i32
    %c0_i32_0 = arith.constant 0 : i32
    %c0_i32_1 = arith.constant 0 : i32
    return %c0_i32, %c0_i32_0 : i32, i32
  }
  func.func @transform_5(%arg0: i32) -> (i32, i32) {
    %c0_i32 = arith.constant 0 : i32
    %c0_i32_0 = arith.constant 0 : i32
    %c0_i32_1 = arith.constant 0 : i32
    return %c0_i32, %c0_i32_0 : i32, i32
  }
  func.func @transform_6(%arg0: i32) -> (i32, i32) {
    %c0_i32 = arith.constant 0 : i32
    %c0_i32_0 = arith.constant 0 : i32
    %c0_i32_1 = arith.constant 0 : i32
    return %c0_i32, %c0_i32_0 : i32, i32
  }
  func.func @transform_7(%arg0: i32) -> (i32, i32) {
    %c0_i32 = arith.constant 0 : i32
    %c0_i32_0 = arith.constant 0 : i32
    return %arg0, %c0_i32 : i32, i32
  }
  func.func @transform_8(%arg0: i32) -> (i32, i32) {
    %c0_i32 = arith.constant 0 : i32
    %c0_i32_0 = arith.constant 0 : i32
    return %arg0, %c0_i32 : i32, i32
  }
  func.func @transform_9(%arg0: i32) -> (i32, i32) {
    %c0_i32 = arith.constant 0 : i32
    %c0_i32_0 = arith.constant 0 : i32
    return %arg0, %c0_i32 : i32, i32
  }
  func.func @transform_10(%arg0: i32) -> (i32, i32) {
    %c0_i32 = arith.constant 0 : i32
    %c0_i32_0 = arith.constant 0 : i32
    %c0_i32_1 = arith.constant 0 : i32
    return %c0_i32, %c0_i32_0 : i32, i32
  }
}

module attributes {stable_mosaic.version = 14 : i64} {
  func.func @_sel_body(%arg0: i32, %arg1: memref<512x512xf32, #tpu.memory_space<vmem>>, %arg2: memref<1x512xf32, #tpu.memory_space<vmem>>, %arg3: memref<1x512xf32, #tpu.memory_space<vmem>>, %arg4: memref<512x512xf32, #tpu.memory_space<vmem>>) attributes {dimension_semantics = [#tpu.dimension_semantics<arbitrary>], iteration_bounds = array<i64: 98>, scalar_prefetch = 0 : i64, scratch_operands = 0 : i64, tpu.core_type = #tpu.core_type<tc>, window_params = [{transform_indices = @transform_0, window_bounds = array<i64: 512, 512>}, {transform_indices = @transform_1, window_bounds = array<i64: 1, 512>}, {pipeline_mode = #tpu.pipeline_mode<synchronous>, transform_indices = @transform_2, window_bounds = array<i64: 1, 512>}, {transform_indices = @transform_3, window_bounds = array<i64: 512, 512>}]} {
    %get3A = arith.constant 0 : index
    %get3A_0 = arith.constant 0 : index
    %get3A_1 = vector.load %arg2[%get3A, %get3A_0] : memref<1x512xf32, #tpu.memory_space<vmem>>, vector<1x512xf32>
    %iota3A = tpu.iota {dimensions = array<i32: 0>} : vector<512x512xi32>
    %iota3A_2 = tpu.iota {dimensions = array<i32: 1>} : vector<512x512xi32>
    %eq3A = arith.cmpi eq, %iota3A, %iota3A_2 : vector<512x512xi32>
    %jit3A = arith.constant 0.000000e+00 : f32
    %broadcast_in_dim3A = vector.shape_cast %get3A_1 : vector<1x512xf32> to vector<1x512xf32>
    %broadcast_in_dim3A_3 = vector.broadcast %broadcast_in_dim3A : vector<1x512xf32> to vector<512x512xf32>
    %broadcast_in_dim3A_4 = vector.broadcast %jit3A : f32 to vector<512x512xf32>
    %select_n3A = arith.select %eq3A, %broadcast_in_dim3A_3, %broadcast_in_dim3A_4 : vector<512x512xi1>, vector<512x512xf32>
    %reduce_sum3A = arith.constant dense<0.000000e+00> : vector<512xf32>
    %reduce_sum3A_5 = vector.multi_reduction <add>, %select_n3A, %reduce_sum3A [1] : vector<512x512xf32> to vector<512xf32>
    %broadcast_in_dim3A_6 = vector.shape_cast %reduce_sum3A_5 : vector<512xf32> to vector<512x1xf32>
    %gt3A = arith.constant 0.000000e+00 : f32
    %gt3A_7 = vector.broadcast %gt3A : f32 to vector<512x1xf32>
    %gt3A_8 = arith.cmpf ogt, %broadcast_in_dim3A_6, %gt3A_7 : vector<512x1xf32>
    %get3A_9 = arith.constant 0 : index
    %get3A_10 = arith.constant 0 : index
    %get3A_11 = vector.load %arg3[%get3A_9, %get3A_10] : memref<1x512xf32, #tpu.memory_space<vmem>>, vector<1x512xf32>
    %get3A_12 = arith.constant 0 : index
    %get3A_13 = arith.constant 0 : index
    %get3A_14 = vector.load %arg1[%get3A_12, %get3A_13] : memref<512x512xf32, #tpu.memory_space<vmem>>, vector<512x512xf32>
    %broadcast_in_dim3A_15 = vector.shape_cast %gt3A_8 : vector<512x1xi1> to vector<512x1xi1>
    %broadcast_in_dim3A_16 = vector.broadcast %broadcast_in_dim3A_15 : vector<512x1xi1> to vector<512x512xi1>
    %broadcast_in_dim3A_17 = vector.shape_cast %get3A_11 : vector<1x512xf32> to vector<1x512xf32>
    %broadcast_in_dim3A_18 = vector.broadcast %broadcast_in_dim3A_17 : vector<1x512xf32> to vector<512x512xf32>
    %select_n3A_19 = arith.select %broadcast_in_dim3A_16, %broadcast_in_dim3A_18, %get3A_14 : vector<512x512xi1>, vector<512x512xf32>
    %swap3A = arith.constant 0 : index
    %swap3A_20 = arith.constant 0 : index
    %swap3A_21 = vector.load %arg4[%swap3A, %swap3A_20] : memref<512x512xf32, #tpu.memory_space<vmem>>, vector<512x512xf32>
    tpu.vector_store %arg4[%swap3A, %swap3A_20], %select_n3A_19 {strides = array<i32>} : memref<512x512xf32, #tpu.memory_space<vmem>>, vector<512x512xf32>,
    return
  }
  func.func @transform_0(%arg0: i32) -> (i32, i32) {
    %c0_i32 = arith.constant 0 : i32
    %c0_i32_0 = arith.constant 0 : i32
    return %arg0, %c0_i32 : i32, i32
  }
  func.func @transform_1(%arg0: i32) -> (i32, i32) {
    %c0_i32 = arith.constant 0 : i32
    %c0_i32_0 = arith.constant 0 : i32
    return %c0_i32, %arg0 : i32, i32
  }
  func.func @transform_2(%arg0: i32) -> (i32, i32) {
    %c0_i32 = arith.constant 0 : i32
    %c0_i32_0 = arith.constant 0 : i32
    %c0_i32_1 = arith.constant 0 : i32
    return %c0_i32, %c0_i32_0 : i32, i32
  }
  func.func @transform_3(%arg0: i32) -> (i32, i32) {
    %c0_i32 = arith.constant 0 : i32
    %c0_i32_0 = arith.constant 0 : i32
    return %arg0, %c0_i32 : i32, i32
  }
}

</mosaic_0001>

<sc_bundles>
// kernel: kernel.10.cloned.1.call-start
scs
__scs_entry_jumppad:
0x0: {  	(pc) =	sbr.rel $0x88, $3  }
0x1: {  	(tag) =	ssettag $0x0;
	lr =	simm.s32 $0x1  }
0x2: {  	[smem:$0x3F97] =	sst lr;
	_ =	strace $0xD0000000  }
0x3: {  	_ = 	snop  }
0x4: {  	_ = 	snop  }
0x5: {  	_ = 	snop  }
0x6: {  	_ = 	snop  }
0x7: {  	_ = 	snop  }
__scs_overlays_trampoline_lowered:
0x8: {  	[smem:$0x3FA6] =	sst s0  }
0x9: {  	[smem:$0x3FA7] =	sst s1  }
0xa: {  	[smem:$0x3FA8] =	sst s2  }
0xb: {  	[smem:$0x3FA9] =	sst s3  }
0xc: {  	[smem:$0x3FAA] =	sst s4  }
0xd: {  	[smem:$0x3FAB] =	sst s5  }
0xe: {  	[smem:$0x3FAC] =	sst s6  }
0xf: {  	[smem:$0x3FAD] =	sst s7  }
0x10: {  	[smem:$0x3FAE] =	sst s8  }
0x11: {  	[smem:$0x3FAF] =	sst s9;
	s0 =	simm.s32 @!p0 $0x0  }
0x12: {  	s1 =	sld [smem:$0x3F95];
	s0 =	simm.s32 @p0 $0x1  }
0x13: {  	[smem:$0x3FB0] =	sst s0;
	s0 =	simm.s32 @!p1 $0x0  }
0x14: {  	s2 =	sld [smem:$0x3F94];
	s0 =	simm.s32 @p1 $0x1  }
0x15: {  	[smem:$0x3FB1] =	sst s0;
	s0 =	simm.s32 @!p2 $0x0  }
0x16: {  	s3 =	sld [smem:$0x3FDB];
	s0 =	simm.s32 @p2 $0x1  }
0x17: {  	s4 =	simm.s32 $0x1BF5;
	[smem:$0x3FB3] =	sst s0  }
0x18: {  	s0 =	sld [smem:$0x3F96];
	_ =	swait.ge [sflag:s4], $0x0  }
0x19: {  	s7 =	sld [smem:$0x3F97]  }
0x1a: {  	s8 =	sadd.s32 $0xFFFFE003, lr  }
0x1b: {  	s9 =	sadd.s32 $0xFFFFFEF7, lr;
	s5 =	simm.s32 $0xFFFFFFFF;
	p2 =	slt.u32 s8, $0xFFFFF086  }
0x1c: {  	p1 =	slt.u32 s9, $0xF7A;
	s5 =	simm.s32 @!p2 $0x0  }
0x1d: {  	s5 =	simm.s32 @p1 $0x1;
	p0 =	seq.s32 s7, s2  }
0x1e: {  	s7 =	smul.u32 @!p0 $0xF7A, s2;
	p2 =	seq.s32 @!p0 s5, $0x0  }
0x1f: {  	s9 =	smul.u32 $0xF7A, s1;
	s8 =	simm.s32 @!p0 $0x1BF5;
	p2 =	por !p2, p0  }
0x20: {  	[sflag:s8] =	ssyncset.s32 @!p0 $0xFFFFF086;
	s6 =	sadd.s32 @!p0 s3, s7;
	s7 =	simm.s32 @!p0 $0x108  }
0x21: {  	s3 =	sadd.s32 s3, s9;
	s6 =	sadd.s32 @!p0 $0x88, s6;
	s7 =	simm.s32 @p2 $0x1082  }
0x22: {  	[simem:s7], [sflag:s8] =	dma.local @!p0 [hbm:s6], $0xF7A  }
0x23: {  	s9 =	sor.u32 $0xD0000000, s2;
	s6 =	simm.s32 $0x108;
	_ =	swait.ge @!p0 [sflag:s8], $0x0  }
0x24: {  	s3 =	sadd.s32 $0x88, s3;
	s6 =	simm.s32 @!p1 $0x1082;
	[sflag:s4] =	ssyncset.s32 $0xFFFFF086  }
0x25: {  	[simem:s6], [sflag:s4] =	dma.local [hbm:s3], $0xF7A  }
0x26: {  	[smem:$0x3F97] =	sst s1;
	(tag) =	ssettag s2;
	_ =	strace s9  }
0x27: {  	s1 =	sld [smem:$0x3FA7]  }
0x28: {  	s2 =	sld [smem:$0x3FA8]  }
0x29: {  	s4 =	sld [smem:$0x3FAA]  }
0x2a: {  	p0 =	seq.s32 s5, $0x0;
	s5 =	sld [smem:$0x3FAB]  }
0x2b: {  	s6 =	sld [smem:$0x3FAC]  }
0x2c: {  	s7 =	sld [smem:$0x3FAD]  }
0x2d: {  	s3 =	simm.s32 $0x108;
	s8 =	sld [smem:$0x3FAE]  }
0x2e: {  	s3 =	simm.s32 @!p0 $0x1082;
	s9 =	sld [smem:$0x3FAF]  }
0x2f: {  	lr =	sadd.s32 s0, s3;
	s0 =	sld [smem:$0x3FA6]  }
0x30: {  	s3 =	sld [smem:$0x3FA9]  }
0x31: {  	[smem:$0x3FB2] =	sst s10  }
0x32: {  	s10 =	sld [smem:$0x3FB0];
	_ =	sdelay $0x3  }
0x33: {  	p0 =	seq.s32 s10, $0x1;
	s10 =	sld [smem:$0x3FB2];
	_ =	sdelay $0x3  }
0x34: {  	[smem:$0x3FB2] =	sst s10  }
0x35: {  	s10 =	sld [smem:$0x3FB1];
	_ =	sdelay $0x3  }
0x36: {  	p1 =	seq.s32 s10, $0x1;
	s10 =	sld [smem:$0x3FB2];
	_ =	sdelay $0x3  }
0x37: {  	[smem:$0x3FB2] =	sst s10  }
0x38: {  	s10 =	sld [smem:$0x3FB3]  }
0x39: {  	_ = 	snop;
	(pc) =	sbr.ind lr, $3  }
0x3a: {  	_ = 	snop  }
0x3b: {  	_ = 	snop  }
0x3c: {  	p2 =	seq.s32 s10, $0x1;
	s10 =	sld [smem:$0x3FB2]  }
0x3d: {  	_ =	shalt  }
0x3e: {  	_ =	shalt  }
0x3f: {  	_ =	shalt  }
0x40: {  	_ =	shalt  }
0x41: {  	_ =	shalt  }
0x42: {  	_ =	shalt  }
0x43: {  	_ =	shalt  }
0x44: {  	_ =	shalt  }
0x45: {  	_ =	shalt  }
0x46: {  	_ =	shalt  }
0x47: {  	_ =	shalt  }
0x48: {  	_ =	shalt  }
0x49: {  	_ =	shalt  }
0x4a: {  	_ =	shalt  }
0x4b: {  	_ =	shalt  }
0x4c: {  	_ =	shalt  }
0x4d: {  	_ =	shalt  }
0x4e: {  	_ =	shalt  }
0x4f: {  	_ =	shalt  }
0x50: {  	_ =	shalt  }
0x51: {  	_ =	shalt  }
0x52: {  	_ =	shalt  }
0x53: {  	_ =	shalt  }
0x54: {  	_ =	shalt  }
0x55: {  	_ =	shalt  }
0x56: {  	_ =	shalt  }
0x57: {  	_ =	shalt  }
0x58: {  	_ =	shalt  }
0x59: {  	_ =	shalt  }
0x5a: {  	_ =	shalt  }
0x5b: {  	_ =	shalt  }
0x5c: {  	_ =	shalt  }
0x5d: {  	_ =	shalt  }
0x5e: {  	_ =	shalt  }
0x5f: {  	_ =	shalt  }
0x60: {  	_ =	shalt  }
0x61: {  	_ =	shalt  }
0x62: {  	_ =	shalt  }
0x63: {  	_ =	shalt  }
0x64: {  	_ =	shalt  }
0x65: {  	_ =	shalt  }
0x66: {  	_ =	shalt  }
0x67: {  	_ =	shalt  }
0x68: {  	_ =	shalt  }
0x69: {  	_ =	shalt  }
0x6a: {  	_ =	shalt  }
0x6b: {  	_ =	shalt  }
0x6c: {  	_ =	shalt  }
0x6d: {  	_ =	shalt  }
0x6e: {  	_ =	shalt  }
0x6f: {  	_ =	shalt  }
0x70: {  	_ =	shalt  }
0x71: {  	_ =	shalt  }
0x72: {  	_ =	shalt  }
0x73: {  	_ =	shalt  }
0x74: {  	_ =	shalt  }
0x75: {  	_ =	shalt  }
0x76: {  	_ =	shalt  }
0x77: {  	_ =	shalt  }
0x78: {  	_ =	shalt  }
0x79: {  	_ =	shalt  }
0x7a: {  	_ =	shalt  }
0x7b: {  	_ =	shalt  }
0x7c: {  	_ =	shalt  }
0x7d: {  	_ =	shalt  }
0x7e: {  	_ =	shalt  }
0x7f: {  	_ =	shalt  }
0x80: {  	_ =	shalt  }
0x81: {  	_ =	shalt  }
0x82: {  	_ =	shalt  }
0x83: {  	_ =	shalt  }
0x84: {  	_ =	shalt  }
0x85: {  	_ =	shalt  }
0x86: {  	_ =	shalt  }
0x87: {  	_ =	shalt  }
.Lfunc_end0:
.L_simem_size_0:
called_computation.1_lowered:
.L_overlay_start_0:
0x88: {  	s2 =	sld [smem:$0x3FD9]  }
0x89: {  	s3 =	sld [smem:$0x3FFE];
	_ =	sdelay $0x1  }
0x8a: {  	s1 =	srdreg.scid  }
0x8b: {  	s0 =	sand.u32 $0x1, s1  }
0x8c: {  	s15 =	sshll.u32 s0, $0xA;
	s2 =	sadd.s32 s3, s2  }
0x8d: {  	s2 =	sadd.s32 s2, s15  }
0x8e: {  	[smem:$0x3FBE] =	sst s2  }
0x8f: {  	_ = 	snop  }
0x90: {  	s4 =	sld [smem:$0x3FD0];
	_ =	sdelay $0x1  }
0x91: {  	s2 =	sld [smem:$0x3FC8]  }
0x92: {  	s5 =	simm.s32 $0xC;
	s6 =	simm.s32 $0x10;
	s16 =	sld [smem:$0x3FC5]  }
0x93: {  	[smem:s6], [sflag:s5] =	dma.local [hbm:s4], $0x1  }
0x94: {  	_ =	swait.eq [sflag:s5], $0x1  }
0x95: {  	[sflag:s5] =	ssyncset.done $0x0  }
0x96: {  	[sflag:s5] =	ssyncadd.s32 $0xFFFFFFFF  }
0x97: {  	s17 =	sld [smem:$0x10];
	(tm) =	ssettm $0x1  }
0x98: {  	s18 =	sld [smem:$0x3FFB];
	_ =	sdelay $0x3  }
0x99: {  	_ =	strace s18  }
0x9a: {  	s4 =	sld [smem:$0x3FFC];
	_ =	sdelay $0x3  }
0x9b: {  	_ =	strace s4  }
0x9c: {  	s4 =	sld [smem:$0x3FFD];
	_ =	sdelay $0x3  }
0x9d: {  	_ =	strace s4  }
0x9e: {  	_ =	strace $0x8FFFFFFF  }
0x9f: {  	s19 =	sld [smem:$0x3FDB];
	_ =	sdelay $0x1  }
0xa0: {  	s20 =	simm.s32 $_scs_section_size  }
0xa1: {  	s7 =	simm.s32 $_size__tile_overlayer_lowered;
	s8 =	simm.s32 $_tile_overlayer_lowered  }
0xa2: {  	s9 =	simm.s32 $0x1BFF;
	s21 =	sshll.u32 s8, $0x1;
	s6 =	sadd.s32 s20, s19  }
0xa3: {  	s22 =	simm.s32 $0x0;
	s7 =	sshll.u32 s7, $0x1;
	s8 =	sadd.s32 s21, s6  }
0xa4: {  	[timem:s22], [sflag:s9] =	dma.local [hbm:s8], s7  }
0xa5: {  	_ =	swait.ge [sflag:s9], s7  }
0xa6: {  	s7 =	ssub.s32 $0x0, s7;
	[sflag:s9] =	ssyncset.done $0x0  }
0xa7: {  	[sflag:s9] =	ssyncadd.s32 s7;
	_ =	sdelay $0x1  }
0xa8: {  	s23 =	simm.s32 $0x1B8B  }
0xa9: {  	_ =	swait.ge [sflag:s23], $0x1  }
0xaa: {  	[sflag:s23] =	ssyncset.done $0x0  }
0xab: {  	[sflag:s23] =	ssyncadd.s32 $0xFFFFFFFF  }
0xac: {  	s7 =	sld [smem:$0x0]  }
0xad: {  	s8 =	sand.u32 $0xFFFFFFFE, s1  }
0xae: {  	p0 =	sne.s32 s1, s8  }
0xaf: {  	s8 =	sshll.u32 @p0 s8, $0xE  }
0xb0: {  	s8 =	sadd.s32 @p0 $0x11B8D, s8;
	s9 =	sshll.u32 @p0 s7, $0x11  }
0xb1: {  	s8 =	sor.u32 @p0 s9, s8  }
0xb2: {  	[sflag:s8] =	ssyncadd.remote.s32 @p0 $0x1;
	_ =	sdelay $0x1  }
0xb3: {  	s8 =	simm.s32 @p0 $0x1B8D  }
0xb4: {  	_ =	swait.eq @p0 [sflag:s8], $0x1  }
0xb5: {  	[sflag:s8] =	ssyncadd.s32 @p0 $0xFFFFFFFF  }
0xb6: {  	s9 =	sshll.u32 @!p0 s1, $0xE  }
0xb7: {  	s9 =	sor.u32 @!p0 $0x4000, s9;
	s8 =	simm.s32 @!p0 $0x1B8D  }
0xb8: {  	s7 =	sshll.u32 @!p0 s7, $0x11;
	s9 =	sadd.s32 @!p0 $0x11B8D, s9;
	_ =	swait.eq @!p0 [sflag:s8], $0x1  }
0xb9: {  	s7 =	sor.u32 @!p0 s7, s9;
	[sflag:s8] =	ssyncadd.s32 @!p0 $0xFFFFFFFF  }
0xba: {  	s25 =	simm.s32 $0x1B8E;
	s24 =	sld [smem:$0x3FFE];
	[sflag:s7] =	ssyncadd.remote.s32 @!p0 $0x1  }
0xbb: {  	s26 =	simm.s32 $execute0_lowered;
	[smem:$0x3FD2] =	sst s25  }
0xbc: {  	s8 =	sshll.u32 s26, $0x1;
	_ =	strace $0x80000049;
	[dreg:$0x1] =	wrdreg $0xFFFFFFFF  }
0xbd: {  	s28 =	simm.s32 $_size_execute0_lowered;
	s6 =	sadd.s32 s6, s8;
	[dreg:$0x0] =	wrdreg $0x0  }
0xbe: {  	s8 =	sshll.u32 s28, $0x1;
	[dreg:$0x2] =	wrdreg s6  }
0xbf: {  	[dreg:$0x3] =	wrdreg s8  }
0xc0: {  	[dreg:$0x4] =	wrdreg $0xC0  }
0xc1: {  	_ =	task [dreg:s22], $0x5FFFF  }
0xc2: {  	[dreg:$0x1] =	wrdreg $0xFFFFFFFF  }
0xc3: {  	[dreg:$0x0] =	wrdreg $0x60  }
0xc4: {  	[dreg:$0x2] =	wrdreg s24  }
0xc5: {  	[dreg:$0x3] =	wrdreg s2  }
0xc6: {  	[dreg:$0x4] =	wrdreg s16  }
0xc7: {  	[dreg:$0x5] =	wrdreg s17  }
0xc8: {  	[dreg:$0x6] =	wrdreg $0xA  }
0xc9: {  	_ =	task.clear_ibuf [dreg:s22], $0x7FFFF;
	_ =	strace $0x90000049  }
0xca: {  	s29 =	simm.s32 $0xA;
	_ =	strace $0x8000004B  }
0xcb: {  	_ =	swait.ge [sflag:s29], $0x1  }
0xcc: {  	[sflag:s29] =	ssyncadd.s32 $0xFFFFFFFF  }
0xcd: {  	_ =	strace $0x9000004B  }
0xce: {  	_ =	sfence  }
0xcf: {  	s30 =	sld [smem:$0x0];
	_ =	sdelay $0x2  }
0xd0: {  	s31 =	sshll.u32 s1, $0xD;
	s1 =	sshrl.u32 s1, $0x2  }
0xd1: {  	s3 =	sand.u32 $0x4000, s31;
	s1 =	sadd.s32 s1, s30  }
0xd2: {  	s0 =	sor.u32 s3, s0;
	s1 =	sshll.u32 s1, $0x11  }
0xd3: {  	s0 =	sor.u32 s1, s0  }
0xd4: {  	s0 =	sadd.s32 $0x8F2B, s0  }
0xd5: {  	[sflag:s0] =	ssyncadd.remote.s32 $0x1  }
0xd6: {  	_ =	sfence.sel $0xFFFF  }
0xd7: {  	[dreg:$0x0] =	wrdreg $0xFFFFFFFF;
	(pc) =	sbr.abs _section_cstart, $3  }
0xd8: {  	[dreg:$0x1] =	wrdreg $0xFFFFFFFF  }
0xd9: {  	_ =	task.clear_ibuf [dreg:s22], $0x2FFFF;
	_ =	strace $0x9FFFFFFF  }
0xda: {  	(tm) =	ssettm $0x7FFFFFFF  }
0xdb: {  	_ =	shalt  }
tec
execute0_lowered:
.L_overlay_start_1:
0x0: {  	(tag) =	ssettag $0x1  }
0x1: {  	s0 =	srdreg.scid;
	s1 =	rddreg [dreg:$0x0]  }
0x2: {  	s2 =	stileid.u32;
	s7 =	rddreg [dreg:$0x3];
	s4 =	simm.s32 $0x0  }
0x3: {  	s29 =	simm.s32 $0x3;
	s30 =	simm.s32 $0x5;
	s31 =	simm.s32 $0x7  }
0x4: {  	s0 =	sand.u32 $0x1, s0;
	s3 =	sshll.u32 s2, $0x1;
	s2 =	rddreg [dreg:$0x1]  }
0x5: {  	s12 =	simm.s32 $0x7100;
	[smem:$0x7FF] =	sst s4;
	s5 =	sor.u32 s0, s3  }
0x6: {  	s3 =	rddreg [dreg:$0x2];
	s0 =	ssub.s32 $0x2, s0;
	s6 =	smul.u32 $0xF0, s5  }
0x7: {  	_ =	strace $0x8000004A;
	s9 =	smul.u32 $0x3C00, s5;
	s23 =	sshrl.u32 s0, $0x1  }
0x8: {  	s5 =	smul.u32 $0x1E00, s5;
	s0 =	ssub.s32 s0, s23;
	s23 =	simm.s32 $0xF100  }
0x9: {  	s8 =	sshrl.u32 s6, $0x3;
	s13 =	sadd.s32 s7, s9;
	s14 =	sadd.s32 $0x30, s6  }
0xa: {  	s16 =	sadd.s32 $0x60, s6;
	s22 =	sadd.s32 $0x90, s6;
	s6 =	sadd.s32 $0xC0, s6  }
0xb: {  	s9 =	simm.s32 $0x1;
	s8 =	sadd.s32 s8, s1;
	s1 =	sadd.s32 $0xFC00, s1  }
0xc: {  	[dreg:$0x6] =	wrdreg s13;
	s15 =	sshll.u32 s14, $0x6;
	s18 =	sshll.u32 s16, $0x6  }
0xd: {  	s20 =	sshll.u32 s16, $0x5;
	s24 =	sshll.u32 s22, $0x6;
	s26 =	sshll.u32 s6, $0x6  }
0xe: {  	s6 =	sshll.u32 s6, $0x5;
	s13 =	simm.s32 $0x7900;
	s8 =	sadd.s32 $0x2800, s8  }
0xf: {  	s16 =	simm.s32 $0x9100;
	s5 =	sadd.s32 s1, s5;
	[dreg:$0x5] =	wrdreg s8  }
0x10: {  	s19 =	sadd.s32 s7, s18;
	s21 =	sadd.s32 s1, s20;
	[dreg:$0x7] =	wrdreg s5  }
0x11: {  	s28 =	sadd.s32 s7, s26;
	s20 =	simm.s32 $0x100;
	[dreg:$0xa] =	wrdreg s19  }
0x12: {  	s18 =	simm.s32 $0xA100;
	s26 =	simm.s32 $0x10900;
	[dreg:$0xb] =	wrdreg s21  }
0x13: {  	s5 =	sadd.s32 s7, s15;
	s8 =	sshll.u32 s14, $0x5;
	[dreg:$0xe] =	wrdreg s28  }
0x14: {  	s14 =	simm.s32 $0x8100;
	s15 =	simm.s32 $0x8900;
	s19 =	simm.s32 $0xA900  }
0x15: {  	s21 =	simm.s32 $0xB100;
	[dreg:$0x8] =	wrdreg s5;
	s17 =	sadd.s32 s1, s8  }
0x16: {  	s5 =	sadd.s32 s7, s24;
	s8 =	sshll.u32 s22, $0x5;
	s7 =	simm.s32 $0xC100  }
0x17: {  	s22 =	simm.s32 $0xB900;
	s24 =	simm.s32 $0xF900;
	[dreg:$0x9] =	wrdreg s17  }
0x18: {  	v2 =	vlaneseq.u32;
	[dreg:$0xc] =	wrdreg s5;
	s25 =	sadd.s32 s1, s8;
	s1 =	sadd.s32 s1, s6  }
0x19: {  	vm0 =	vmmov $0xffff;
	v1 =	vshrl.u32 v2, $0x3;
	s5 =	sadd.s32 $0x100, s2;
	s6 =	smax.u32 s0, $0x1;
	[dreg:$0xd] =	wrdreg s25  }
0x1a: {  	v0 =	vand.u32 $0x7, v2;
	v2 =	vor.u32 $0x8, v2;
	v1 =	vmul.u32 $0x8, v1;
	s17 =	simm.s32 $0x9900;
	[dreg:$0xf] =	wrdreg s1;
	s25 =	simm.s32 $0x10100  }
.LBB2_1:
0x1b: {  	s11 =	rddreg [dreg:$0x5];
	s10 =	simm.s32 $0x9  }
0x1c: {  	[tilespmem:s4], [sflag:$0x9] =	stream.linear.gather [hbm4b:s11+s4], $0xF0, $0x38;
	[tilespmem:$0x12100] =	vst v63  }
0x1d: {  	_ =	swait.ge [sflag:s10], $0xF0  }
0x1e: {  	[sflag:s10] =	ssyncset.done $0x0  }
0x1f: {  	[sflag:s10] =	ssyncadd.s32 $0xFFFFFF10  }
0x20: {  	v3 =	vld [tilespmem:$0x0];
	_ =	sdelay $0x4  }
0x21: {  	v4 =	vshll.u32 v3, $0x2  }
0x22: {  	v3 =	vand.u32 $0x7, v3;
	v4 =	vand.u32 $0xFFFFFFE0, v4  }
0x23: {  	v3 =	vor.u32 v3, v4  }
0x24: {  	v4 =	vperm.xlane v3, v0;
	_ =	sdelay $0x1  }
0x25: {  	v4 =	vadd.s32 v1, v4;
	_ =	sdelay $0x1  }
0x26: {  	v3 =	vperm.xlane v3, v2;
	_ =	sdelay $0x1  }
0x27: {  	v3 =	vadd.s32 v1, v3  }
0x28: {  	[tilespmem:s20], [sflag:$0x1] =	stream.indirect_vreg.gather [hbm4b:s2+s4], $0x80, v4, vm0, $0xb8;
	[tilespmem:$0x12100] =	vst v63  }
0x29: {  	s0 =	simm.s32 $0x900  }
0x2a: {  	[tilespmem:s0], [sflag:$0x1] =	stream.indirect_vreg.gather [hbm4b:s5+s4], $0x80, v4, vm0, $0xb8;
	[tilespmem:$0x12100] =	vst v63  }
0x2b: {  	s28 =	simm.s32 $0x1100  }
0x2c: {  	[tilespmem:s28], [sflag:$0x1] =	stream.indirect_vreg.gather [hbm4b:s2+s4], $0x80, v3, vm0, $0xb8;
	[tilespmem:$0x12100] =	vst v63  }
0x2d: {  	s1 =	simm.s32 $0x1900  }
0x2e: {  	[tilespmem:s1], [sflag:$0x1] =	stream.indirect_vreg.gather [hbm4b:s5+s4], $0x80, v3, vm0, $0xb8;
	[tilespmem:$0x12100] =	vst v63  }
0x2f: {  	v3 =	vld [tilespmem:$0x10];
	_ =	sdelay $0x4  }
0x30: {  	v35 =	vshll.u32 v3, $0x2  }
0x31: {  	v3 =	vand.u32 $0x7, v3;
	v4 =	vand.u32 $0xFFFFFFE0, v35  }
0x32: {  	v3 =	vor.u32 v3, v4  }
0x33: {  	v4 =	vperm.xlane v3, v0;
	_ =	sdelay $0x1  }
0x34: {  	v4 =	vadd.s32 v1, v4;
	_ =	sdelay $0x1  }
0x35: {  	v3 =	vperm.xlane v3, v2;
	_ =	sdelay $0x1  }
0x36: {  	s8 =	simm.s32 $0x2100;
	v3 =	vadd.s32 v1, v3  }
0x37: {  	[tilespmem:s8], [sflag:$0x1] =	stream.indirect_vreg.gather [hbm4b:s2+s4], $0x80, v4, vm0, $0xb8;
	[tilespmem:$0x12100] =	vst v63  }
0x38: {  	s10 =	simm.s32 $0x2900  }
0x39: {  	[tilespmem:s10], [sflag:$0x1] =	stream.indirect_vreg.gather [hbm4b:s5+s4], $0x80, v4, vm0, $0xb8;
	[tilespmem:$0x12100] =	vst v63  }
0x3a: {  	s11 =	simm.s32 $0x3100  }
0x3b: {  	[tilespmem:s11], [sflag:$0x1] =	stream.indirect_vreg.gather [hbm4b:s2+s4], $0x80, v3, vm0, $0xb8;
	[tilespmem:$0x12100] =	vst v63  }
0x3c: {  	s28 =	simm.s32 $0x3900  }
0x3d: {  	[tilespmem:s28], [sflag:$0x1] =	stream.indirect_vreg.gather [hbm4b:s5+s4], $0x80, v3, vm0, $0xb8;
	[tilespmem:$0x12100] =	vst v63  }
0x3e: {  	v3 =	vld [tilespmem:$0x20];
	_ =	sdelay $0x4  }
0x3f: {  	v36 =	vshll.u32 v3, $0x2  }
0x40: {  	v3 =	vand.u32 $0x7, v3;
	v4 =	vand.u32 $0xFFFFFFE0, v36  }
0x41: {  	v3 =	vor.u32 v3, v4  }
0x42: {  	v4 =	vperm.xlane v3, v0;
	_ =	sdelay $0x1  }
0x43: {  	v4 =	vadd.s32 v1, v4;
	_ =	sdelay $0x1  }
0x44: {  	v3 =	vperm.xlane v3, v2;
	_ =	sdelay $0x1  }
0x45: {  	s8 =	simm.s32 $0x4100;
	v3 =	vadd.s32 v1, v3  }
0x46: {  	[tilespmem:s8], [sflag:$0x1] =	stream.indirect_vreg.gather [hbm4b:s2+s4], $0x80, v4, vm0, $0xb8;
	[tilespmem:$0x12100] =	vst v63  }
0x47: {  	s11 =	simm.s32 $0x4900  }
0x48: {  	[tilespmem:s11], [sflag:$0x1] =	stream.indirect_vreg.gather [hbm4b:s5+s4], $0x80, v4, vm0, $0xb8;
	[tilespmem:$0x12100] =	vst v63  }
0x49: {  	s28 =	simm.s32 $0x5100  }
0x4a: {  	[tilespmem:s28], [sflag:$0x1] =	stream.indirect_vreg.gather [hbm4b:s2+s4], $0x80, v3, vm0, $0xb8;
	[tilespmem:$0x12100] =	vst v63  }
0x4b: {  	s8 =	simm.s32 $0x5900  }
0x4c: {  	[tilespmem:s8], [sflag:$0x1] =	stream.indirect_vreg.gather [hbm4b:s5+s4], $0x80, v3, vm0, $0xb8;
	[tilespmem:$0x12100] =	vst v63  }
0x4d: {  	v3 =	vld [tilespmem:$0x0];
	_ =	sdelay $0x4  }
0x4e: {  	v37 =	vshll.u32 v3, $0x1  }
0x4f: {  	v3 =	vand.u32 $0x7, v3;
	v4 =	vand.u32 $0xFFFFFFF0, v37  }
0x50: {  	v3 =	vor.u32 v3, v4  }
0x51: {  	v4 =	vperm.xlane v3, v0;
	_ =	sdelay $0x1  }
0x52: {  	v3 =	vperm.xlane v3, v2;
	v4 =	vadd.s32 v1, v4;
	_ =	sdelay $0x1  }
0x53: {  	v3 =	vadd.s32 v1, v3;
	_ =	sdelay $0x2  }
0x54: {  	[tilespmem:s7], [sflag:$0x3] =	stream.indirect_vreg.gather [hbm4b:s3+s4], $0x80, v4, vm0, $0xb8;
	[tilespmem:$0x12100] =	vst v63  }
0x55: {  	s11 =	simm.s32 $0xC900  }
0x56: {  	[tilespmem:s11], [sflag:$0x3] =	stream.indirect_vreg.gather [hbm4b:s3+s4], $0x80, v3, vm0, $0xb8;
	[tilespmem:$0x12100] =	vst v63  }
0x57: {  	v3 =	vld [tilespmem:$0x10];
	_ =	sdelay $0x4  }
0x58: {  	v38 =	vshll.u32 v3, $0x1  }
0x59: {  	v3 =	vand.u32 $0x7, v3;
	v4 =	vand.u32 $0xFFFFFFF0, v38  }
0x5a: {  	v3 =	vor.u32 v3, v4  }
0x5b: {  	v4 =	vperm.xlane v3, v0;
	_ =	sdelay $0x1  }
0x5c: {  	v3 =	vperm.xlane v3, v2;
	v4 =	vadd.s32 v1, v4;
	_ =	sdelay $0x1  }
0x5d: {  	v3 =	vadd.s32 v1, v3;
	_ =	sdelay $0x1  }
0x5e: {  	s8 =	simm.s32 $0xD100  }
0x5f: {  	[tilespmem:s8], [sflag:$0x3] =	stream.indirect_vreg.gather [hbm4b:s3+s4], $0x80, v4, vm0, $0xb8;
	[tilespmem:$0x12100] =	vst v63  }
0x60: {  	s11 =	simm.s32 $0xD900  }
0x61: {  	[tilespmem:s11], [sflag:$0x3] =	stream.indirect_vreg.gather [hbm4b:s3+s4], $0x80, v3, vm0, $0xb8;
	[tilespmem:$0x12100] =	vst v63  }
0x62: {  	v3 =	vld [tilespmem:$0x20];
	_ =	sdelay $0x4  }
0x63: {  	v39 =	vshll.u32 v3, $0x1  }
0x64: {  	v3 =	vand.u32 $0x7, v3;
	v4 =	vand.u32 $0xFFFFFFF0, v39  }
0x65: {  	v3 =	vor.u32 v3, v4  }
0x66: {  	v4 =	vperm.xlane v3, v0;
	_ =	sdelay $0x1  }
0x67: {  	v3 =	vperm.xlane v3, v2;
	v4 =	vadd.s32 v1, v4;
	_ =	sdelay $0x1  }
0x68: {  	v3 =	vadd.s32 v1, v3;
	_ =	sdelay $0x1  }
0x69: {  	s8 =	simm.s32 $0xE100  }
0x6a: {  	[tilespmem:s8], [sflag:$0x3] =	stream.indirect_vreg.gather [hbm4b:s3+s4], $0x80, v4, vm0, $0xb8;
	[tilespmem:$0x12100] =	vst v63  }
0x6b: {  	s11 =	simm.s32 $0xE900  }
0x6c: {  	[tilespmem:s11], [sflag:$0x3] =	stream.indirect_vreg.gather [hbm4b:s3+s4], $0x80, v3, vm0, $0xb8;
	[tilespmem:$0x12100] =	vst v63  }
0x6d: {  	v3 =	vld [tilespmem:$0x30];
	_ =	sdelay $0x4  }
0x6e: {  	v40 =	vshll.u32 v3, $0x2  }
0x6f: {  	v3 =	vand.u32 $0x7, v3;
	v4 =	vand.u32 $0xFFFFFFE0, v40  }
0x70: {  	v3 =	vor.u32 v3, v4  }
0x71: {  	v4 =	vperm.xlane v3, v0;
	_ =	sdelay $0x1  }
0x72: {  	v4 =	vadd.s32 v1, v4;
	_ =	sdelay $0x1  }
0x73: {  	v3 =	vperm.xlane v3, v2;
	_ =	sdelay $0x1  }
0x74: {  	s8 =	simm.s32 $0x6100;
	v3 =	vadd.s32 v1, v3  }
0x75: {  	[tilespmem:s8], [sflag:$0x2] =	stream.indirect_vreg.gather [hbm4b:s2+s4], $0x80, v4, vm0, $0xb8;
	[tilespmem:$0x12100] =	vst v63  }
0x76: {  	s11 =	simm.s32 $0x6900  }
0x77: {  	[tilespmem:s11], [sflag:$0x2] =	stream.indirect_vreg.gather [hbm4b:s5+s4], $0x80, v4, vm0, $0xb8;
	[tilespmem:$0x12100] =	vst v63  }
0x78: {  	_ = 	snop  }
0x79: {  	[tilespmem:s12], [sflag:$0x2] =	stream.indirect_vreg.gather [hbm4b:s2+s4], $0x80, v3, vm0, $0xb8;
	[tilespmem:$0x12100] =	vst v63  }
0x7a: {  	_ = 	snop  }
0x7b: {  	[tilespmem:s13], [sflag:$0x2] =	stream.indirect_vreg.gather [hbm4b:s5+s4], $0x80, v3, vm0, $0xb8;
	[tilespmem:$0x12100] =	vst v63  }
0x7c: {  	v3 =	vld [tilespmem:$0x40];
	_ =	sdelay $0x4  }
0x7d: {  	v41 =	vshll.u32 v3, $0x2  }
0x7e: {  	v3 =	vand.u32 $0x7, v3;
	v4 =	vand.u32 $0xFFFFFFE0, v41  }
0x7f: {  	v3 =	vor.u32 v3, v4  }
0x80: {  	v4 =	vperm.xlane v3, v0;
	_ =	sdelay $0x1  }
0x81: {  	v4 =	vadd.s32 v1, v4;
	_ =	sdelay $0x1  }
0x82: {  	v3 =	vperm.xlane v3, v2;
	_ =	sdelay $0x1  }
0x83: {  	v3 =	vadd.s32 v1, v3  }
0x84: {  	[tilespmem:s14], [sflag:$0x2] =	stream.indirect_vreg.gather [hbm4b:s2+s4], $0x80, v4, vm0, $0xb8;
	[tilespmem:$0x12100] =	vst v63  }
0x85: {  	_ = 	snop  }
0x86: {  	[tilespmem:s15], [sflag:$0x2] =	stream.indirect_vreg.gather [hbm4b:s5+s4], $0x80, v4, vm0, $0xb8;
	[tilespmem:$0x12100] =	vst v63  }
0x87: {  	_ = 	snop  }
0x88: {  	[tilespmem:s16], [sflag:$0x2] =	stream.indirect_vreg.gather [hbm4b:s2+s4], $0x80, v3, vm0, $0xb8;
	[tilespmem:$0x12100] =	vst v63  }
0x89: {  	_ = 	snop  }
0x8a: {  	[tilespmem:s17], [sflag:$0x2] =	stream.indirect_vreg.gather [hbm4b:s5+s4], $0x80, v3, vm0, $0xb8;
	[tilespmem:$0x12100] =	vst v63  }
0x8b: {  	v3 =	vld [tilespmem:$0x50];
	_ =	sdelay $0x4  }
0x8c: {  	v42 =	vshll.u32 v3, $0x2  }
0x8d: {  	v3 =	vand.u32 $0x7, v3;
	v4 =	vand.u32 $0xFFFFFFE0, v42  }
0x8e: {  	v3 =	vor.u32 v3, v4  }
0x8f: {  	v4 =	vperm.xlane v3, v0;
	_ =	sdelay $0x1  }
0x90: {  	v4 =	vadd.s32 v1, v4;
	_ =	sdelay $0x1  }
0x91: {  	v3 =	vperm.xlane v3, v2;
	_ =	sdelay $0x1  }
0x92: {  	v3 =	vadd.s32 v1, v3  }
0x93: {  	[tilespmem:s18], [sflag:$0x2] =	stream.indirect_vreg.gather [hbm4b:s2+s4], $0x80, v4, vm0, $0xb8;
	[tilespmem:$0x12100] =	vst v63  }
0x94: {  	_ = 	snop  }
0x95: {  	[tilespmem:s19], [sflag:$0x2] =	stream.indirect_vreg.gather [hbm4b:s5+s4], $0x80, v4, vm0, $0xb8;
	[tilespmem:$0x12100] =	vst v63  }
0x96: {  	_ = 	snop  }
0x97: {  	[tilespmem:s21], [sflag:$0x2] =	stream.indirect_vreg.gather [hbm4b:s2+s4], $0x80, v3, vm0, $0xb8;
	[tilespmem:$0x12100] =	vst v63  }
0x98: {  	_ = 	snop  }
0x99: {  	[tilespmem:s22], [sflag:$0x2] =	stream.indirect_vreg.gather [hbm4b:s5+s4], $0x80, v3, vm0, $0xb8;
	[tilespmem:$0x12100] =	vst v63  }
0x9a: {  	v3 =	vld [tilespmem:$0x30];
	_ =	sdelay $0x4  }
0x9b: {  	v43 =	vshll.u32 v3, $0x1  }
0x9c: {  	v3 =	vand.u32 $0x7, v3;
	v4 =	vand.u32 $0xFFFFFFF0, v43  }
0x9d: {  	v3 =	vor.u32 v3, v4  }
0x9e: {  	v4 =	vperm.xlane v3, v0;
	_ =	sdelay $0x1  }
0x9f: {  	v3 =	vperm.xlane v3, v2;
	v4 =	vadd.s32 v1, v4;
	_ =	sdelay $0x1  }
0xa0: {  	v3 =	vadd.s32 v1, v3;
	_ =	sdelay $0x2  }
0xa1: {  	[tilespmem:s23], [sflag:$0x4] =	stream.indirect_vreg.gather [hbm4b:s3+s4], $0x80, v4, vm0, $0xb8;
	[tilespmem:$0x12100] =	vst v63  }
0xa2: {  	_ = 	snop  }
0xa3: {  	[tilespmem:s24], [sflag:$0x4] =	stream.indirect_vreg.gather [hbm4b:s3+s4], $0x80, v3, vm0, $0xb8;
	[tilespmem:$0x12100] =	vst v63  }
0xa4: {  	v3 =	vld [tilespmem:$0x40];
	_ =	sdelay $0x4  }
0xa5: {  	v44 =	vshll.u32 v3, $0x1  }
0xa6: {  	v3 =	vand.u32 $0x7, v3;
	v4 =	vand.u32 $0xFFFFFFF0, v44  }
0xa7: {  	v3 =	vor.u32 v3, v4  }
0xa8: {  	v4 =	vperm.xlane v3, v0;
	_ =	sdelay $0x1  }
0xa9: {  	v3 =	vperm.xlane v3, v2;
	v4 =	vadd.s32 v1, v4;
	_ =	sdelay $0x1  }
0xaa: {  	v3 =	vadd.s32 v1, v3;
	_ =	sdelay $0x2  }
0xab: {  	[tilespmem:s25], [sflag:$0x4] =	stream.indirect_vreg.gather [hbm4b:s3+s4], $0x80, v4, vm0, $0xb8;
	[tilespmem:$0x12100] =	vst v63  }
0xac: {  	_ = 	snop  }
0xad: {  	[tilespmem:s26], [sflag:$0x4] =	stream.indirect_vreg.gather [hbm4b:s3+s4], $0x80, v3, vm0, $0xb8;
	[tilespmem:$0x12100] =	vst v63  }
0xae: {  	v3 =	vld [tilespmem:$0x50];
	_ =	sdelay $0x4  }
0xaf: {  	v45 =	vshll.u32 v3, $0x1  }
0xb0: {  	v3 =	vand.u32 $0x7, v3;
	v4 =	vand.u32 $0xFFFFFFF0, v45  }
0xb1: {  	v3 =	vor.u32 v3, v4  }
0xb2: {  	v4 =	vperm.xlane v3, v0;
	_ =	sdelay $0x1  }
0xb3: {  	v3 =	vperm.xlane v3, v2;
	v4 =	vadd.s32 v1, v4;
	_ =	sdelay $0x1  }
0xb4: {  	v3 =	vadd.s32 v1, v3;
	_ =	sdelay $0x1  }
0xb5: {  	s8 =	simm.s32 $0x11100  }
0xb6: {  	[tilespmem:s8], [sflag:$0x4] =	stream.indirect_vreg.gather [hbm4b:s3+s4], $0x80, v4, vm0, $0xb8;
	[tilespmem:$0x12100] =	vst v63  }
0xb7: {  	s11 =	simm.s32 $0x11900  }
0xb8: {  	[tilespmem:s11], [sflag:$0x4] =	stream.indirect_vreg.gather [hbm4b:s3+s4], $0x80, v3, vm0, $0xb8;
	[tilespmem:$0x12100] =	vst v63  }
0xb9: {  	_ =	swait.ge [sflag:s9], $0x6000  }
0xba: {  	[sflag:s9] =	ssyncset.done $0x0  }
0xbb: {  	s8 =	rddreg [dreg:$0x6];
	[sflag:s9] =	ssyncadd.s32 $0xFFFFA000  }
0xbc: {  	[hbm4b:s8+s4] =	stream.linear.scatter [tilespmem:s20], [sflag:$0x5], $0x6000, $0x38;
	[tilespmem:$0x12100] =	vst v63  }
0xbd: {  	_ =	swait.ge [sflag:s29], $0x3000  }
0xbe: {  	[sflag:s29] =	ssyncset.done $0x0  }
0xbf: {  	s0 =	rddreg [dreg:$0x7];
	[sflag:s29] =	ssyncadd.s32 $0xFFFFD000  }
0xc0: {  	[hbm4b:s0+s4] =	stream.linear.scatter [tilespmem:s7], [sflag:$0x7], $0x3000, $0x38;
	[tilespmem:$0x12100] =	vst v63  }
0xc1: {  	_ =	swait.ge [sflag:s30], $0x6000  }
0xc2: {  	[sflag:s30] =	ssyncset.done $0x0  }
0xc3: {  	[sflag:s30] =	ssyncadd.s32 $0xFFFFA000  }
0xc4: {  	_ =	swait.ge [sflag:s31], $0x3000  }
0xc5: {  	[sflag:s31] =	ssyncset.done $0x0  }
0xc6: {  	[sflag:s31] =	ssyncadd.s32 $0xFFFFD000  }
0xc7: {  	v3 =	vld [tilespmem:$0x60];
	_ =	sdelay $0x4  }
0xc8: {  	v46 =	vshll.u32 v3, $0x2  }
0xc9: {  	v3 =	vand.u32 $0x7, v3;
	v4 =	vand.u32 $0xFFFFFFE0, v46  }
0xca: {  	v3 =	vor.u32 v3, v4  }
0xcb: {  	v4 =	vperm.xlane v3, v0;
	_ =	sdelay $0x1  }
0xcc: {  	v4 =	vadd.s32 v1, v4;
	_ =	sdelay $0x1  }
0xcd: {  	v3 =	vperm.xlane v3, v2;
	_ =	sdelay $0x1  }
0xce: {  	v3 =	vadd.s32 v1, v3  }
0xcf: {  	[tilespmem:s20], [sflag:$0x1] =	stream.indirect_vreg.gather [hbm4b:s2+s4], $0x80, v4, vm0, $0xb8;
	[tilespmem:$0x12100] =	vst v63  }
0xd0: {  	s8 =	simm.s32 $0x900  }
0xd1: {  	[tilespmem:s8], [sflag:$0x1] =	stream.indirect_vreg.gather [hbm4b:s5+s4], $0x80, v4, vm0, $0xb8;
	[tilespmem:$0x12100] =	vst v63  }
0xd2: {  	s11 =	simm.s32 $0x1100  }
0xd3: {  	[tilespmem:s11], [sflag:$0x1] =	stream.indirect_vreg.gather [hbm4b:s2+s4], $0x80, v3, vm0, $0xb8;
	[tilespmem:$0x12100] =	vst v63  }
0xd4: {  	s1 =	simm.s32 $0x1900  }
0xd5: {  	[tilespmem:s1], [sflag:$0x1] =	stream.indirect_vreg.gather [hbm4b:s5+s4], $0x80, v3, vm0, $0xb8;
	[tilespmem:$0x12100] =	vst v63  }
0xd6: {  	v3 =	vld [tilespmem:$0x70];
	_ =	sdelay $0x4  }
0xd7: {  	v47 =	vshll.u32 v3, $0x2  }
0xd8: {  	v3 =	vand.u32 $0x7, v3;
	v4 =	vand.u32 $0xFFFFFFE0, v47  }
0xd9: {  	v3 =	vor.u32 v3, v4  }
0xda: {  	v4 =	vperm.xlane v3, v0;
	_ =	sdelay $0x1  }
0xdb: {  	v4 =	vadd.s32 v1, v4;
	_ =	sdelay $0x1  }
0xdc: {  	v3 =	vperm.xlane v3, v2;
	_ =	sdelay $0x1  }
0xdd: {  	s8 =	simm.s32 $0x2100;
	v3 =	vadd.s32 v1, v3  }
0xde: {  	[tilespmem:s8], [sflag:$0x1] =	stream.indirect_vreg.gather [hbm4b:s2+s4], $0x80, v4, vm0, $0xb8;
	[tilespmem:$0x12100] =	vst v63  }
0xdf: {  	s11 =	simm.s32 $0x2900  }
0xe0: {  	[tilespmem:s11], [sflag:$0x1] =	stream.indirect_vreg.gather [hbm4b:s5+s4], $0x80, v4, vm0, $0xb8;
	[tilespmem:$0x12100] =	vst v63  }
0xe1: {  	s1 =	simm.s32 $0x3100  }
0xe2: {  	[tilespmem:s1], [sflag:$0x1] =	stream.indirect_vreg.gather [hbm4b:s2+s4], $0x80, v3, vm0, $0xb8;
	[tilespmem:$0x12100] =	vst v63  }
0xe3: {  	s10 =	simm.s32 $0x3900  }
0xe4: {  	[tilespmem:s10], [sflag:$0x1] =	stream.indirect_vreg.gather [hbm4b:s5+s4], $0x80, v3, vm0, $0xb8;
	[tilespmem:$0x12100] =	vst v63  }
0xe5: {  	v3 =	vld [tilespmem:$0x80];
	_ =	sdelay $0x4  }
0xe6: {  	v48 =	vshll.u32 v3, $0x2  }
0xe7: {  	v3 =	vand.u32 $0x7, v3;
	v4 =	vand.u32 $0xFFFFFFE0, v48  }
0xe8: {  	v3 =	vor.u32 v3, v4  }
0xe9: {  	v4 =	vperm.xlane v3, v0;
	_ =	sdelay $0x1  }
0xea: {  	v4 =	vadd.s32 v1, v4;
	_ =	sdelay $0x1  }
0xeb: {  	v3 =	vperm.xlane v3, v2;
	_ =	sdelay $0x1  }
0xec: {  	s8 =	simm.s32 $0x4100;
	v3 =	vadd.s32 v1, v3  }
0xed: {  	[tilespmem:s8], [sflag:$0x1] =	stream.indirect_vreg.gather [hbm4b:s2+s4], $0x80, v4, vm0, $0xb8;
	[tilespmem:$0x12100] =	vst v63  }
0xee: {  	s10 =	simm.s32 $0x4900  }
0xef: {  	[tilespmem:s10], [sflag:$0x1] =	stream.indirect_vreg.gather [hbm4b:s5+s4], $0x80, v4, vm0, $0xb8;
	[tilespmem:$0x12100] =	vst v63  }
0xf0: {  	s11 =	simm.s32 $0x5100  }
0xf1: {  	[tilespmem:s11], [sflag:$0x1] =	stream.indirect_vreg.gather [hbm4b:s2+s4], $0x80, v3, vm0, $0xb8;
	[tilespmem:$0x12100] =	vst v63  }
0xf2: {  	s28 =	simm.s32 $0x5900  }
0xf3: {  	[tilespmem:s28], [sflag:$0x1] =	stream.indirect_vreg.gather [hbm4b:s5+s4], $0x80, v3, vm0, $0xb8;
	[tilespmem:$0x12100] =	vst v63  }
0xf4: {  	v3 =	vld [tilespmem:$0x60];
	_ =	sdelay $0x4  }
0xf5: {  	v49 =	vshll.u32 v3, $0x1  }
0xf6: {  	v3 =	vand.u32 $0x7, v3;
	v4 =	vand.u32 $0xFFFFFFF0, v49  }
0xf7: {  	v3 =	vor.u32 v3, v4  }
0xf8: {  	v4 =	vperm.xlane v3, v0;
	_ =	sdelay $0x1  }
0xf9: {  	v3 =	vperm.xlane v3, v2;
	v4 =	vadd.s32 v1, v4;
	_ =	sdelay $0x1  }
0xfa: {  	v3 =	vadd.s32 v1, v3;
	_ =	sdelay $0x2  }
0xfb: {  	[tilespmem:s7], [sflag:$0x3] =	stream.indirect_vreg.gather [hbm4b:s3+s4], $0x80, v4, vm0, $0xb8;
	[tilespmem:$0x12100] =	vst v63  }
0xfc: {  	s1 =	simm.s32 $0xC900  }
0xfd: {  	[tilespmem:s1], [sflag:$0x3] =	stream.indirect_vreg.gather [hbm4b:s3+s4], $0x80, v3, vm0, $0xb8;
	[tilespmem:$0x12100] =	vst v63  }
0xfe: {  	v3 =	vld [tilespmem:$0x70];
	_ =	sdelay $0x4  }
0xff: {  	v50 =	vshll.u32 v3, $0x1  }
0x100: {  	v3 =	vand.u32 $0x7, v3;
	v4 =	vand.u32 $0xFFFFFFF0, v50  }
0x101: {  	v3 =	vor.u32 v3, v4  }
0x102: {  	v4 =	vperm.xlane v3, v0;
	_ =	sdelay $0x1  }
0x103: {  	v3 =	vperm.xlane v3, v2;
	v4 =	vadd.s32 v1, v4;
	_ =	sdelay $0x1  }
0x104: {  	v3 =	vadd.s32 v1, v3;
	_ =	sdelay $0x1  }
0x105: {  	s8 =	simm.s32 $0xD100  }
0x106: {  	[tilespmem:s8], [sflag:$0x3] =	stream.indirect_vreg.gather [hbm4b:s3+s4], $0x80, v4, vm0, $0xb8;
	[tilespmem:$0x12100] =	vst v63  }
0x107: {  	s10 =	simm.s32 $0xD900  }
0x108: {  	[tilespmem:s10], [sflag:$0x3] =	stream.indirect_vreg.gather [hbm4b:s3+s4], $0x80, v3, vm0, $0xb8;
	[tilespmem:$0x12100] =	vst v63  }
0x109: {  	v3 =	vld [tilespmem:$0x80];
	_ =	sdelay $0x4  }
0x10a: {  	v51 =	vshll.u32 v3, $0x1  }
0x10b: {  	v3 =	vand.u32 $0x7, v3;
	v4 =	vand.u32 $0xFFFFFFF0, v51  }
0x10c: {  	v3 =	vor.u32 v3, v4  }
0x10d: {  	v4 =	vperm.xlane v3, v0;
	_ =	sdelay $0x1  }
0x10e: {  	v3 =	vperm.xlane v3, v2;
	v4 =	vadd.s32 v1, v4;
	_ =	sdelay $0x1  }
0x10f: {  	v3 =	vadd.s32 v1, v3;
	_ =	sdelay $0x1  }
0x110: {  	s11 =	simm.s32 $0xE100  }
0x111: {  	[tilespmem:s11], [sflag:$0x3] =	stream.indirect_vreg.gather [hbm4b:s3+s4], $0x80, v4, vm0, $0xb8;
	[tilespmem:$0x12100] =	vst v63  }
0x112: {  	s28 =	simm.s32 $0xE900;
	s10 =	simm.s32 $0x2  }
0x113: {  	[tilespmem:s28], [sflag:$0x3] =	stream.indirect_vreg.gather [hbm4b:s3+s4], $0x80, v3, vm0, $0xb8;
	[tilespmem:$0x12100] =	vst v63  }
0x114: {  	_ =	swait.ge [sflag:s10], $0x6000  }
0x115: {  	[sflag:s10] =	ssyncset.done $0x0  }
0x116: {  	s8 =	simm.s32 $0x6100;
	s0 =	rddreg [dreg:$0x8];
	[sflag:s10] =	ssyncadd.s32 $0xFFFFA000  }
0x117: {  	[hbm4b:s0+s4] =	stream.linear.scatter [tilespmem:s8], [sflag:$0x6], $0x6000, $0x38;
	[tilespmem:$0x12100] =	vst v63  }
0x118: {  	s0 =	simm.s32 $0x4  }
0x119: {  	_ =	swait.ge [sflag:s0], $0x3000  }
0x11a: {  	[sflag:s0] =	ssyncset.done $0x0  }
0x11b: {  	s1 =	rddreg [dreg:$0x9];
	[sflag:s0] =	ssyncadd.s32 $0xFFFFD000  }
0x11c: {  	[hbm4b:s1+s4] =	stream.linear.scatter [tilespmem:s23], [sflag:$0x8], $0x3000, $0x38;
	[tilespmem:$0x12100] =	vst v63  }
0x11d: {  	s1 =	simm.s32 $0x6  }
0x11e: {  	_ =	swait.ge [sflag:s1], $0x6000  }
0x11f: {  	[sflag:s1] =	ssyncset.done $0x0  }
0x120: {  	s28 =	simm.s32 $0x8;
	[sflag:s1] =	ssyncadd.s32 $0xFFFFA000  }
0x121: {  	_ =	swait.ge [sflag:s28], $0x3000  }
0x122: {  	[sflag:s28] =	ssyncset.done $0x0  }
0x123: {  	[sflag:s28] =	ssyncadd.s32 $0xFFFFD000  }
0x124: {  	v3 =	vld [tilespmem:$0x90];
	_ =	sdelay $0x4  }
0x125: {  	v52 =	vshll.u32 v3, $0x2  }
0x126: {  	v3 =	vand.u32 $0x7, v3;
	v4 =	vand.u32 $0xFFFFFFE0, v52  }
0x127: {  	v3 =	vor.u32 v3, v4  }
0x128: {  	v4 =	vperm.xlane v3, v0;
	_ =	sdelay $0x1  }
0x129: {  	v4 =	vadd.s32 v1, v4;
	_ =	sdelay $0x1  }
0x12a: {  	v3 =	vperm.xlane v3, v2;
	_ =	sdelay $0x1  }
0x12b: {  	v3 =	vadd.s32 v1, v3  }
0x12c: {  	[tilespmem:s8], [sflag:$0x2] =	stream.indirect_vreg.gather [hbm4b:s2+s4], $0x80, v4, vm0, $0xb8;
	[tilespmem:$0x12100] =	vst v63  }
0x12d: {  	s11 =	simm.s32 $0x6900  }
0x12e: {  	[tilespmem:s11], [sflag:$0x2] =	stream.indirect_vreg.gather [hbm4b:s5+s4], $0x80, v4, vm0, $0xb8;
	[tilespmem:$0x12100] =	vst v63  }
0x12f: {  	_ = 	snop  }
0x130: {  	[tilespmem:s12], [sflag:$0x2] =	stream.indirect_vreg.gather [hbm4b:s2+s4], $0x80, v3, vm0, $0xb8;
	[tilespmem:$0x12100] =	vst v63  }
0x131: {  	_ = 	snop  }
0x132: {  	[tilespmem:s13], [sflag:$0x2] =	stream.indirect_vreg.gather [hbm4b:s5+s4], $0x80, v3, vm0, $0xb8;
	[tilespmem:$0x12100] =	vst v63  }
0x133: {  	v3 =	vld [tilespmem:$0xA0];
	_ =	sdelay $0x4  }
0x134: {  	v53 =	vshll.u32 v3, $0x2  }
0x135: {  	v3 =	vand.u32 $0x7, v3;
	v4 =	vand.u32 $0xFFFFFFE0, v53  }
0x136: {  	v3 =	vor.u32 v3, v4  }
0x137: {  	v4 =	vperm.xlane v3, v0;
	_ =	sdelay $0x1  }
0x138: {  	v4 =	vadd.s32 v1, v4;
	_ =	sdelay $0x1  }
0x139: {  	v3 =	vperm.xlane v3, v2;
	_ =	sdelay $0x1  }
0x13a: {  	v3 =	vadd.s32 v1, v3  }
0x13b: {  	[tilespmem:s14], [sflag:$0x2] =	stream.indirect_vreg.gather [hbm4b:s2+s4], $0x80, v4, vm0, $0xb8;
	[tilespmem:$0x12100] =	vst v63  }
0x13c: {  	_ = 	snop  }
0x13d: {  	[tilespmem:s15], [sflag:$0x2] =	stream.indirect_vreg.gather [hbm4b:s5+s4], $0x80, v4, vm0, $0xb8;
	[tilespmem:$0x12100] =	vst v63  }
0x13e: {  	_ = 	snop  }
0x13f: {  	[tilespmem:s16], [sflag:$0x2] =	stream.indirect_vreg.gather [hbm4b:s2+s4], $0x80, v3, vm0, $0xb8;
	[tilespmem:$0x12100] =	vst v63  }
0x140: {  	_ = 	snop  }
0x141: {  	[tilespmem:s17], [sflag:$0x2] =	stream.indirect_vreg.gather [hbm4b:s5+s4], $0x80, v3, vm0, $0xb8;
	[tilespmem:$0x12100] =	vst v63  }
0x142: {  	v3 =	vld [tilespmem:$0xB0];
	_ =	sdelay $0x4  }
0x143: {  	v54 =	vshll.u32 v3, $0x2  }
0x144: {  	v3 =	vand.u32 $0x7, v3;
	v4 =	vand.u32 $0xFFFFFFE0, v54  }
0x145: {  	v3 =	vor.u32 v3, v4  }
0x146: {  	v4 =	vperm.xlane v3, v0;
	_ =	sdelay $0x1  }
0x147: {  	v4 =	vadd.s32 v1, v4;
	_ =	sdelay $0x1  }
0x148: {  	v3 =	vperm.xlane v3, v2;
	_ =	sdelay $0x1  }
0x149: {  	v3 =	vadd.s32 v1, v3  }
0x14a: {  	[tilespmem:s18], [sflag:$0x2] =	stream.indirect_vreg.gather [hbm4b:s2+s4], $0x80, v4, vm0, $0xb8;
	[tilespmem:$0x12100] =	vst v63  }
0x14b: {  	_ = 	snop  }
0x14c: {  	[tilespmem:s19], [sflag:$0x2] =	stream.indirect_vreg.gather [hbm4b:s5+s4], $0x80, v4, vm0, $0xb8;
	[tilespmem:$0x12100] =	vst v63  }
0x14d: {  	_ = 	snop  }
0x14e: {  	[tilespmem:s21], [sflag:$0x2] =	stream.indirect_vreg.gather [hbm4b:s2+s4], $0x80, v3, vm0, $0xb8;
	[tilespmem:$0x12100] =	vst v63  }
0x14f: {  	_ = 	snop  }
0x150: {  	[tilespmem:s22], [sflag:$0x2] =	stream.indirect_vreg.gather [hbm4b:s5+s4], $0x80, v3, vm0, $0xb8;
	[tilespmem:$0x12100] =	vst v63  }
0x151: {  	v3 =	vld [tilespmem:$0x90];
	_ =	sdelay $0x4  }
0x152: {  	v55 =	vshll.u32 v3, $0x1  }
0x153: {  	v3 =	vand.u32 $0x7, v3;
	v4 =	vand.u32 $0xFFFFFFF0, v55  }
0x154: {  	v3 =	vor.u32 v3, v4  }
0x155: {  	v4 =	vperm.xlane v3, v0;
	_ =	sdelay $0x1  }
0x156: {  	v3 =	vperm.xlane v3, v2;
	v4 =	vadd.s32 v1, v4;
	_ =	sdelay $0x1  }
0x157: {  	v3 =	vadd.s32 v1, v3;
	_ =	sdelay $0x2  }
0x158: {  	[tilespmem:s23], [sflag:$0x4] =	stream.indirect_vreg.gather [hbm4b:s3+s4], $0x80, v4, vm0, $0xb8;
	[tilespmem:$0x12100] =	vst v63  }
0x159: {  	_ = 	snop  }
0x15a: {  	[tilespmem:s24], [sflag:$0x4] =	stream.indirect_vreg.gather [hbm4b:s3+s4], $0x80, v3, vm0, $0xb8;
	[tilespmem:$0x12100] =	vst v63  }
0x15b: {  	v3 =	vld [tilespmem:$0xA0];
	_ =	sdelay $0x4  }
0x15c: {  	v56 =	vshll.u32 v3, $0x1  }
0x15d: {  	v3 =	vand.u32 $0x7, v3;
	v4 =	vand.u32 $0xFFFFFFF0, v56  }
0x15e: {  	v3 =	vor.u32 v3, v4  }
0x15f: {  	v4 =	vperm.xlane v3, v0;
	_ =	sdelay $0x1  }
0x160: {  	v3 =	vperm.xlane v3, v2;
	v4 =	vadd.s32 v1, v4;
	_ =	sdelay $0x1  }
0x161: {  	v3 =	vadd.s32 v1, v3;
	_ =	sdelay $0x2  }
0x162: {  	[tilespmem:s25], [sflag:$0x4] =	stream.indirect_vreg.gather [hbm4b:s3+s4], $0x80, v4, vm0, $0xb8;
	[tilespmem:$0x12100] =	vst v63  }
0x163: {  	_ = 	snop  }
0x164: {  	[tilespmem:s26], [sflag:$0x4] =	stream.indirect_vreg.gather [hbm4b:s3+s4], $0x80, v3, vm0, $0xb8;
	[tilespmem:$0x12100] =	vst v63  }
0x165: {  	v3 =	vld [tilespmem:$0xB0];
	_ =	sdelay $0x4  }
0x166: {  	v57 =	vshll.u32 v3, $0x1  }
0x167: {  	v3 =	vand.u32 $0x7, v3;
	v4 =	vand.u32 $0xFFFFFFF0, v57  }
0x168: {  	v3 =	vor.u32 v3, v4  }
0x169: {  	v4 =	vperm.xlane v3, v0;
	_ =	sdelay $0x1  }
0x16a: {  	v3 =	vperm.xlane v3, v2;
	v4 =	vadd.s32 v1, v4;
	_ =	sdelay $0x1  }
0x16b: {  	v3 =	vadd.s32 v1, v3;
	_ =	sdelay $0x1  }
0x16c: {  	s11 =	simm.s32 $0x11100  }
0x16d: {  	[tilespmem:s11], [sflag:$0x4] =	stream.indirect_vreg.gather [hbm4b:s3+s4], $0x80, v4, vm0, $0xb8;
	[tilespmem:$0x12100] =	vst v63  }
0x16e: {  	s11 =	simm.s32 $0x11900  }
0x16f: {  	[tilespmem:s11], [sflag:$0x4] =	stream.indirect_vreg.gather [hbm4b:s3+s4], $0x80, v3, vm0, $0xb8;
	[tilespmem:$0x12100] =	vst v63  }
0x170: {  	_ =	swait.ge [sflag:s9], $0x6000  }
0x171: {  	[sflag:s9] =	ssyncset.done $0x0  }
0x172: {  	s8 =	rddreg [dreg:$0xa];
	[sflag:s9] =	ssyncadd.s32 $0xFFFFA000  }
0x173: {  	[hbm4b:s8+s4] =	stream.linear.scatter [tilespmem:s20], [sflag:$0x5], $0x6000, $0x38;
	[tilespmem:$0x12100] =	vst v63  }
0x174: {  	_ =	swait.ge [sflag:s29], $0x3000  }
0x175: {  	[sflag:s29] =	ssyncset.done $0x0  }
0x176: {  	s8 =	rddreg [dreg:$0xb];
	[sflag:s29] =	ssyncadd.s32 $0xFFFFD000  }
0x177: {  	[hbm4b:s8+s4] =	stream.linear.scatter [tilespmem:s7], [sflag:$0x7], $0x3000, $0x38;
	[tilespmem:$0x12100] =	vst v63  }
0x178: {  	_ =	swait.ge [sflag:s30], $0x6000  }
0x179: {  	[sflag:s30] =	ssyncset.done $0x0  }
0x17a: {  	[sflag:s30] =	ssyncadd.s32 $0xFFFFA000  }
0x17b: {  	_ =	swait.ge [sflag:s31], $0x3000  }
0x17c: {  	[sflag:s31] =	ssyncset.done $0x0  }
0x17d: {  	[sflag:s31] =	ssyncadd.s32 $0xFFFFD000  }
0x17e: {  	v3 =	vld [tilespmem:$0xC0];
	_ =	sdelay $0x4  }
0x17f: {  	v58 =	vshll.u32 v3, $0x2  }
0x180: {  	v3 =	vand.u32 $0x7, v3;
	v4 =	vand.u32 $0xFFFFFFE0, v58  }
0x181: {  	v3 =	vor.u32 v3, v4  }
0x182: {  	v4 =	vperm.xlane v3, v0;
	_ =	sdelay $0x1  }
0x183: {  	v4 =	vadd.s32 v1, v4;
	_ =	sdelay $0x1  }
0x184: {  	v3 =	vperm.xlane v3, v2;
	_ =	sdelay $0x1  }
0x185: {  	v3 =	vadd.s32 v1, v3  }
0x186: {  	[tilespmem:s20], [sflag:$0x1] =	stream.indirect_vreg.gather [hbm4b:s2+s4], $0x80, v4, vm0, $0xb8;
	[tilespmem:$0x12100] =	vst v63  }
0x187: {  	s11 =	simm.s32 $0x900  }
0x188: {  	[tilespmem:s11], [sflag:$0x1] =	stream.indirect_vreg.gather [hbm4b:s5+s4], $0x80, v4, vm0, $0xb8;
	[tilespmem:$0x12100] =	vst v63  }
0x189: {  	s11 =	simm.s32 $0x1100  }
0x18a: {  	[tilespmem:s11], [sflag:$0x1] =	stream.indirect_vreg.gather [hbm4b:s2+s4], $0x80, v3, vm0, $0xb8;
	[tilespmem:$0x12100] =	vst v63  }
0x18b: {  	s11 =	simm.s32 $0x1900  }
0x18c: {  	[tilespmem:s11], [sflag:$0x1] =	stream.indirect_vreg.gather [hbm4b:s5+s4], $0x80, v3, vm0, $0xb8;
	[tilespmem:$0x12100] =	vst v63  }
0x18d: {  	v3 =	vld [tilespmem:$0xD0];
	_ =	sdelay $0x4  }
0x18e: {  	v59 =	vshll.u32 v3, $0x2  }
0x18f: {  	v3 =	vand.u32 $0x7, v3;
	v4 =	vand.u32 $0xFFFFFFE0, v59  }
0x190: {  	v3 =	vor.u32 v3, v4  }
0x191: {  	v4 =	vperm.xlane v3, v0;
	_ =	sdelay $0x1  }
0x192: {  	v4 =	vadd.s32 v1, v4;
	_ =	sdelay $0x1  }
0x193: {  	v3 =	vperm.xlane v3, v2;
	_ =	sdelay $0x1  }
0x194: {  	s11 =	simm.s32 $0x2100;
	v3 =	vadd.s32 v1, v3  }
0x195: {  	[tilespmem:s11], [sflag:$0x1] =	stream.indirect_vreg.gather [hbm4b:s2+s4], $0x80, v4, vm0, $0xb8;
	[tilespmem:$0x12100] =	vst v63  }
0x196: {  	s11 =	simm.s32 $0x2900  }
0x197: {  	[tilespmem:s11], [sflag:$0x1] =	stream.indirect_vreg.gather [hbm4b:s5+s4], $0x80, v4, vm0, $0xb8;
	[tilespmem:$0x12100] =	vst v63  }
0x198: {  	s11 =	simm.s32 $0x3100  }
0x199: {  	[tilespmem:s11], [sflag:$0x1] =	stream.indirect_vreg.gather [hbm4b:s2+s4], $0x80, v3, vm0, $0xb8;
	[tilespmem:$0x12100] =	vst v63  }
0x19a: {  	s11 =	simm.s32 $0x3900  }
0x19b: {  	[tilespmem:s11], [sflag:$0x1] =	stream.indirect_vreg.gather [hbm4b:s5+s4], $0x80, v3, vm0, $0xb8;
	[tilespmem:$0x12100] =	vst v63  }
0x19c: {  	v3 =	vld [tilespmem:$0xE0];
	_ =	sdelay $0x4  }
0x19d: {  	v60 =	vshll.u32 v3, $0x2  }
0x19e: {  	v3 =	vand.u32 $0x7, v3;
	v4 =	vand.u32 $0xFFFFFFE0, v60  }
0x19f: {  	v3 =	vor.u32 v3, v4  }
0x1a0: {  	v4 =	vperm.xlane v3, v0;
	_ =	sdelay $0x1  }
0x1a1: {  	v4 =	vadd.s32 v1, v4;
	_ =	sdelay $0x1  }
0x1a2: {  	v3 =	vperm.xlane v3, v2;
	_ =	sdelay $0x1  }
0x1a3: {  	s11 =	simm.s32 $0x4100;
	v3 =	vadd.s32 v1, v3  }
0x1a4: {  	[tilespmem:s11], [sflag:$0x1] =	stream.indirect_vreg.gather [hbm4b:s2+s4], $0x80, v4, vm0, $0xb8;
	[tilespmem:$0x12100] =	vst v63  }
0x1a5: {  	s11 =	simm.s32 $0x4900  }
0x1a6: {  	[tilespmem:s11], [sflag:$0x1] =	stream.indirect_vreg.gather [hbm4b:s5+s4], $0x80, v4, vm0, $0xb8;
	[tilespmem:$0x12100] =	vst v63  }
0x1a7: {  	s11 =	simm.s32 $0x5100  }
0x1a8: {  	[tilespmem:s11], [sflag:$0x1] =	stream.indirect_vreg.gather [hbm4b:s2+s4], $0x80, v3, vm0, $0xb8;
	[tilespmem:$0x12100] =	vst v63  }
0x1a9: {  	s11 =	simm.s32 $0x5900  }
0x1aa: {  	[tilespmem:s11], [sflag:$0x1] =	stream.indirect_vreg.gather [hbm4b:s5+s4], $0x80, v3, vm0, $0xb8;
	[tilespmem:$0x12100] =	vst v63  }
0x1ab: {  	v3 =	vld [tilespmem:$0xC0];
	_ =	sdelay $0x4  }
0x1ac: {  	v61 =	vshll.u32 v3, $0x1  }
0x1ad: {  	v3 =	vand.u32 $0x7, v3;
	v4 =	vand.u32 $0xFFFFFFF0, v61  }
0x1ae: {  	v3 =	vor.u32 v3, v4  }
0x1af: {  	v4 =	vperm.xlane v3, v0;
	_ =	sdelay $0x1  }
0x1b0: {  	v3 =	vperm.xlane v3, v2;
	v4 =	vadd.s32 v1, v4;
	_ =	sdelay $0x1  }
0x1b1: {  	v3 =	vadd.s32 v1, v3;
	_ =	sdelay $0x2  }
0x1b2: {  	[tilespmem:s7], [sflag:$0x3] =	stream.indirect_vreg.gather [hbm4b:s3+s4], $0x80, v4, vm0, $0xb8;
	[tilespmem:$0x12100] =	vst v63  }
0x1b3: {  	s11 =	simm.s32 $0xC900  }
0x1b4: {  	[tilespmem:s11], [sflag:$0x3] =	stream.indirect_vreg.gather [hbm4b:s3+s4], $0x80, v3, vm0, $0xb8;
	[tilespmem:$0x12100] =	vst v63  }
0x1b5: {  	v3 =	vld [tilespmem:$0xD0];
	_ =	sdelay $0x4  }
0x1b6: {  	v62 =	vshll.u32 v3, $0x1  }
0x1b7: {  	v3 =	vand.u32 $0x7, v3;
	v4 =	vand.u32 $0xFFFFFFF0, v62  }
0x1b8: {  	v3 =	vor.u32 v3, v4  }
0x1b9: {  	v4 =	vperm.xlane v3, v0;
	_ =	sdelay $0x1  }
0x1ba: {  	v3 =	vperm.xlane v3, v2;
	v4 =	vadd.s32 v1, v4;
	_ =	sdelay $0x1  }
0x1bb: {  	v3 =	vadd.s32 v1, v3;
	_ =	sdelay $0x1  }
0x1bc: {  	s11 =	simm.s32 $0xD100  }
0x1bd: {  	[tilespmem:s11], [sflag:$0x3] =	stream.indirect_vreg.gather [hbm4b:s3+s4], $0x80, v4, vm0, $0xb8;
	[tilespmem:$0x12100] =	vst v63  }
0x1be: {  	s11 =	simm.s32 $0xD900  }
0x1bf: {  	[tilespmem:s11], [sflag:$0x3] =	stream.indirect_vreg.gather [hbm4b:s3+s4], $0x80, v3, vm0, $0xb8;
	[tilespmem:$0x12100] =	vst v63  }
0x1c0: {  	v3 =	vld [tilespmem:$0xE0];
	_ =	sdelay $0x4  }
0x1c1: {  	v63 =	vshll.u32 v3, $0x1  }
0x1c2: {  	v3 =	vand.u32 $0x7, v3;
	v4 =	vand.u32 $0xFFFFFFF0, v63  }
0x1c3: {  	v3 =	vor.u32 v3, v4  }
0x1c4: {  	v4 =	vperm.xlane v3, v0;
	_ =	sdelay $0x1  }
0x1c5: {  	v3 =	vperm.xlane v3, v2;
	v4 =	vadd.s32 v1, v4;
	_ =	sdelay $0x1  }
0x1c6: {  	v3 =	vadd.s32 v1, v3;
	_ =	sdelay $0x1  }
0x1c7: {  	s11 =	simm.s32 $0xE100  }
0x1c8: {  	[tilespmem:s11], [sflag:$0x3] =	stream.indirect_vreg.gather [hbm4b:s3+s4], $0x80, v4, vm0, $0xb8;
	[tilespmem:$0x12100] =	vst v63  }
0x1c9: {  	s11 =	simm.s32 $0xE900  }
0x1ca: {  	[tilespmem:s11], [sflag:$0x3] =	stream.indirect_vreg.gather [hbm4b:s3+s4], $0x80, v3, vm0, $0xb8;
	[tilespmem:$0x12100] =	vst v63  }
0x1cb: {  	_ =	swait.ge [sflag:s10], $0x6000  }
0x1cc: {  	[sflag:s10] =	ssyncset.done $0x0  }
0x1cd: {  	s8 =	rddreg [dreg:$0xc];
	[sflag:s10] =	ssyncadd.s32 $0xFFFFA000;
	s10 =	simm.s32 $0x6100  }
0x1ce: {  	[hbm4b:s8+s4] =	stream.linear.scatter [tilespmem:s10], [sflag:$0x6], $0x6000, $0x38;
	[tilespmem:$0x12100] =	vst v63  }
0x1cf: {  	_ =	swait.ge [sflag:s0], $0x3000  }
0x1d0: {  	[sflag:s0] =	ssyncset.done $0x0  }
0x1d1: {  	s10 =	rddreg [dreg:$0xd];
	[sflag:s0] =	ssyncadd.s32 $0xFFFFD000  }
0x1d2: {  	[hbm4b:s10+s4] =	stream.linear.scatter [tilespmem:s23], [sflag:$0x8], $0x3000, $0x38;
	[tilespmem:$0x12100] =	vst v63  }
0x1d3: {  	_ =	swait.ge [sflag:s9], $0x6000  }
0x1d4: {  	[sflag:s9] =	ssyncset.done $0x0  }
0x1d5: {  	s8 =	rddreg [dreg:$0xe];
	[sflag:s9] =	ssyncadd.s32 $0xFFFFA000  }
0x1d6: {  	[hbm4b:s8+s4] =	stream.linear.scatter [tilespmem:s20], [sflag:$0x5], $0x6000, $0x38;
	[tilespmem:$0x12100] =	vst v63  }
0x1d7: {  	_ =	swait.ge [sflag:s29], $0x3000  }
0x1d8: {  	[sflag:s29] =	ssyncset.done $0x0  }
0x1d9: {  	s10 =	rddreg [dreg:$0xf];
	[sflag:s29] =	ssyncadd.s32 $0xFFFFD000  }
0x1da: {  	[hbm4b:s10+s4] =	stream.linear.scatter [tilespmem:s7], [sflag:$0x7], $0x3000, $0x38;
	[tilespmem:$0x12100] =	vst v63  }
0x1db: {  	_ =	swait.ge [sflag:s1], $0x6000  }
0x1dc: {  	[sflag:s1] =	ssyncset.done $0x0  }
0x1dd: {  	[sflag:s1] =	ssyncadd.s32 $0xFFFFA000  }
0x1de: {  	_ =	swait.ge [sflag:s30], $0x6000  }
0x1df: {  	[sflag:s30] =	ssyncset.done $0x0  }
0x1e0: {  	[sflag:s30] =	ssyncadd.s32 $0xFFFFA000  }
0x1e1: {  	p0 =	sne.s32 s6, $0x1;
	_ =	swait.ge [sflag:s28], $0x3000  }
.Ltmp0:
0x1e2: {  	[sflag:s28] =	ssyncset.done $0x0;
	(pc) =	sbr.rel @p0 .LBB2_1-.Ltmp0, $4  }
0x1e3: {  	[sflag:s28] =	ssyncadd.s32 $0xFFFFD000  }
0x1e4: {  	_ =	swait.ge [sflag:s31], $0x3000  }
0x1e5: {  	[sflag:s31] =	ssyncset.done $0x0  }
0x1e6: {  	s6 =	sadd.s32 $0xFFFFFFFF, s6;
	[sflag:s31] =	ssyncadd.s32 $0xFFFFD000  }
0x1e7: {  	_ =	sfence.sel $0x180000  }
0x1e8: {  	[bflag:$0x0] =	sbarrier.arrive $0xFFFF  }
0x1e9: {  	_ =	strace $0x9000004A  }
0x1ea: {  	s0 =	stileid.u32;
	[bflag:$0x2] =	sbarrier.arrive $0xFFFF  }
0x1eb: {  	p0 =	sne.s32 s0, $0x0;
	s0 =	rddreg [dreg:$0x4]  }
0x1ec: {  	s0 =	sadd.s32 @!p0 $0x100000, s0  }
0x1ed: {  	[sflag:s0] =	ssyncadd.tile.s32 @!p0 $0x1;
	_ =	shalt  }
.Lfunc_end2:
_tile_overlayer_lowered:
.L_overlay_start_2:
0x1ee: {  	(tag) =	ssettag $0x2  }
0x1ef: {  	s0 =	rddreg [dreg:$0x0];
	s2 =	stileid.u32  }
0x1f0: {  	s1 =	rddreg [dreg:$0x1];
	p0 =	sne.s32 s2, $0x0  }
0x1f1: {  	s3 =	rddreg [dreg:$0x2];
	[bflag:$0x3] =	sbarrier.arrive $0xFFFF;
	s2 =	simm.s32 @!p0 $0x1C09  }
0x1f2: {  	[timem:s3], [sflag:s2] =	dma.local @!p0 [hbm:s0], s1  }
0x1f3: {  	s0 =	simm.s32 @!p0 $0x9  }
0x1f4: {  	_ =	swait.ge @!p0 [sflag:s0], s1  }
0x1f5: {  	s1 =	ssub.s32 @!p0 $0x0, s1;
	[sflag:s0] =	ssyncset.done @!p0 $0x0  }
0x1f6: {  	[sflag:s0] =	ssyncadd.s32 @!p0 s1  }
0x1f7: {  	[bflag:$0x3] =	sbarrier.arrive $0xFFFF  }
0x1f8: {  	_ =	shalt  }

// kernel: kernel.13.cloned.1.call-start
scs
__scs_entry_jumppad:
0x0: {  	(pc) =	sbr.rel $0x88, $3  }
0x1: {  	(tag) =	ssettag $0x0;
	lr =	simm.s32 $0x1  }
0x2: {  	[smem:$0x3F97] =	sst lr;
	_ =	strace $0xD0000000  }
0x3: {  	_ = 	snop  }
0x4: {  	_ = 	snop  }
0x5: {  	_ = 	snop  }
0x6: {  	_ = 	snop  }
0x7: {  	_ = 	snop  }
__scs_overlays_trampoline_lowered:
0x8: {  	[smem:$0x3FA6] =	sst s0  }
0x9: {  	[smem:$0x3FA7] =	sst s1  }
0xa: {  	[smem:$0x3FA8] =	sst s2  }
0xb: {  	[smem:$0x3FA9] =	sst s3  }
0xc: {  	[smem:$0x3FAA] =	sst s4  }
0xd: {  	[smem:$0x3FAB] =	sst s5  }
0xe: {  	[smem:$0x3FAC] =	sst s6  }
0xf: {  	[smem:$0x3FAD] =	sst s7  }
0x10: {  	[smem:$0x3FAE] =	sst s8  }
0x11: {  	[smem:$0x3FAF] =	sst s9;
	s0 =	simm.s32 @!p0 $0x0  }
0x12: {  	s1 =	sld [smem:$0x3F95];
	s0 =	simm.s32 @p0 $0x1  }
0x13: {  	[smem:$0x3FB0] =	sst s0;
	s0 =	simm.s32 @!p1 $0x0  }
0x14: {  	s2 =	sld [smem:$0x3F94];
	s0 =	simm.s32 @p1 $0x1  }
0x15: {  	[smem:$0x3FB1] =	sst s0;
	s0 =	simm.s32 @!p2 $0x0  }
0x16: {  	s3 =	sld [smem:$0x3FDB];
	s0 =	simm.s32 @p2 $0x1  }
0x17: {  	s4 =	simm.s32 $0x1BF5;
	[smem:$0x3FB3] =	sst s0  }
0x18: {  	s0 =	sld [smem:$0x3F96];
	_ =	swait.ge [sflag:s4], $0x0  }
0x19: {  	s7 =	sld [smem:$0x3F97]  }
0x1a: {  	s8 =	sadd.s32 $0xFFFFE003, lr  }
0x1b: {  	s9 =	sadd.s32 $0xFFFFFEF7, lr;
	s5 =	simm.s32 $0xFFFFFFFF;
	p2 =	slt.u32 s8, $0xFFFFF086  }
0x1c: {  	p1 =	slt.u32 s9, $0xF7A;
	s5 =	simm.s32 @!p2 $0x0  }
0x1d: {  	s5 =	simm.s32 @p1 $0x1;
	p0 =	seq.s32 s7, s2  }
0x1e: {  	s7 =	smul.u32 @!p0 $0xF7A, s2;
	p2 =	seq.s32 @!p0 s5, $0x0  }
0x1f: {  	s9 =	smul.u32 $0xF7A, s1;
	s8 =	simm.s32 @!p0 $0x1BF5;
	p2 =	por !p2, p0  }
0x20: {  	[sflag:s8] =	ssyncset.s32 @!p0 $0xFFFFF086;
	s6 =	sadd.s32 @!p0 s3, s7;
	s7 =	simm.s32 @!p0 $0x108  }
0x21: {  	s3 =	sadd.s32 s3, s9;
	s6 =	sadd.s32 @!p0 $0x88, s6;
	s7 =	simm.s32 @p2 $0x1082  }
0x22: {  	[simem:s7], [sflag:s8] =	dma.local @!p0 [hbm:s6], $0xF7A  }
0x23: {  	s9 =	sor.u32 $0xD0000000, s2;
	s6 =	simm.s32 $0x108;
	_ =	swait.ge @!p0 [sflag:s8], $0x0  }
0x24: {  	s3 =	sadd.s32 $0x88, s3;
	s6 =	simm.s32 @!p1 $0x1082;
	[sflag:s4] =	ssyncset.s32 $0xFFFFF086  }
0x25: {  	[simem:s6], [sflag:s4] =	dma.local [hbm:s3], $0xF7A  }
0x26: {  	[smem:$0x3F97] =	sst s1;
	(tag) =	ssettag s2;
	_ =	strace s9  }
0x27: {  	s1 =	sld [smem:$0x3FA7]  }
0x28: {  	s2 =	sld [smem:$0x3FA8]  }
0x29: {  	s4 =	sld [smem:$0x3FAA]  }
0x2a: {  	p0 =	seq.s32 s5, $0x0;
	s5 =	sld [smem:$0x3FAB]  }
0x2b: {  	s6 =	sld [smem:$0x3FAC]  }
0x2c: {  	s7 =	sld [smem:$0x3FAD]  }
0x2d: {  	s3 =	simm.s32 $0x108;
	s8 =	sld [smem:$0x3FAE]  }
0x2e: {  	s3 =	simm.s32 @!p0 $0x1082;
	s9 =	sld [smem:$0x3FAF]  }
0x2f: {  	lr =	sadd.s32 s0, s3;
	s0 =	sld [smem:$0x3FA6]  }
0x30: {  	s3 =	sld [smem:$0x3FA9]  }
0x31: {  	[smem:$0x3FB2] =	sst s10  }
0x32: {  	s10 =	sld [smem:$0x3FB0];
	_ =	sdelay $0x3  }
0x33: {  	p0 =	seq.s32 s10, $0x1;
	s10 =	sld [smem:$0x3FB2];
	_ =	sdelay $0x3  }
0x34: {  	[smem:$0x3FB2] =	sst s10  }
0x35: {  	s10 =	sld [smem:$0x3FB1];
	_ =	sdelay $0x3  }
0x36: {  	p1 =	seq.s32 s10, $0x1;
	s10 =	sld [smem:$0x3FB2];
	_ =	sdelay $0x3  }
0x37: {  	[smem:$0x3FB2] =	sst s10  }
0x38: {  	s10 =	sld [smem:$0x3FB3]  }
0x39: {  	_ = 	snop;
	(pc) =	sbr.ind lr, $3  }
0x3a: {  	_ = 	snop  }
0x3b: {  	_ = 	snop  }
0x3c: {  	p2 =	seq.s32 s10, $0x1;
	s10 =	sld [smem:$0x3FB2]  }
0x3d: {  	_ =	shalt  }
0x3e: {  	_ =	shalt  }
0x3f: {  	_ =	shalt  }
0x40: {  	_ =	shalt  }
0x41: {  	_ =	shalt  }
0x42: {  	_ =	shalt  }
0x43: {  	_ =	shalt  }
0x44: {  	_ =	shalt  }
0x45: {  	_ =	shalt  }
0x46: {  	_ =	shalt  }
0x47: {  	_ =	shalt  }
0x48: {  	_ =	shalt  }
0x49: {  	_ =	shalt  }
0x4a: {  	_ =	shalt  }
0x4b: {  	_ =	shalt  }
0x4c: {  	_ =	shalt  }
0x4d: {  	_ =	shalt  }
0x4e: {  	_ =	shalt  }
0x4f: {  	_ =	shalt  }
0x50: {  	_ =	shalt  }
0x51: {  	_ =	shalt  }
0x52: {  	_ =	shalt  }
0x53: {  	_ =	shalt  }
0x54: {  	_ =	shalt  }
0x55: {  	_ =	shalt  }
0x56: {  	_ =	shalt  }
0x57: {  	_ =	shalt  }
0x58: {  	_ =	shalt  }
0x59: {  	_ =	shalt  }
0x5a: {  	_ =	shalt  }
0x5b: {  	_ =	shalt  }
0x5c: {  	_ =	shalt  }
0x5d: {  	_ =	shalt  }
0x5e: {  	_ =	shalt  }
0x5f: {  	_ =	shalt  }
0x60: {  	_ =	shalt  }
0x61: {  	_ =	shalt  }
0x62: {  	_ =	shalt  }
0x63: {  	_ =	shalt  }
0x64: {  	_ =	shalt  }
0x65: {  	_ =	shalt  }
0x66: {  	_ =	shalt  }
0x67: {  	_ =	shalt  }
0x68: {  	_ =	shalt  }
0x69: {  	_ =	shalt  }
0x6a: {  	_ =	shalt  }
0x6b: {  	_ =	shalt  }
0x6c: {  	_ =	shalt  }
0x6d: {  	_ =	shalt  }
0x6e: {  	_ =	shalt  }
0x6f: {  	_ =	shalt  }
0x70: {  	_ =	shalt  }
0x71: {  	_ =	shalt  }
0x72: {  	_ =	shalt  }
0x73: {  	_ =	shalt  }
0x74: {  	_ =	shalt  }
0x75: {  	_ =	shalt  }
0x76: {  	_ =	shalt  }
0x77: {  	_ =	shalt  }
0x78: {  	_ =	shalt  }
0x79: {  	_ =	shalt  }
0x7a: {  	_ =	shalt  }
0x7b: {  	_ =	shalt  }
0x7c: {  	_ =	shalt  }
0x7d: {  	_ =	shalt  }
0x7e: {  	_ =	shalt  }
0x7f: {  	_ =	shalt  }
0x80: {  	_ =	shalt  }
0x81: {  	_ =	shalt  }
0x82: {  	_ =	shalt  }
0x83: {  	_ =	shalt  }
0x84: {  	_ =	shalt  }
0x85: {  	_ =	shalt  }
0x86: {  	_ =	shalt  }
0x87: {  	_ =	shalt  }
.Lfunc_end0:
.L_simem_size_0:
called_computation.2_lowered:
.L_overlay_start_0:
0x88: {  	s2 =	sld [smem:$0x3FD9]  }
0x89: {  	s3 =	sld [smem:$0x3FFE];
	_ =	sdelay $0x1  }
0x8a: {  	s1 =	srdreg.scid  }
0x8b: {  	s0 =	sand.u32 $0x1, s1  }
0x8c: {  	s16 =	sshll.u32 s0, $0xA;
	s2 =	sadd.s32 s3, s2  }
0x8d: {  	s2 =	sadd.s32 s2, s16  }
0x8e: {  	[smem:$0x3FBE] =	sst s2  }
0x8f: {  	_ = 	snop  }
0x90: {  	(tm) =	ssettm $0x1  }
0x91: {  	s17 =	sld [smem:$0x3FFB];
	_ =	sdelay $0x3  }
0x92: {  	_ =	strace s17  }
0x93: {  	s2 =	sld [smem:$0x3FFC];
	_ =	sdelay $0x3  }
0x94: {  	_ =	strace s2  }
0x95: {  	s2 =	sld [smem:$0x3FFD];
	_ =	sdelay $0x3  }
0x96: {  	_ =	strace s2  }
0x97: {  	_ =	strace $0x8FFFFFFF  }
0x98: {  	s18 =	sld [smem:$0x3FDB];
	_ =	sdelay $0x1  }
0x99: {  	s19 =	simm.s32 $_scs_section_size  }
0x9a: {  	s4 =	simm.s32 $_size__tile_overlayer_lowered;
	s5 =	simm.s32 $_tile_overlayer_lowered  }
0x9b: {  	s22 =	simm.s32 $0x1BFF;
	s21 =	sshll.u32 s5, $0x1;
	s2 =	sadd.s32 s19, s18  }
0x9c: {  	s6 =	simm.s32 $0x0;
	s20 =	sshll.u32 s4, $0x1;
	s4 =	sadd.s32 s21, s2  }
0x9d: {  	[timem:s6], [sflag:s22] =	dma.local [hbm:s4], s20  }
0x9e: {  	_ =	swait.ge [sflag:s22], s20  }
0x9f: {  	s3 =	ssub.s32 $0x0, s20;
	[sflag:s22] =	ssyncset.done $0x0  }
0xa0: {  	[sflag:s22] =	ssyncadd.s32 s3;
	_ =	sdelay $0x1  }
0xa1: {  	s23 =	simm.s32 $0x1B8B  }
0xa2: {  	_ =	swait.ge [sflag:s23], $0x1  }
0xa3: {  	[sflag:s23] =	ssyncset.done $0x0  }
0xa4: {  	s25 =	simm.s32 $0x1B8E;
	s24 =	sld [smem:$0x3FFE];
	[sflag:s23] =	ssyncadd.s32 $0xFFFFFFFF  }
0xa5: {  	s26 =	simm.s32 $execute0_lowered;
	[smem:$0x3FD2] =	sst s25  }
0xa6: {  	s4 =	sshll.u32 s26, $0x1;
	_ =	strace $0x80000046;
	[dreg:$0x1] =	wrdreg $0xFFFFFFFF  }
0xa7: {  	s28 =	simm.s32 $_size_execute0_lowered;
	s2 =	sadd.s32 s2, s4;
	[dreg:$0x0] =	wrdreg $0x0  }
0xa8: {  	s4 =	sshll.u32 s28, $0x1;
	[dreg:$0x2] =	wrdreg s2  }
0xa9: {  	[dreg:$0x3] =	wrdreg s4  }
0xaa: {  	[dreg:$0x4] =	wrdreg $0xC0  }
0xab: {  	_ =	task [dreg:s6], $0x5FFFF  }
0xac: {  	[dreg:$0x1] =	wrdreg $0xFFFFFFFF  }
0xad: {  	[dreg:$0x0] =	wrdreg $0x60  }
0xae: {  	[dreg:$0x2] =	wrdreg s24  }
0xaf: {  	[dreg:$0x3] =	wrdreg $0x137000  }
0xb0: {  	[dreg:$0x4] =	wrdreg $0xB  }
0xb1: {  	_ =	task.clear_ibuf [dreg:s6], $0x5FFFF;
	_ =	strace $0x90000046  }
0xb2: {  	s29 =	simm.s32 $0xB;
	_ =	strace $0x80000048  }
0xb3: {  	_ =	swait.ge [sflag:s29], $0x1  }
0xb4: {  	[sflag:s29] =	ssyncadd.s32 $0xFFFFFFFF  }
0xb5: {  	_ =	strace $0x90000048  }
0xb6: {  	_ =	sfence  }
0xb7: {  	s30 =	sld [smem:$0x0];
	_ =	sdelay $0x2  }
0xb8: {  	s31 =	sshll.u32 s1, $0xD;
	s1 =	sshrl.u32 s1, $0x2  }
0xb9: {  	s3 =	sand.u32 $0x4000, s31;
	s1 =	sadd.s32 s1, s30  }
0xba: {  	s0 =	sor.u32 s3, s0;
	s1 =	sshll.u32 s1, $0x11  }
0xbb: {  	s0 =	sor.u32 s1, s0  }
0xbc: {  	s0 =	sadd.s32 $0x8F2B, s0  }
0xbd: {  	[sflag:s0] =	ssyncadd.remote.s32 $0x1  }
0xbe: {  	_ =	sfence.sel $0xFFFF  }
0xbf: {  	[dreg:$0x0] =	wrdreg $0xFFFFFFFF;
	(pc) =	sbr.abs _section_cstart, $3  }
0xc0: {  	[dreg:$0x1] =	wrdreg $0xFFFFFFFF  }
0xc1: {  	_ =	task.clear_ibuf [dreg:s6], $0x2FFFF;
	_ =	strace $0x9FFFFFFF  }
0xc2: {  	(tm) =	ssettm $0x7FFFFFFF  }
0xc3: {  	_ =	shalt  }
tec
execute0_lowered:
.L_overlay_start_1:
0x0: {  	(tag) =	ssettag $0x1  }
0x1: {  	s0 =	srdreg.scid;
	s8 =	rddreg [dreg:$0x0]  }
0x2: {  	s12 =	stileid.u32;
	s1 =	rddreg [dreg:$0x1]  }
0x3: {  	s2 =	simm.s32 $0x0;
	s10 =	simm.s32 $0xDE00;
	s11 =	simm.s32 $0x4300  }
0x4: {  	v3 =	vlaneseq.u32;
	s13 =	simm.s32 $0x13300;
	s14 =	simm.s32 $0x13380;
	s15 =	simm.s32 $0x7300  }
0x5: {  	v2 =	vimm.f32 $0.0e+00;
	s16 =	simm.s32 $0x13400;
	s17 =	simm.s32 $0xA300;
	s18 =	simm.s32 $0x13480;
	v4 =	vor.u32 $0x10, v3;
	v5 =	vor.u32 $0x20, v3  }
0x6: {  	s19 =	simm.s32 $0xD300;
	s20 =	simm.s32 $0x13500;
	s21 =	simm.s32 $0x10300;
	v6 =	vor.u32 $0x30, v3;
	v7 =	vor.u32 $0x40, v3;
	v8 =	vor.u32 $0x50, v3  }
0x7: {  	s22 =	simm.s32 $0x0;
	s4 =	sand.u32 $0x1, s0;
	s30 =	sshll.u32 s12, $0x1;
	v9 =	vor.u32 $0x60, v3;
	v10 =	vor.u32 $0x70, v3;
	v11 =	vor.u32 $0x80, v3  }
0x8: {  	[smem:$0x7FF] =	sst s2;
	s9 =	smul.u32 $0xF00, s12;
	v12 =	vor.u32 $0x90, v3;
	v13 =	vor.u32 $0xA0, v3;
	v14 =	vor.u32 $0xB0, v3;
	s3 =	sor.u32 s4, s30  }
0x9: {  	s0 =	rddreg [dreg:$0x2];
	v15 =	vor.u32 $0xC0, v3;
	v16 =	vor.u32 $0xD0, v3;
	v17 =	vor.u32 $0xE0, v3;
	_ =	strace $0x80000047;
	s5 =	smul.u32 $0x620, s3  }
0xa: {  	v18 =	vor.u32 $0xF0, v3;
	v19 =	vor.u32 $0x100, v3;
	v20 =	vor.u32 $0x110, v3;
	s31 =	ssub.s32 $0x2, s4;
	p0 =	seq.s32 s4, $0x1;
	s6 =	smul.u32 $0x498, s3  }
0xb: {  	v21 =	vor.u32 $0x120, v3;
	v22 =	vor.u32 $0x130, v3;
	v23 =	vor.u32 $0x140, v3;
	s3 =	sadd.s32 $0x2800, s8;
	s7 =	sshrl.u32 s31, $0x1;
	s10 =	simm.s32 @!p0 $0xC000  }
0xc: {  	v24 =	vor.u32 $0x150, v3;
	v25 =	vor.u32 $0x160, v3;
	v26 =	vor.u32 $0x170, v3;
	p0 =	sne.s32 s12, $0x0;
	s12 =	simm.s32 $0x60;
	s7 =	ssub.s32 s31, s7  }
0xd: {  	v27 =	vor.u32 $0x180, v3;
	v28 =	vor.u32 $0x190, v3;
	v0 =	vmov s5;
	s5 =	sadd.s32 $0x620, s5;
	s6 =	sadd.s32 s6, s8;
	s7 =	smax.u32 s7, $0x1  }
0xe: {  	v29 =	vor.u32 $0x1A0, v3;
	v30 =	vor.u32 $0x1B0, v3;
	v31 =	vor.u32 $0x1C0, v3;
	s8 =	sadd.s32 s10, s8;
	s10 =	simm.s32 $0x1E00;
	s4 =	sadd.s32 $0x2C00, s6  }
0xf: {  	v32 =	vor.u32 $0x1D0, v3;
	v33 =	vmul.u32 $0x8, v3;
	v1 =	vmov s5;
	s5 =	sadd.s32 s9, s1;
	s6 =	sadd.s32 $0x4300, s9;
	s9 =	simm.s32 $0x1  }
.LBB2_1:
0x10: {  	[tilespmem:s2], [sflag:$0x1] =	stream.linear.gather [hbm4b:s3+s2], $0x1E00, $0x38;
	[tilespmem:$0x14600] =	vst v63  }
0x11: {  	_ =	swait.ge [sflag:s9], $0x1E00  }
0x12: {  	[sflag:s9] =	ssyncset.done $0x0  }
0x13: {  	[sflag:s9] =	ssyncadd.s32 $0xFFFFE200  }
0x14: {  	[tilespmem:s10], [sflag:$0x1] =	stream.linear.gather [hbm4b:s4+s2], $0x24C0, $0x38;
	[tilespmem:$0x14600] =	vst v63  }
0x15: {  	_ =	swait.ge [sflag:s9], $0x24C0  }
0x16: {  	[sflag:s9] =	ssyncset.done $0x0  }
0x17: {  	s23 =	simm.s32 $0x0;
	s24 =	simm.s32 $0x200;
	[sflag:s9] =	ssyncadd.s32 $0xFFFFDB40  }
.LBB2_2:
0x18: {  	p1 =	sne.s32 s24, $0x3BE00;
	[tilespmem:s23+$0x4370] =	vst v2  }
0x19: {  	[tilespmem:s23+$0x4300] =	vst v2  }
0x1a: {  	[tilespmem:s23+$0x4310] =	vst v2  }
.Ltmp0:
0x1b: {  	[tilespmem:s23+$0x4320] =	vst v2;
	(pc) =	sbr.rel @p1 .LBB2_2-.Ltmp0, $4  }
0x1c: {  	[tilespmem:s23+$0x4330] =	vst v2  }
0x1d: {  	[tilespmem:s23+$0x4340] =	vst v2  }
0x1e: {  	[tilespmem:s23+$0x4350] =	vst v2  }
0x1f: {  	[tilespmem:s23+$0x4360] =	vst v2;
	s23 =	sshra.s32 s24, $0x2;
	s24 =	sadd.s32 $0x200, s24  }
0x20: {  	[tilespmem:s23+$0x4370] =	vst v2  }
0x21: {  	[tilespmem:s23+$0x4300] =	vst v2  }
0x22: {  	[tilespmem:s23+$0x4310] =	vst v2  }
0x23: {  	[tilespmem:s23+$0x4320] =	vst v2  }
0x24: {  	[tilespmem:s23+$0x4330] =	vst v2  }
0x25: {  	[tilespmem:s23+$0x4340] =	vst v2  }
0x26: {  	[tilespmem:s23+$0x4350] =	vst v2  }
0x27: {  	[tilespmem:s23+$0x4360] =	vst v2  }
0x28: {  	[tilespmem:$0x13300] =	vst v3  }
0x29: {  	[tilespmem:$0x13310] =	vst v4  }
0x2a: {  	[tilespmem:$0x13320] =	vst v5  }
0x2b: {  	[tilespmem:$0x13330] =	vst v6  }
0x2c: {  	[tilespmem:$0x13340] =	vst v7  }
0x2d: {  	[tilespmem:$0x13350] =	vst v8  }
0x2e: {  	[tilespmem:$0x13380] =	vst v9  }
0x2f: {  	[tilespmem:$0x13390] =	vst v10  }
0x30: {  	[tilespmem:$0x133A0] =	vst v11  }
0x31: {  	[tilespmem:$0x133B0] =	vst v12  }
0x32: {  	[tilespmem:$0x133C0] =	vst v13  }
0x33: {  	[tilespmem:$0x133D0] =	vst v14  }
0x34: {  	[tilespmem:$0x13400] =	vst v15  }
0x35: {  	[tilespmem:$0x13410] =	vst v16  }
0x36: {  	[tilespmem:$0x13420] =	vst v17  }
0x37: {  	[tilespmem:$0x13430] =	vst v18  }
0x38: {  	[tilespmem:$0x13440] =	vst v19  }
0x39: {  	[tilespmem:$0x13450] =	vst v20  }
0x3a: {  	[tilespmem:$0x13480] =	vst v21  }
0x3b: {  	[tilespmem:$0x13490] =	vst v22  }
0x3c: {  	[tilespmem:$0x134A0] =	vst v23  }
0x3d: {  	[tilespmem:$0x134B0] =	vst v24  }
0x3e: {  	[tilespmem:$0x134C0] =	vst v25  }
0x3f: {  	[tilespmem:$0x134D0] =	vst v26  }
0x40: {  	[tilespmem:$0x13500] =	vst v27  }
0x41: {  	[tilespmem:$0x13510] =	vst v28  }
0x42: {  	[tilespmem:$0x13520] =	vst v29  }
0x43: {  	[tilespmem:$0x13530] =	vst v30  }
0x44: {  	[tilespmem:$0x13540] =	vst v31  }
0x45: {  	[tilespmem:$0x13550] =	vst v32  }
0x46: {  	[spmem:s5] =	stream.linear.scatter [tilespmem:s6], [sflag:$0x1], $0xF00, $0x38;
	[tilespmem:$0x14600] =	vst v63  }
0x47: {  	_ =	swait.ge [sflag:s9], $0xF00  }
0x48: {  	[sflag:s9] =	ssyncset.done $0x0  }
0x49: {  	s23 =	simm.s32 $0x0;
	[sflag:s9] =	ssyncadd.s32 $0xFFFFF100  }
0x4a: {  	v34 =	vld [tilespmem:s23+$0x0];
	_ =	sdelay $0x4  }
0x4b: {  	v35 =	vsub.s32 v34, v0  }
0x4c: {  	vm0 =	vgt.s32 v35, $0x0  }
0x4d: {  	v35 =	vnsel vm0, $0x0, v35  }
0x4e: {  	vm1 =	vlt.s32 v34, v1;
	vm0 =	vge.s32 v34, v0;
	v56 =	vmin.u32 v35, $0x61F  }
0x4f: {  	vm0 =	vmand vm0, vm1;
	v34 =	vmul.u32 $0x6, v56;
	_ =	sdelay $0x3  }
0x50: {  	v57 =	vmov s23  }
0x51: {  	v35 =	vshll.u32 v57, $0x3  }
0x52: {  	v35 =	vor.u32 v33, v35;
	v36 =	vld.idx.msk [tilespmem:v34+s10+$0x0], vm0  }
0x53: {  	v37 =	vor.u32 $0x1, v34;
	_ =	sdelay $0x3  }
0x54: {  	[tilespmem:v35+s11+$0x0] =	vst.idx.msk vm0, v36  }
0x55: {  	v58 =	vor.u32 $0x1, v35;
	v36 =	vld.idx.msk [tilespmem:v37+s10+$0x0], vm0  }
0x56: {  	v38 =	vadd.s32 $0x2, v34;
	_ =	sdelay $0x3  }
0x57: {  	[tilespmem:v58+s11+$0x0] =	vst.idx.msk vm0, v36  }
0x58: {  	v59 =	vor.u32 $0x2, v35;
	v36 =	vld.idx.msk [tilespmem:v38+s10+$0x0], vm0  }
0x59: {  	v60 =	vadd.s32 $0x3, v34;
	_ =	sdelay $0x3  }
0x5a: {  	[tilespmem:v59+s11+$0x0] =	vst.idx.msk vm0, v36  }
0x5b: {  	v61 =	vor.u32 $0x3, v35;
	v36 =	vld.idx.msk [tilespmem:v60+s10+$0x0], vm0  }
0x5c: {  	v62 =	vadd.s32 $0x4, v34;
	_ =	sdelay $0x3  }
0x5d: {  	[tilespmem:v61+s11+$0x0] =	vst.idx.msk vm0, v36  }
0x5e: {  	v63 =	vor.u32 $0x4, v35;
	v36 =	vld.idx.msk [tilespmem:v62+s10+$0x0], vm0  }
0x5f: {  	v34 =	vadd.s32 $0x5, v34;
	_ =	sdelay $0x3  }
0x60: {  	[tilespmem:v63+s11+$0x0] =	vst.idx.msk vm0, v36  }
0x61: {  	s24 =	simm.s32 $0x10;
	v35 =	vor.u32 $0x5, v35;
	v34 =	vld.idx.msk [tilespmem:v34+s10+$0x0], vm0  }
.LBB2_4:
0x62: {  	_ =	sdelay $0x2  }
0x63: {  	p1 =	sne.s32 s24, $0x1DF0  }
0x64: {  	s23 =	sadd.s32 $0x10, s23;
	s25 =	smov.u32 s24;
	s24 =	sadd.s32 $0x10, s24;
	[tilespmem:v35+s11+$0x0] =	vst.idx.msk vm0, v34  }
0x65: {  	v34 =	vld [tilespmem:s23+$0x0];
	_ =	sdelay $0x4  }
0x66: {  	vm0 =	vge.s32 v34, v0;
	vm1 =	vlt.s32 v34, v1;
	v34 =	vsub.s32 v34, v0  }
0x67: {  	vm2 =	vgt.s32 v34, $0x0  }
0x68: {  	v34 =	vnsel vm2, $0x0, v34  }
0x69: {  	v34 =	vmin.u32 v34, $0x61F  }
0x6a: {  	vm0 =	vmand vm0, vm1;
	v34 =	vmul.u32 $0x6, v34;
	_ =	sdelay $0x4  }
0x6b: {  	v35 =	vmov s25  }
0x6c: {  	v35 =	vshll.u32 v35, $0x3;
	v36 =	vld.idx.msk [tilespmem:v34+s10+$0x0], vm0  }
0x6d: {  	v35 =	vor.u32 v33, v35  }
0x6e: {  	v37 =	vor.u32 $0x1, v34;
	_ =	sdelay $0x3  }
0x6f: {  	[tilespmem:v35+s11+$0x0] =	vst.idx.msk vm0, v36  }
0x70: {  	v36 =	vld.idx.msk [tilespmem:v37+s10+$0x0], vm0  }
0x71: {  	v37 =	vor.u32 $0x1, v35  }
0x72: {  	v38 =	vadd.s32 $0x2, v34;
	_ =	sdelay $0x3  }
0x73: {  	[tilespmem:v37+s11+$0x0] =	vst.idx.msk vm0, v36  }
0x74: {  	v36 =	vld.idx.msk [tilespmem:v38+s10+$0x0], vm0  }
0x75: {  	v37 =	vor.u32 $0x2, v35  }
0x76: {  	v38 =	vadd.s32 $0x3, v34;
	_ =	sdelay $0x3  }
0x77: {  	[tilespmem:v37+s11+$0x0] =	vst.idx.msk vm0, v36  }
0x78: {  	v36 =	vld.idx.msk [tilespmem:v38+s10+$0x0], vm0  }
0x79: {  	v37 =	vor.u32 $0x3, v35  }
0x7a: {  	v38 =	vadd.s32 $0x4, v34;
	_ =	sdelay $0x3  }
0x7b: {  	[tilespmem:v37+s11+$0x0] =	vst.idx.msk vm0, v36  }
0x7c: {  	v36 =	vld.idx.msk [tilespmem:v38+s10+$0x0], vm0  }
0x7d: {  	v37 =	vor.u32 $0x4, v35  }
0x7e: {  	v34 =	vadd.s32 $0x5, v34;
	_ =	sdelay $0x1  }
.Ltmp1:
0x7f: {  	(pc) =	sbr.rel @p1 .LBB2_4-.Ltmp1, $4  }
0x80: {  	_ = 	snop  }
0x81: {  	[tilespmem:v37+s11+$0x0] =	vst.idx.msk vm0, v36  }
0x82: {  	v34 =	vld.idx.msk [tilespmem:v34+s10+$0x0], vm0  }
0x83: {  	v35 =	vor.u32 $0x5, v35  }
0x84: {  	_ =	sdelay $0x4  }
0x85: {  	[tilespmem:v35+s11+$0x0] =	vst.idx.msk vm0, v34  }
0x86: {  	[bflag:$0x0] =	sbarrier.arrive $0xFFFF  }
0x87: {  	[spmem:s1] =	stream.indirect.scatter.add.f32 [tilespmem:s11], [sflag:$0x1], $0x80, s13, s12, $0xb8;
	[tilespmem:$0x14600] =	vst v63  }
0x88: {  	_ =	swait.ge [sflag:s9], $0x3000  }
0x89: {  	[sflag:s9] =	ssyncset.done $0x0  }
0x8a: {  	[sflag:s9] =	ssyncadd.s32 $0xFFFFD000  }
0x8b: {  	[spmem:s1] =	stream.indirect.scatter.add.f32 [tilespmem:s15], [sflag:$0x1], $0x80, s14, s12, $0xb8;
	[tilespmem:$0x14600] =	vst v63  }
0x8c: {  	_ =	swait.ge [sflag:s9], $0x3000  }
0x8d: {  	[sflag:s9] =	ssyncset.done $0x0  }
0x8e: {  	[sflag:s9] =	ssyncadd.s32 $0xFFFFD000  }
0x8f: {  	[spmem:s1] =	stream.indirect.scatter.add.f32 [tilespmem:s17], [sflag:$0x1], $0x80, s16, s12, $0xb8;
	[tilespmem:$0x14600] =	vst v63  }
0x90: {  	_ =	swait.ge [sflag:s9], $0x3000  }
0x91: {  	[sflag:s9] =	ssyncset.done $0x0  }
0x92: {  	[sflag:s9] =	ssyncadd.s32 $0xFFFFD000  }
0x93: {  	[spmem:s1] =	stream.indirect.scatter.add.f32 [tilespmem:s19], [sflag:$0x1], $0x80, s18, s12, $0xb8;
	[tilespmem:$0x14600] =	vst v63  }
0x94: {  	_ =	swait.ge [sflag:s9], $0x3000  }
0x95: {  	[sflag:s9] =	ssyncset.done $0x0  }
0x96: {  	[sflag:s9] =	ssyncadd.s32 $0xFFFFD000  }
0x97: {  	[spmem:s1] =	stream.indirect.scatter.add.f32 [tilespmem:s21], [sflag:$0x1], $0x80, s20, s12, $0xb8;
	[tilespmem:$0x14600] =	vst v63  }
0x98: {  	_ =	swait.ge [sflag:s9], $0x3000  }
0x99: {  	[sflag:s9] =	ssyncset.done $0x0  }
0x9a: {  	s23 =	sshrl.u32 @!p0 s1, $0x3;
	s22 =	sadd.s32 $0x1, s22;
	[sflag:s9] =	ssyncadd.s32 $0xFFFFD000  }
0x9b: {  	s24 =	simm.s32 @!p0 $0x1C01;
	p1 =	sne.s32 s22, s7;
	[bflag:$0x0] =	sbarrier.arrive $0xFFFF  }
0x9c: {  	[hbm:s8], [sflag:s24] =	dma.local @!p0 [spmem:s23], $0x1E00  }
.Ltmp2:
0x9d: {  	_ = 	snop;
	(pc) =	sbr.rel @p1 .LBB2_1-.Ltmp2, $4  }
0x9e: {  	s23 =	simm.s32 @!p0 $0x1  }
0x9f: {  	_ =	swait.ge @!p0 [sflag:s23], $0x1E00  }
0xa0: {  	[sflag:s23] =	ssyncset.done @!p0 $0x0  }
0xa1: {  	[sflag:s23] =	ssyncadd.s32 @!p0 $0xFFFFE200  }
0xa2: {  	_ =	sfence.sel $0x180000  }
0xa3: {  	[bflag:$0x0] =	sbarrier.arrive $0xFFFF  }
0xa4: {  	_ =	strace $0x90000047  }
0xa5: {  	s0 =	sadd.s32 @!p0 $0x100000, s0;
	[bflag:$0x2] =	sbarrier.arrive $0xFFFF  }
0xa6: {  	[sflag:s0] =	ssyncadd.tile.s32 @!p0 $0x1;
	_ =	shalt  }
.Lfunc_end2:
_tile_overlayer_lowered:
.L_overlay_start_2:
0xa7: {  	(tag) =	ssettag $0x2  }
0xa8: {  	s0 =	rddreg [dreg:$0x0];
	s2 =	stileid.u32  }
0xa9: {  	s1 =	rddreg [dreg:$0x1];
	p0 =	sne.s32 s2, $0x0  }
0xaa: {  	s3 =	rddreg [dreg:$0x2];
	[bflag:$0x3] =	sbarrier.arrive $0xFFFF;
	s2 =	simm.s32 @!p0 $0x1C01  }
0xab: {  	[timem:s3], [sflag:s2] =	dma.local @!p0 [hbm:s0], s1  }
0xac: {  	s0 =	simm.s32 @!p0 $0x1  }
0xad: {  	_ =	swait.ge @!p0 [sflag:s0], s1  }
0xae: {  	s1 =	ssub.s32 @!p0 $0x0, s1;
	[sflag:s0] =	ssyncset.done @!p0 $0x0  }
0xaf: {  	[sflag:s0] =	ssyncadd.s32 @!p0 s1  }
0xb0: {  	[bflag:$0x3] =	sbarrier.arrive $0xFFFF  }
0xb1: {  	_ =	shalt  }

// kernel: kernel.7.cloned.1.call-start
scs
__scs_entry_jumppad:
0x0: {  	(pc) =	sbr.rel $0x88, $3  }
0x1: {  	(tag) =	ssettag $0x0;
	lr =	simm.s32 $0x1  }
0x2: {  	[smem:$0x3F97] =	sst lr;
	_ =	strace $0xD0000000  }
0x3: {  	_ = 	snop  }
0x4: {  	_ = 	snop  }
0x5: {  	_ = 	snop  }
0x6: {  	_ = 	snop  }
0x7: {  	_ = 	snop  }
__scs_overlays_trampoline_lowered:
0x8: {  	[smem:$0x3FA6] =	sst s0  }
0x9: {  	[smem:$0x3FA7] =	sst s1  }
0xa: {  	[smem:$0x3FA8] =	sst s2  }
0xb: {  	[smem:$0x3FA9] =	sst s3  }
0xc: {  	[smem:$0x3FAA] =	sst s4  }
0xd: {  	[smem:$0x3FAB] =	sst s5  }
0xe: {  	[smem:$0x3FAC] =	sst s6  }
0xf: {  	[smem:$0x3FAD] =	sst s7  }
0x10: {  	[smem:$0x3FAE] =	sst s8  }
0x11: {  	[smem:$0x3FAF] =	sst s9;
	s0 =	simm.s32 @!p0 $0x0  }
0x12: {  	s1 =	sld [smem:$0x3F95];
	s0 =	simm.s32 @p0 $0x1  }
0x13: {  	[smem:$0x3FB0] =	sst s0;
	s0 =	simm.s32 @!p1 $0x0  }
0x14: {  	s2 =	sld [smem:$0x3F94];
	s0 =	simm.s32 @p1 $0x1  }
0x15: {  	[smem:$0x3FB1] =	sst s0;
	s0 =	simm.s32 @!p2 $0x0  }
0x16: {  	s3 =	sld [smem:$0x3FDB];
	s0 =	simm.s32 @p2 $0x1  }
0x17: {  	s4 =	simm.s32 $0x1BF5;
	[smem:$0x3FB3] =	sst s0  }
0x18: {  	s0 =	sld [smem:$0x3F96];
	_ =	swait.ge [sflag:s4], $0x0  }
0x19: {  	s7 =	sld [smem:$0x3F97]  }
0x1a: {  	s8 =	sadd.s32 $0xFFFFE003, lr  }
0x1b: {  	s9 =	sadd.s32 $0xFFFFFEF7, lr;
	s5 =	simm.s32 $0xFFFFFFFF;
	p2 =	slt.u32 s8, $0xFFFFF086  }
0x1c: {  	p1 =	slt.u32 s9, $0xF7A;
	s5 =	simm.s32 @!p2 $0x0  }
0x1d: {  	s5 =	simm.s32 @p1 $0x1;
	p0 =	seq.s32 s7, s2  }
0x1e: {  	s7 =	smul.u32 @!p0 $0xF7A, s2;
	p2 =	seq.s32 @!p0 s5, $0x0  }
0x1f: {  	s9 =	smul.u32 $0xF7A, s1;
	s8 =	simm.s32 @!p0 $0x1BF5;
	p2 =	por !p2, p0  }
0x20: {  	[sflag:s8] =	ssyncset.s32 @!p0 $0xFFFFF086;
	s6 =	sadd.s32 @!p0 s3, s7;
	s7 =	simm.s32 @!p0 $0x108  }
0x21: {  	s3 =	sadd.s32 s3, s9;
	s6 =	sadd.s32 @!p0 $0x88, s6;
	s7 =	simm.s32 @p2 $0x1082  }
0x22: {  	[simem:s7], [sflag:s8] =	dma.local @!p0 [hbm:s6], $0xF7A  }
0x23: {  	s9 =	sor.u32 $0xD0000000, s2;
	s6 =	simm.s32 $0x108;
	_ =	swait.ge @!p0 [sflag:s8], $0x0  }
0x24: {  	s3 =	sadd.s32 $0x88, s3;
	s6 =	simm.s32 @!p1 $0x1082;
	[sflag:s4] =	ssyncset.s32 $0xFFFFF086  }
0x25: {  	[simem:s6], [sflag:s4] =	dma.local [hbm:s3], $0xF7A  }
0x26: {  	[smem:$0x3F97] =	sst s1;
	(tag) =	ssettag s2;
	_ =	strace s9  }
0x27: {  	s1 =	sld [smem:$0x3FA7]  }
0x28: {  	s2 =	sld [smem:$0x3FA8]  }
0x29: {  	s4 =	sld [smem:$0x3FAA]  }
0x2a: {  	p0 =	seq.s32 s5, $0x0;
	s5 =	sld [smem:$0x3FAB]  }
0x2b: {  	s6 =	sld [smem:$0x3FAC]  }
0x2c: {  	s7 =	sld [smem:$0x3FAD]  }
0x2d: {  	s3 =	simm.s32 $0x108;
	s8 =	sld [smem:$0x3FAE]  }
0x2e: {  	s3 =	simm.s32 @!p0 $0x1082;
	s9 =	sld [smem:$0x3FAF]  }
0x2f: {  	lr =	sadd.s32 s0, s3;
	s0 =	sld [smem:$0x3FA6]  }
0x30: {  	s3 =	sld [smem:$0x3FA9]  }
0x31: {  	[smem:$0x3FB2] =	sst s10  }
0x32: {  	s10 =	sld [smem:$0x3FB0];
	_ =	sdelay $0x3  }
0x33: {  	p0 =	seq.s32 s10, $0x1;
	s10 =	sld [smem:$0x3FB2];
	_ =	sdelay $0x3  }
0x34: {  	[smem:$0x3FB2] =	sst s10  }
0x35: {  	s10 =	sld [smem:$0x3FB1];
	_ =	sdelay $0x3  }
0x36: {  	p1 =	seq.s32 s10, $0x1;
	s10 =	sld [smem:$0x3FB2];
	_ =	sdelay $0x3  }
0x37: {  	[smem:$0x3FB2] =	sst s10  }
0x38: {  	s10 =	sld [smem:$0x3FB3]  }
0x39: {  	_ = 	snop;
	(pc) =	sbr.ind lr, $3  }
0x3a: {  	_ = 	snop  }
0x3b: {  	_ = 	snop  }
0x3c: {  	p2 =	seq.s32 s10, $0x1;
	s10 =	sld [smem:$0x3FB2]  }
0x3d: {  	_ =	shalt  }
0x3e: {  	_ =	shalt  }
0x3f: {  	_ =	shalt  }
0x40: {  	_ =	shalt  }
0x41: {  	_ =	shalt  }
0x42: {  	_ =	shalt  }
0x43: {  	_ =	shalt  }
0x44: {  	_ =	shalt  }
0x45: {  	_ =	shalt  }
0x46: {  	_ =	shalt  }
0x47: {  	_ =	shalt  }
0x48: {  	_ =	shalt  }
0x49: {  	_ =	shalt  }
0x4a: {  	_ =	shalt  }
0x4b: {  	_ =	shalt  }
0x4c: {  	_ =	shalt  }
0x4d: {  	_ =	shalt  }
0x4e: {  	_ =	shalt  }
0x4f: {  	_ =	shalt  }
0x50: {  	_ =	shalt  }
0x51: {  	_ =	shalt  }
0x52: {  	_ =	shalt  }
0x53: {  	_ =	shalt  }
0x54: {  	_ =	shalt  }
0x55: {  	_ =	shalt  }
0x56: {  	_ =	shalt  }
0x57: {  	_ =	shalt  }
0x58: {  	_ =	shalt  }
0x59: {  	_ =	shalt  }
0x5a: {  	_ =	shalt  }
0x5b: {  	_ =	shalt  }
0x5c: {  	_ =	shalt  }
0x5d: {  	_ =	shalt  }
0x5e: {  	_ =	shalt  }
0x5f: {  	_ =	shalt  }
0x60: {  	_ =	shalt  }
0x61: {  	_ =	shalt  }
0x62: {  	_ =	shalt  }
0x63: {  	_ =	shalt  }
0x64: {  	_ =	shalt  }
0x65: {  	_ =	shalt  }
0x66: {  	_ =	shalt  }
0x67: {  	_ =	shalt  }
0x68: {  	_ =	shalt  }
0x69: {  	_ =	shalt  }
0x6a: {  	_ =	shalt  }
0x6b: {  	_ =	shalt  }
0x6c: {  	_ =	shalt  }
0x6d: {  	_ =	shalt  }
0x6e: {  	_ =	shalt  }
0x6f: {  	_ =	shalt  }
0x70: {  	_ =	shalt  }
0x71: {  	_ =	shalt  }
0x72: {  	_ =	shalt  }
0x73: {  	_ =	shalt  }
0x74: {  	_ =	shalt  }
0x75: {  	_ =	shalt  }
0x76: {  	_ =	shalt  }
0x77: {  	_ =	shalt  }
0x78: {  	_ =	shalt  }
0x79: {  	_ =	shalt  }
0x7a: {  	_ =	shalt  }
0x7b: {  	_ =	shalt  }
0x7c: {  	_ =	shalt  }
0x7d: {  	_ =	shalt  }
0x7e: {  	_ =	shalt  }
0x7f: {  	_ =	shalt  }
0x80: {  	_ =	shalt  }
0x81: {  	_ =	shalt  }
0x82: {  	_ =	shalt  }
0x83: {  	_ =	shalt  }
0x84: {  	_ =	shalt  }
0x85: {  	_ =	shalt  }
0x86: {  	_ =	shalt  }
0x87: {  	_ =	shalt  }
.Lfunc_end0:
.L_simem_size_0:
called_computation_lowered:
.L_overlay_start_0:
0x88: {  	s2 =	sld [smem:$0x3FD9]  }
0x89: {  	s3 =	sld [smem:$0x3FFE];
	_ =	sdelay $0x1  }
0x8a: {  	s1 =	srdreg.scid  }
0x8b: {  	s0 =	sand.u32 $0x1, s1  }
0x8c: {  	s17 =	sshll.u32 s0, $0xA;
	s2 =	sadd.s32 s3, s2  }
0x8d: {  	s2 =	sadd.s32 s2, s17  }
0x8e: {  	[smem:$0x3FBE] =	sst s2  }
0x8f: {  	_ = 	snop  }
0x90: {  	(tm) =	ssettm $0x1  }
0x91: {  	s18 =	sld [smem:$0x3FFB];
	_ =	sdelay $0x3  }
0x92: {  	_ =	strace s18  }
0x93: {  	s2 =	sld [smem:$0x3FFC];
	_ =	sdelay $0x3  }
0x94: {  	_ =	strace s2  }
0x95: {  	s2 =	sld [smem:$0x3FFD];
	_ =	sdelay $0x3  }
0x96: {  	_ =	strace s2  }
0x97: {  	_ =	strace $0x8FFFFFFF  }
0x98: {  	s19 =	sld [smem:$0x3FDB];
	_ =	sdelay $0x1  }
0x99: {  	s20 =	simm.s32 $_scs_section_size  }
0x9a: {  	s4 =	simm.s32 $_size__tile_overlayer_lowered;
	s5 =	simm.s32 $_tile_overlayer_lowered  }
0x9b: {  	s6 =	simm.s32 $0x1BFF;
	s21 =	sshll.u32 s5, $0x1;
	s3 =	sadd.s32 s20, s19  }
0x9c: {  	s22 =	simm.s32 $0x0;
	s4 =	sshll.u32 s4, $0x1;
	s5 =	sadd.s32 s21, s3  }
0x9d: {  	[timem:s22], [sflag:s6] =	dma.local [hbm:s5], s4  }
0x9e: {  	_ =	swait.ge [sflag:s6], s4  }
0x9f: {  	s4 =	ssub.s32 $0x0, s4;
	[sflag:s6] =	ssyncset.done $0x0  }
0xa0: {  	[sflag:s6] =	ssyncadd.s32 s4;
	_ =	sdelay $0x1  }
0xa1: {  	s23 =	simm.s32 $0x1B8B  }
0xa2: {  	_ =	swait.ge [sflag:s23], $0x1  }
0xa3: {  	[sflag:s23] =	ssyncset.done $0x0  }
0xa4: {  	[sflag:s23] =	ssyncadd.s32 $0xFFFFFFFF  }
0xa5: {  	s4 =	sld [smem:$0x0]  }
0xa6: {  	s5 =	sand.u32 $0xFFFFFFFE, s1  }
0xa7: {  	p0 =	sne.s32 s1, s5  }
0xa8: {  	s5 =	sshll.u32 @p0 s5, $0xE  }
0xa9: {  	s5 =	sadd.s32 @p0 $0x11B8D, s5;
	s6 =	sshll.u32 @p0 s4, $0x11  }
0xaa: {  	s5 =	sor.u32 @p0 s6, s5  }
0xab: {  	[sflag:s5] =	ssyncadd.remote.s32 @p0 $0x1;
	_ =	sdelay $0x1  }
0xac: {  	s5 =	simm.s32 @p0 $0x1B8D  }
0xad: {  	_ =	swait.eq @p0 [sflag:s5], $0x1  }
0xae: {  	[sflag:s5] =	ssyncadd.s32 @p0 $0xFFFFFFFF  }
0xaf: {  	s6 =	sshll.u32 @!p0 s1, $0xE  }
0xb0: {  	s6 =	sor.u32 @!p0 $0x4000, s6;
	s5 =	simm.s32 @!p0 $0x1B8D  }
0xb1: {  	s4 =	sshll.u32 @!p0 s4, $0x11;
	s6 =	sadd.s32 @!p0 $0x11B8D, s6;
	_ =	swait.eq @!p0 [sflag:s5], $0x1  }
0xb2: {  	s4 =	sor.u32 @!p0 s4, s6;
	[sflag:s5] =	ssyncadd.s32 @!p0 $0xFFFFFFFF  }
0xb3: {  	s25 =	simm.s32 $0x1B8E;
	s24 =	sld [smem:$0x3FFE];
	[sflag:s4] =	ssyncadd.remote.s32 @!p0 $0x1  }
0xb4: {  	s26 =	simm.s32 $execute0_lowered;
	[smem:$0x3FD2] =	sst s25  }
0xb5: {  	s5 =	sshll.u32 s26, $0x1;
	_ =	strace $0x8000004C;
	[dreg:$0x1] =	wrdreg $0xFFFFFFFF  }
0xb6: {  	s28 =	simm.s32 $_size_execute0_lowered;
	s3 =	sadd.s32 s3, s5;
	[dreg:$0x0] =	wrdreg $0x0  }
0xb7: {  	s5 =	sshll.u32 s28, $0x1;
	[dreg:$0x2] =	wrdreg s3  }
0xb8: {  	[dreg:$0x3] =	wrdreg s5  }
0xb9: {  	[dreg:$0x4] =	wrdreg $0xC0  }
0xba: {  	_ =	task [dreg:s22], $0x5FFFF  }
0xbb: {  	[dreg:$0x1] =	wrdreg $0xFFFFFFFF  }
0xbc: {  	[dreg:$0x0] =	wrdreg $0x60  }
0xbd: {  	[dreg:$0x2] =	wrdreg s24  }
0xbe: {  	[dreg:$0x3] =	wrdreg $0x9  }
0xbf: {  	_ =	task.clear_ibuf [dreg:s22], $0x4FFFF;
	_ =	strace $0x9000004C  }
0xc0: {  	s29 =	simm.s32 $0x9;
	_ =	strace $0x8000004E  }
0xc1: {  	_ =	swait.ge [sflag:s29], $0x1  }
0xc2: {  	[sflag:s29] =	ssyncadd.s32 $0xFFFFFFFF  }
0xc3: {  	_ =	strace $0x9000004E  }
0xc4: {  	_ =	sfence  }
0xc5: {  	s30 =	sld [smem:$0x0];
	_ =	sdelay $0x2  }
0xc6: {  	s31 =	sshll.u32 s1, $0xD;
	s1 =	sshrl.u32 s1, $0x2  }
0xc7: {  	s4 =	sand.u32 $0x4000, s31;
	s1 =	sadd.s32 s1, s30  }
0xc8: {  	s0 =	sor.u32 s4, s0;
	s1 =	sshll.u32 s1, $0x11  }
0xc9: {  	s0 =	sor.u32 s1, s0  }
0xca: {  	s0 =	sadd.s32 $0x8F2B, s0  }
0xcb: {  	[sflag:s0] =	ssyncadd.remote.s32 $0x1  }
0xcc: {  	_ =	sfence.sel $0xFFFF  }
0xcd: {  	[dreg:$0x0] =	wrdreg $0xFFFFFFFF;
	(pc) =	sbr.abs _section_cstart, $3  }
0xce: {  	[dreg:$0x1] =	wrdreg $0xFFFFFFFF  }
0xcf: {  	_ =	task.clear_ibuf [dreg:s22], $0x2FFFF;
	_ =	strace $0x9FFFFFFF  }
0xd0: {  	(tm) =	ssettm $0x7FFFFFFF  }
0xd1: {  	_ =	shalt  }
tec
execute0_lowered:
.L_overlay_start_1:
0x0: {  	(tag) =	ssettag $0x1  }
0x1: {  	s1 =	srdreg.scid;
	s0 =	stileid.u32  }
0x2: {  	s4 =	rddreg [dreg:$0x0];
	s3 =	sand.u32 $0x1, s1;
	s30 =	sshll.u32 s0, $0x1  }
0x3: {  	s2 =	simm.s32 $0x0;
	s1 =	rddreg [dreg:$0x1];
	s5 =	sor.u32 s3, s30  }
0x4: {  	[smem:$0x7FF] =	sst s2;
	s6 =	ssub.s32 $0x2, s3;
	s5 =	smul.u32 $0x680, s5  }
0x5: {  	_ =	strace $0x8000004D;
	s3 =	sadd.s32 $0x2800, s4;
	s8 =	sshrl.u32 s6, $0x1  }
0x6: {  	s6 =	ssub.s32 s6, s8;
	s8 =	simm.s32 $0x0;
	s7 =	sshrl.u32 s5, $0x3  }
0x7: {  	v0 =	vmov s5;
	s31 =	sadd.s32 $0x680, s5;
	s5 =	smax.u32 s6, $0x1;
	s4 =	sadd.s32 s7, s4  }
0x8: {  	v2 =	vimm.f32 $0.0e+00;
	v3 =	vimm.f32 $1.000000000e+00;
	s6 =	simm.s32 $0x1;
	v1 =	vmov s31;
	s7 =	simm.s32 $0x1E00;
	s4 =	sadd.s32 $0x4BC00, s4  }
.LBB2_1:
0x9: {  	[tilespmem:s2], [sflag:$0x1] =	stream.linear.gather [hbm4b:s3+s2], $0x1E00, $0x38;
	[tilespmem:$0x2480] =	vst v63  }
0xa: {  	_ =	swait.ge [sflag:s6], $0x1E00  }
0xb: {  	[sflag:s6] =	ssyncset.done $0x0  }
0xc: {  	s9 =	simm.s32 $0x0;
	[sflag:s6] =	ssyncadd.s32 $0xFFFFE200  }
.LBB2_2:
0xd: {  	p0 =	sne.s32 s9, $0x19C0  }
.Ltmp0:
0xe: {  	_ = 	snop;
	(pc) =	sbr.rel @p0 .LBB2_2-.Ltmp0, $3  }
0xf: {  	_ =	sdelay $0x1  }
0x10: {  	s10 =	sshra.s32 s9, $0x2  }
0x11: {  	s9 =	sadd.s32 $0x40, s9;
	[tilespmem:s10+$0x1E00] =	vst v2  }
0x12: {  	s10 =	simm.s32 $0x0;
	s9 =	simm.s32 $0x40  }
.LBB2_4:
0x13: {  	p0 =	sne.s32 s9, $0x77C0;
	v4 =	vld [tilespmem:s10+$0x0];
	_ =	sdelay $0x4  }
0x14: {  	vm0 =	vge.s32 v4, v0;
	vm1 =	vlt.s32 v4, v1;
	v5 =	vsub.s32 v4, v0  }
0x15: {  	v4 =	vand.u32 $0x7F, v4;
	vm0 =	vmand vm0, vm1;
	v5 =	vand.u32 $0xFFFFFF80, v5  }
0x16: {  	v4 =	vor.u32 v4, v5  }
.Ltmp1:
0x17: {  	(pc) =	sbr.rel @p0 .LBB2_4-.Ltmp1, $2  }
0x18: {  	_ =	sdelay $0x2  }
0x19: {  	s10 =	sshra.s32 s9, $0x2;
	s9 =	sadd.s32 $0x40, s9;
	[tilespmem:v4+s7+$0x0] =	vst.idx.msk vm0, v3  }
0x1a: {  	v4 =	vld [tilespmem:s10+$0x0];
	_ =	sdelay $0x4  }
0x1b: {  	vm0 =	vge.s32 v4, v0;
	vm1 =	vlt.s32 v4, v1;
	v5 =	vsub.s32 v4, v0  }
0x1c: {  	v4 =	vand.u32 $0x7F, v4;
	vm0 =	vmand vm0, vm1;
	v5 =	vand.u32 $0xFFFFFF80, v5  }
0x1d: {  	v4 =	vor.u32 v4, v5;
	_ =	sdelay $0x2  }
0x1e: {  	s8 =	sadd.s32 $0x1, s8  }
0x1f: {  	p0 =	sne.s32 s8, s5  }
.Ltmp2:
0x20: {  	[tilespmem:v4+s7+$0x0] =	vst.idx.msk vm0, v3;
	(pc) =	sbr.rel @p0 .LBB2_1-.Ltmp2, $4  }
0x21: {  	[hbm4b:s4+s2] =	stream.linear.scatter [tilespmem:s7], [sflag:$0x1], $0x680, $0x38;
	[tilespmem:$0x2480] =	vst v63  }
0x22: {  	_ =	swait.ge [sflag:s6], $0x680  }
0x23: {  	[sflag:s6] =	ssyncset.done $0x0  }
0x24: {  	[sflag:s6] =	ssyncadd.s32 $0xFFFFF980  }
0x25: {  	_ =	sfence.sel $0x180000  }
0x26: {  	[bflag:$0x0] =	sbarrier.arrive $0xFFFF  }
0x27: {  	p0 =	sne.s32 s0, $0x0;
	_ =	strace $0x9000004D  }
0x28: {  	s0 =	sadd.s32 @!p0 $0x100000, s1;
	[bflag:$0x2] =	sbarrier.arrive $0xFFFF  }
0x29: {  	[sflag:s0] =	ssyncadd.tile.s32 @!p0 $0x1;
	_ =	shalt  }
.Lfunc_end2:
_tile_overlayer_lowered:
.L_overlay_start_2:
0x2a: {  	(tag) =	ssettag $0x2  }
0x2b: {  	s0 =	rddreg [dreg:$0x0];
	s2 =	stileid.u32  }
0x2c: {  	s1 =	rddreg [dreg:$0x1];
	p0 =	sne.s32 s2, $0x0  }
0x2d: {  	s3 =	rddreg [dreg:$0x2];
	[bflag:$0x3] =	sbarrier.arrive $0xFFFF;
	s2 =	simm.s32 @!p0 $0x1C01  }
0x2e: {  	[timem:s3], [sflag:s2] =	dma.local @!p0 [hbm:s0], s1  }
0x2f: {  	s0 =	simm.s32 @!p0 $0x1  }
0x30: {  	_ =	swait.ge @!p0 [sflag:s0], s1  }
0x31: {  	s1 =	ssub.s32 @!p0 $0x0, s1;
	[sflag:s0] =	ssyncset.done @!p0 $0x0  }
0x32: {  	[sflag:s0] =	ssyncadd.s32 @!p0 s1  }
0x33: {  	[bflag:$0x3] =	sbarrier.arrive $0xFFFF  }
0x34: {  	_ =	shalt  }

</sc_bundles>
